<compile_context>
chip_gen: v7x
topology: tpu7x:2x2x1
jax: 0.10.2.dev20260603
libtpu: 0.0.44.dev20260713+nightly
codegen_flags: <defaults>
</compile_context>

<pallas_src>
import functools

import jax
import jax.numpy as jnp
from jax import lax
from jax.experimental import pallas as pl
from jax.experimental.pallas import tpu as pltpu
from jax.experimental.pallas import tpu_sc as plsc

N = 10000
E = 320000
NP = 10112
NZ = NP // 16
NC = 2
NS = 16
KP = 125
EP = 320000
ROWS = EP // KP

_MESH = plsc.VectorSubcoreMesh(core_axis_name="c", subcore_axis_name="s")


def _degrees(ei2d, zeros128, ones128):
    rpw = ROWS // NS
    FIRE = 8

    @functools.partial(
        pl.kernel,
        out_type=jax.ShapeDtypeStruct((NC, NP, 128), jnp.float32),
        mesh=_MESH,
        scratch_types=[
            pltpu.VMEM((rpw, KP), jnp.int32),
            pltpu.VMEM((KP, 128), jnp.float32),
            pltpu.VMEM_SHARED((NP, 128), jnp.float32),
            pltpu.SemaphoreType.DMA,
        ],
    )
    def deg_kernel(ei_hbm, z_hbm, o_hbm, out_hbm, idx_v, ones_v, acc, sem):
        c = lax.axis_index("c")
        s = lax.axis_index("s")
        pltpu.sync_copy(o_hbm, ones_v)
        pltpu.sync_copy(z_hbm.at[pl.ds(s * NZ, NZ)], acc.at[pl.ds(s * NZ, NZ)])
        pltpu.sync_copy(ei_hbm.at[pl.ds(c * ROWS + s * rpw, rpw)], idx_v)
        plsc.subcore_barrier()

        @pl.loop(0, rpw, step=FIRE)
        def _(i):
            for b in range(FIRE):
                pltpu.async_copy(ones_v, acc.at[idx_v.at[i + b]], sem, add=True)
            for b in range(FIRE):
                pltpu.make_async_copy(o_hbm, ones_v, sem).wait()

        plsc.subcore_barrier()
        pltpu.async_copy(
            acc.at[pl.ds(s * NZ, NZ)], out_hbm.at[c].at[pl.ds(s * NZ, NZ)], sem
        ).wait()

    return deg_kernel(ei2d, zeros128, ones128)


def _propagate(g, src2d, dst2d, zeros128):
    rpw = ROWS // (NC * NS)
    rps = 40
    SEG = rpw // rps

    @functools.partial(
        pl.kernel,
        out_type=jax.ShapeDtypeStruct((NC, NP, 128), jnp.float32),
        mesh=_MESH,
        scratch_types=[
            pltpu.VMEM((rps, KP), jnp.int32),
            pltpu.VMEM((rps, KP), jnp.int32),
            pltpu.VMEM((KP, 128), jnp.float32),
            pltpu.VMEM((KP, 128), jnp.float32),
            pltpu.VMEM_SHARED((NP, 128), jnp.float32),
            pltpu.SemaphoreType.DMA,
            pltpu.SemaphoreType.DMA,
        ],
    )
    def prop_kernel(g_hbm, s_hbm, d_hbm, z_hbm, out_hbm,
                    sidx, didx, rows0, rows1, acc, sem0, sem1):
        c = lax.axis_index("c")
        s = lax.axis_index("s")
        r0 = (c * NS + s) * rpw
        pltpu.sync_copy(z_hbm.at[pl.ds(s * NZ, NZ)], acc.at[pl.ds(s * NZ, NZ)])
        plsc.subcore_barrier()

        rows = (rows0, rows1)
        sems = (sem0, sem1)

        @pl.loop(0, SEG)
        def _(seg):
            rseg = r0 + seg * rps
            pltpu.sync_copy(s_hbm.at[pl.ds(rseg, rps)], sidx)
            pltpu.sync_copy(d_hbm.at[pl.ds(rseg, rps)], didx)
            pltpu.async_copy(g_hbm.at[sidx.at[0]], rows0, sem0)
            pltpu.async_copy(g_hbm.at[sidx.at[1]], rows1, sem1)

            @pl.loop(0, rps, step=2)
            def _(i):
                for b in range(2):
                    j = i + b
                    pltpu.make_async_copy(g_hbm.at[sidx.at[j]], rows[b], sems[b]).wait()
                    pltpu.sync_copy(rows[b], acc.at[didx.at[j]], add=True)

                    @pl.when(j + 2 < rps)
                    def _():
                        pltpu.async_copy(g_hbm.at[sidx.at[j + 2]], rows[b], sems[b])

        plsc.subcore_barrier()
        pltpu.async_copy(
            acc.at[pl.ds(s * NZ, NZ)], out_hbm.at[c].at[pl.ds(s * NZ, NZ)], sem0
        ).wait()

    return prop_kernel(g, src2d, dst2d, zeros128)


_BLK = 632


def _norm(deg_blk):
    return lax.rsqrt(jnp.clip(deg_blk[:, :1], 1.0, None))


def _matmul(x, W):
    def body(x_ref, w_ref, o_ref):
        o_ref[...] = jnp.dot(x_ref[...], w_ref[...], precision=lax.Precision.HIGHEST,
                             preferred_element_type=jnp.float32)

    m, k = x.shape
    n = W.shape[1]
    return pl.pallas_call(
        body,
        grid=(m // _BLK,),
        in_specs=[
            pl.BlockSpec((_BLK, k), lambda i: (i, 0)),
            pl.BlockSpec((k, n), lambda i: (0, 0)),
        ],
        out_specs=pl.BlockSpec((_BLK, n), lambda i: (i, 0)),
        out_shape=jax.ShapeDtypeStruct((m, n), jnp.float32),
    )(x, W)


def _scale_rows(z, deg):
    def body(z_ref, d_ref, o_ref):
        o_ref[...] = z_ref[...] * _norm(d_ref[...])

    m, n = z.shape
    return pl.pallas_call(
        body,
        grid=(m // _BLK,),
        in_specs=[
            pl.BlockSpec((_BLK, n), lambda i: (i, 0)),
            pl.BlockSpec((_BLK, 128), lambda i: (i, 0)),
        ],
        out_specs=pl.BlockSpec((_BLK, n), lambda i: (i, 0)),
        out_shape=jax.ShapeDtypeStruct((m, n), jnp.float32),
    )(z, deg)


def _fused_layer(ppart, deg_in, deg_out, b, W):
    def body(p_ref, di_ref, do_ref, b_ref, w_ref, o_ref):
        p = p_ref[0] + p_ref[1]
        h = jax.nn.relu(p * _norm(di_ref[...]) + b_ref[...])
        o_ref[...] = jnp.dot(h, w_ref[...], precision=lax.Precision.HIGHEST,
                             preferred_element_type=jnp.float32) * _norm(do_ref[...])

    _, m, k = ppart.shape
    n = W.shape[1]
    return pl.pallas_call(
        body,
        grid=(m // _BLK,),
        in_specs=[
            pl.BlockSpec((NC, _BLK, k), lambda i: (0, i, 0)),
            pl.BlockSpec((_BLK, 128), lambda i: (i, 0)),
            pl.BlockSpec((_BLK, 128), lambda i: (i, 0)),
            pl.BlockSpec((1, k), lambda i: (0, 0)),
            pl.BlockSpec((k, n), lambda i: (0, 0)),
        ],
        out_specs=pl.BlockSpec((_BLK, n), lambda i: (i, 0)),
        out_shape=jax.ShapeDtypeStruct((m, n), jnp.float32),
    )(ppart, deg_in, deg_out, b, W)


def _act_scale(ppart, deg_in, deg_out, b):
    def body(p_ref, di_ref, do_ref, b_ref, o_ref):
        p = p_ref[0] + p_ref[1]
        h = jax.nn.relu(p * _norm(di_ref[...]) + b_ref[...])
        o_ref[...] = h * _norm(do_ref[...])

    _, m, k = ppart.shape
    return pl.pallas_call(
        body,
        grid=(m // _BLK,),
        in_specs=[
            pl.BlockSpec((NC, _BLK, k), lambda i: (0, i, 0)),
            pl.BlockSpec((_BLK, 128), lambda i: (i, 0)),
            pl.BlockSpec((_BLK, 128), lambda i: (i, 0)),
            pl.BlockSpec((1, k), lambda i: (0, 0)),
        ],
        out_specs=pl.BlockSpec((_BLK, k), lambda i: (i, 0)),
        out_shape=jax.ShapeDtypeStruct((m, k), jnp.float32),
    )(ppart, deg_in, deg_out, b)


def _final_layer(ppart, deg_in, b, W):
    def body(p_ref, di_ref, b_ref, w_ref, o_ref):
        p = p_ref[0] + p_ref[1]
        m = p * _norm(di_ref[...])
        o_ref[...] = jnp.dot(m, w_ref[...], precision=lax.Precision.HIGHEST,
                             preferred_element_type=jnp.float32) + b_ref[...]

    _, m, k = ppart.shape
    n = W.shape[1]
    return pl.pallas_call(
        body,
        grid=(m // _BLK,),
        in_specs=[
            pl.BlockSpec((NC, _BLK, k), lambda i: (0, i, 0)),
            pl.BlockSpec((_BLK, 128), lambda i: (i, 0)),
            pl.BlockSpec((1, n), lambda i: (0, 0)),
            pl.BlockSpec((k, n), lambda i: (0, 0)),
        ],
        out_specs=pl.BlockSpec((_BLK, n), lambda i: (i, 0)),
        out_shape=jax.ShapeDtypeStruct((m, n), jnp.float32),
    )(ppart, deg_in, b, W)


def kernel(x, edge_index, W0, b0, W1, b1, W2, b2):
    assert x.shape == (N, 128) and edge_index.shape == (2, E)
    pad = jnp.full((EP - E,), N, jnp.int32)
    src2d = jnp.concatenate(
        [edge_index[0].astype(jnp.int32), pad]).reshape(ROWS, KP)
    dst2d = jnp.concatenate(
        [edge_index[1].astype(jnp.int32), pad]).reshape(ROWS, KP)

    C = W2.shape[1]
    W2p = jnp.pad(W2, ((0, 0), (0, 64 - C)))
    b2p = jnp.pad(b2, (0, 64 - C))

    xp = jnp.pad(x, ((0, NP - N), (0, 0)))

    zeros128 = jnp.zeros((NP, 128), jnp.float32)
    ones128 = jnp.ones((KP, 128), jnp.float32)

    ei2d = jnp.concatenate([src2d, dst2d], axis=0)
    degs = _degrees(ei2d, zeros128, ones128)
    z0 = _matmul(xp, W0)
    deg_out = degs[0]
    deg_in = degs[1]

    g0 = _scale_rows(z0, deg_out)
    p0 = _propagate(g0, src2d, dst2d, zeros128)
    g1 = _fused_layer(p0, deg_in, deg_out, b0.reshape(1, -1), W1)
    p1 = _propagate(g1, src2d, dst2d, zeros128)
    g2 = _act_scale(p1, deg_in, deg_out, b1.reshape(1, -1))
    p2 = _propagate(g2, src2d, dst2d, zeros128)
    out = _final_layer(p2, deg_in, b2p.reshape(1, -1), W2p)
    return out[:N, :C]

# --- scband reference (transcript-rebuilt; emitter-appended) ---
"""Pipeline reference for scband-gcn-45483703665321 (READ-ONLY COPY).

The authoritative reference and input builder live on the scoring server;
editing this copy changes nothing except your own understanding.
"""

import jax, jax.numpy as jnp
import numpy as np

N = 10000
E = 320000
D = 128
H = 128
C = 40


def setup_inputs(seed: int = 0) -> dict:
    key = jax.random.key(seed)
    ks = jax.random.split(key, 9)
    x = jax.random.normal(ks[0], (N, D), dtype=jnp.float32)
    edge_index = jax.random.randint(ks[1], (2, E), 0, N)
    W0 = jax.random.normal(ks[2], (D, H), dtype=jnp.float32) * (1.0 / np.sqrt(D))
    b0 = jnp.zeros((H,), dtype=jnp.float32)
    W1 = jax.random.normal(ks[3], (H, H), dtype=jnp.float32) * (1.0 / np.sqrt(H))
    b1 = jnp.zeros((H,), dtype=jnp.float32)
    W2 = jax.random.normal(ks[4], (H, C), dtype=jnp.float32) * (1.0 / np.sqrt(H))
    b2 = jnp.zeros((C,), dtype=jnp.float32)
    return {"x": x, "edge_index": edge_index, "W0": W0, "b0": b0, "W1": W1, "b1": b1, "W2": W2, "b2": b2}


def _graph_conv(h, src, dst, norm_src, norm_dst, W, b, act):
    # DGL GraphConv with norm='both': D^{-1/2} A D^{-1/2} X W + b
    h = h * norm_src[:, None]
    m = jax.ops.segment_sum(h[src], dst, num_segments=N)
    m = m * norm_dst[:, None]
    out = m @ W + b
    if act:
        out = jax.nn.relu(out)
    return out


def reference(x, edge_index, W0, b0, W1, b1, W2, b2):
    src = edge_index[0]
    dst = edge_index[1]
    ones = jnp.ones((E,), dtype=jnp.float32)
    deg_out = jax.ops.segment_sum(ones, src, num_segments=N)
    deg_in = jax.ops.segment_sum(ones, dst, num_segments=N)
    norm_src = jnp.power(jnp.clip(deg_out, 1.0, None), -0.5)
    norm_dst = jnp.power(jnp.clip(deg_in, 1.0, None), -0.5)
    # dropout is identity in eval mode
    h = _graph_conv(x, src, dst, norm_src, norm_dst, W0, b0, True)
    h = _graph_conv(h, src, dst, norm_src, norm_dst, W1, b1, True)
    h = _graph_conv(h, src, dst, norm_src, norm_dst, W2, b2, False)
    return h

if __name__ == "__main__":
    import jax
    _d = setup_inputs()
    print(jax.jit(kernel)(*tuple(_d.values())))

</pallas_src>

<mosaic_0001>
#map = affine_map<(d0, d1) -> (0, 0)>
#map1 = affine_map<(d0, d1) -> (0, 0, 0)>
module attributes {stable_mosaic.version = 14 : i64} {
  func.func @prop_kernel(%arg0: i32, %arg1: i32, %arg2: memref<10112x128xf32, #tpu.memory_space<hbm>>, %arg3: memref<2560x125xi32, #tpu.memory_space<hbm>>, %arg4: memref<2560x125xi32, #tpu.memory_space<hbm>>, %arg5: memref<10112x128xf32, #tpu.memory_space<hbm>>, %arg6: memref<2x10112x128xf32, #tpu.memory_space<hbm>>, %arg7: memref<40x125xi32, #tpu.memory_space<vmem>>, %arg8: memref<40x125xi32, #tpu.memory_space<vmem>>, %arg9: memref<125x128xf32, #tpu.memory_space<vmem>>, %arg10: memref<125x128xf32, #tpu.memory_space<vmem>>, %arg11: memref<10112x128xf32, #tpu.memory_space<vmem_shared>>, %arg12: memref<!tpu.dma_semaphore, #tpu.memory_space<semaphore_mem>>, %arg13: memref<!tpu.dma_semaphore, #tpu.memory_space<semaphore_mem>>) attributes {dimension_semantics = [#tpu.dimension_semantics<core_parallel>, #tpu.dimension_semantics<subcore_parallel>], iteration_bounds = array<i64: 2, 16>, scalar_prefetch = 0 : i64, scratch_operands = 7 : i64, tpu.core_type = #tpu.core_type<sc_vector_subcore>, window_params = [{transform_indices = #map}, {transform_indices = #map}, {transform_indices = #map}, {transform_indices = #map}, {transform_indices = #map1}]} {
    %mul3A = arith.constant 16 : i32
    %mul3A_0 = arith.muli %arg0, %mul3A : i32
    %add3A = arith.addi %mul3A_0, %arg1 : i32
    %mul3A_1 = arith.constant 80 : i32
    %mul3A_2 = arith.muli %add3A, %mul3A_1 : i32
    %mul3A_3 = arith.constant 632 : i32
    %mul3A_4 = arith.muli %arg1, %mul3A_3 : i32
    %mul3A_5 = arith.constant 632 : i32
    %mul3A_6 = arith.muli %arg1, %mul3A_5 : i32
    "tpu.region"() ({
      %run_scoped3A = tpu.sem_alloc : memref<!tpu.dma_semaphore, #tpu.memory_space<semaphore_mem>>
      %dma_start3A_30 = arith.constant 0 : i32
      %dma_start3A_31 = tpu.memref_slice %arg11[%mul3A_6, %dma_start3A_30] : memref<10112x128xf32, #tpu.memory_space<vmem_shared>> -> memref<632x128xf32, #tpu.memory_space<vmem_shared>>
      %dma_start3A_32 = arith.constant 0 : i32
      %dma_start3A_33 = tpu.memref_slice %arg5[%mul3A_4, %dma_start3A_32] : memref<10112x128xf32, #tpu.memory_space<hbm>> -> memref<632x128xf32, #tpu.memory_space<hbm>>
      tpu.enqueue_dma source(%dma_start3A_33 : memref<632x128xf32, #tpu.memory_space<hbm>>) target(%dma_start3A_31 : memref<632x128xf32, #tpu.memory_space<vmem_shared>>) target_semaphore(%run_scoped3A : memref<!tpu.dma_semaphore, #tpu.memory_space<semaphore_mem>>)
      %dma_wait3A_34 = arith.constant 0 : i32
      %dma_wait3A_35 = tpu.memref_slice %arg11[%mul3A_6, %dma_wait3A_34] : memref<10112x128xf32, #tpu.memory_space<vmem_shared>> -> memref<632x128xf32, #tpu.memory_space<vmem_shared>>
      %dma_wait3A_36 = arith.constant 0 : i32
      %dma_wait3A_37 = tpu.memref_slice %arg5[%mul3A_4, %dma_wait3A_36] : memref<10112x128xf32, #tpu.memory_space<hbm>> -> memref<632x128xf32, #tpu.memory_space<hbm>>
      tpu.wait_dma2 semaphore(%run_scoped3A : memref<!tpu.dma_semaphore, #tpu.memory_space<semaphore_mem>>) src(%dma_wait3A_37 : memref<632x128xf32, #tpu.memory_space<hbm>>) dst(%dma_wait3A_35 : memref<632x128xf32, #tpu.memory_space<vmem_shared>>)
      tpu.yield
    }) : () -> ()
    %barrier3A = arith.constant 0 : index
    tpu.barrier barrier_id(%barrier3A)
    %scan3A = arith.constant 0 : i32
    %scan3A_7 = arith.constant 2 : i32
    %scan3A_8 = arith.addi %scan3A, %scan3A_7 : i32
    %scan3A_9 = arith.constant 1 : i32
    scf.for %scan3A_30 = %scan3A to %scan3A_8 step %scan3A_9  : i32 {
      %mul3A_31 = arith.constant 1 : i32
      %mul3A_32 = arith.muli %scan3A_30, %mul3A_31 : i32
      %add3A_33 = arith.constant 0 : i32
      %add3A_34 = arith.addi %add3A_33, %mul3A_32 : i32
      %mul3A_35 = arith.constant 40 : i32
      %mul3A_36 = arith.muli %add3A_34, %mul3A_35 : i32
      %add3A_37 = arith.addi %mul3A_2, %mul3A_36 : i32
      "tpu.region"() ({
        %run_scoped3A = tpu.sem_alloc : memref<!tpu.dma_semaphore, #tpu.memory_space<semaphore_mem>>
        %dma_start3A_57 = arith.constant 0 : i32
        %dma_start3A_58 = tpu.memref_slice %arg3[%add3A_37, %dma_start3A_57] : memref<2560x125xi32, #tpu.memory_space<hbm>> -> memref<40x125xi32, #tpu.memory_space<hbm>>
        %dma_start3A_59 = arith.constant 0 : i32
        %dma_start3A_60 = tpu.memref_slice %arg3[%add3A_37, %dma_start3A_59] : memref<2560x125xi32, #tpu.memory_space<hbm>> -> memref<40x125xi32, #tpu.memory_space<hbm>>
        tpu.enqueue_dma source(%dma_start3A_60 : memref<40x125xi32, #tpu.memory_space<hbm>>) target(%arg7 : memref<40x125xi32, #tpu.memory_space<vmem>>) target_semaphore(%run_scoped3A : memref<!tpu.dma_semaphore, #tpu.memory_space<semaphore_mem>>)
        %dma_wait3A_61 = arith.constant 0 : i32
        %dma_wait3A_62 = tpu.memref_slice %arg3[%add3A_37, %dma_wait3A_61] : memref<2560x125xi32, #tpu.memory_space<hbm>> -> memref<40x125xi32, #tpu.memory_space<hbm>>
        %dma_wait3A_63 = arith.constant 0 : i32
        %dma_wait3A_64 = tpu.memref_slice %arg3[%add3A_37, %dma_wait3A_63] : memref<2560x125xi32, #tpu.memory_space<hbm>> -> memref<40x125xi32, #tpu.memory_space<hbm>>
        tpu.wait_dma2 semaphore(%run_scoped3A : memref<!tpu.dma_semaphore, #tpu.memory_space<semaphore_mem>>) src(%dma_wait3A_64 : memref<40x125xi32, #tpu.memory_space<hbm>>) dst(%arg7 : memref<40x125xi32, #tpu.memory_space<vmem>>)
        tpu.yield
      }) : () -> ()
      "tpu.region"() ({
        %run_scoped3A = tpu.sem_alloc : memref<!tpu.dma_semaphore, #tpu.memory_space<semaphore_mem>>
        %dma_start3A_57 = arith.constant 0 : i32
        %dma_start3A_58 = tpu.memref_slice %arg4[%add3A_37, %dma_start3A_57] : memref<2560x125xi32, #tpu.memory_space<hbm>> -> memref<40x125xi32, #tpu.memory_space<hbm>>
        %dma_start3A_59 = arith.constant 0 : i32
        %dma_start3A_60 = tpu.memref_slice %arg4[%add3A_37, %dma_start3A_59] : memref<2560x125xi32, #tpu.memory_space<hbm>> -> memref<40x125xi32, #tpu.memory_space<hbm>>
        tpu.enqueue_dma source(%dma_start3A_60 : memref<40x125xi32, #tpu.memory_space<hbm>>) target(%arg8 : memref<40x125xi32, #tpu.memory_space<vmem>>) target_semaphore(%run_scoped3A : memref<!tpu.dma_semaphore, #tpu.memory_space<semaphore_mem>>)
        %dma_wait3A_61 = arith.constant 0 : i32
        %dma_wait3A_62 = tpu.memref_slice %arg4[%add3A_37, %dma_wait3A_61] : memref<2560x125xi32, #tpu.memory_space<hbm>> -> memref<40x125xi32, #tpu.memory_space<hbm>>
        %dma_wait3A_63 = arith.constant 0 : i32
        %dma_wait3A_64 = tpu.memref_slice %arg4[%add3A_37, %dma_wait3A_63] : memref<2560x125xi32, #tpu.memory_space<hbm>> -> memref<40x125xi32, #tpu.memory_space<hbm>>
        tpu.wait_dma2 semaphore(%run_scoped3A : memref<!tpu.dma_semaphore, #tpu.memory_space<semaphore_mem>>) src(%dma_wait3A_64 : memref<40x125xi32, #tpu.memory_space<hbm>>) dst(%arg8 : memref<40x125xi32, #tpu.memory_space<vmem>>)
        tpu.yield
      }) : () -> ()
      %dma_start3A_38 = arith.constant 0 : i32
      %dma_start3A_39 = arith.constant 0 : i32
      %dma_start3A_40 = tpu.memref_slice %arg7[%dma_start3A_38, %dma_start3A_39] : memref<40x125xi32, #tpu.memory_space<vmem>> -> memref<1x125xi32, #tpu.memory_space<vmem>>
      %dma_start3A_41 = tpu.memref_squeeze %dma_start3A_40 : memref<1x125xi32, #tpu.memory_space<vmem>> -> memref<125xi32, #tpu.memory_space<vmem>>
      %dma_start3A_42 = arith.constant 0 : i32
      %dma_start3A_43 = arith.constant 0 : i32
      %dma_start3A_44 = tpu.memref_slice %arg2[%dma_start3A_42, %dma_start3A_43] : memref<10112x128xf32, #tpu.memory_space<hbm>> -> memref<10112x128xf32, #tpu.memory_space<hbm>>
      tpu.enqueue_indirect_dma source(%dma_start3A_44 : memref<10112x128xf32, #tpu.memory_space<hbm>>) target(%arg9 : memref<125x128xf32, #tpu.memory_space<vmem>>) offsets(%dma_start3A_41 : memref<125xi32, #tpu.memory_space<vmem>>) semaphore(%arg12 : memref<!tpu.dma_semaphore, #tpu.memory_space<semaphore_mem>>)
      %dma_start3A_45 = arith.constant 1 : i32
      %dma_start3A_46 = arith.constant 0 : i32
      %dma_start3A_47 = tpu.memref_slice %arg7[%dma_start3A_45, %dma_start3A_46] : memref<40x125xi32, #tpu.memory_space<vmem>> -> memref<1x125xi32, #tpu.memory_space<vmem>>
      %dma_start3A_48 = tpu.memref_squeeze %dma_start3A_47 : memref<1x125xi32, #tpu.memory_space<vmem>> -> memref<125xi32, #tpu.memory_space<vmem>>
      %dma_start3A_49 = arith.constant 0 : i32
      %dma_start3A_50 = arith.constant 0 : i32
      %dma_start3A_51 = tpu.memref_slice %arg2[%dma_start3A_49, %dma_start3A_50] : memref<10112x128xf32, #tpu.memory_space<hbm>> -> memref<10112x128xf32, #tpu.memory_space<hbm>>
      tpu.enqueue_indirect_dma source(%dma_start3A_51 : memref<10112x128xf32, #tpu.memory_space<hbm>>) target(%arg10 : memref<125x128xf32, #tpu.memory_space<vmem>>) offsets(%dma_start3A_48 : memref<125xi32, #tpu.memory_space<vmem>>) semaphore(%arg13 : memref<!tpu.dma_semaphore, #tpu.memory_space<semaphore_mem>>)
      %scan3A_52 = arith.constant 0 : i32
      %scan3A_53 = arith.constant 20 : i32
      %scan3A_54 = arith.addi %scan3A_52, %scan3A_53 : i32
      %scan3A_55 = arith.constant 1 : i32
      scf.for %scan3A_57 = %scan3A_52 to %scan3A_54 step %scan3A_55  : i32 {
        %mul3A_58 = arith.constant 2 : i32
        %mul3A_59 = arith.muli %scan3A_57, %mul3A_58 : i32
        %add3A_60 = arith.constant 0 : i32
        %add3A_61 = arith.addi %add3A_60, %mul3A_59 : i32
        %add3A_62 = arith.constant 0 : i32
        %add3A_63 = arith.addi %add3A_61, %add3A_62 : i32
        %dma_wait3A_64 = arith.constant 0 : i32
        %dma_wait3A_65 = tpu.memref_slice %arg7[%add3A_63, %dma_wait3A_64] : memref<40x125xi32, #tpu.memory_space<vmem>> -> memref<1x125xi32, #tpu.memory_space<vmem>>
        %dma_wait3A_66 = tpu.memref_squeeze %dma_wait3A_65 : memref<1x125xi32, #tpu.memory_space<vmem>> -> memref<125xi32, #tpu.memory_space<vmem>>
        %dma_wait3A_67 = arith.constant 0 : i32
        %dma_wait3A_68 = arith.constant 0 : i32
        %dma_wait3A_69 = tpu.memref_slice %arg2[%dma_wait3A_67, %dma_wait3A_68] : memref<10112x128xf32, #tpu.memory_space<hbm>> -> memref<10112x128xf32, #tpu.memory_space<hbm>>
        tpu.wait_indirect_dma semaphore(%arg12 : memref<!tpu.dma_semaphore, #tpu.memory_space<semaphore_mem>>) src(%dma_wait3A_69 : memref<10112x128xf32, #tpu.memory_space<hbm>>) dst(%arg9 : memref<125x128xf32, #tpu.memory_space<vmem>>)
        "tpu.region"() ({
          %run_scoped3A = tpu.sem_alloc : memref<!tpu.dma_semaphore, #tpu.memory_space<semaphore_mem>>
          %dma_start3A_89 = arith.constant 0 : i32
          %dma_start3A_90 = tpu.memref_slice %arg8[%add3A_63, %dma_start3A_89] : memref<40x125xi32, #tpu.memory_space<vmem>> -> memref<1x125xi32, #tpu.memory_space<vmem>>
          %dma_start3A_91 = tpu.memref_squeeze %dma_start3A_90 : memref<1x125xi32, #tpu.memory_space<vmem>> -> memref<125xi32, #tpu.memory_space<vmem>>
          %dma_start3A_92 = arith.constant 0 : i32
          %dma_start3A_93 = arith.constant 0 : i32
          %dma_start3A_94 = tpu.memref_slice %arg11[%dma_start3A_92, %dma_start3A_93] : memref<10112x128xf32, #tpu.memory_space<vmem_shared>> -> memref<10112x128xf32, #tpu.memory_space<vmem_shared>>
          tpu.enqueue_indirect_dma source(%arg9 : memref<125x128xf32, #tpu.memory_space<vmem>>) target(%dma_start3A_94 : memref<10112x128xf32, #tpu.memory_space<vmem_shared>>) offsets(%dma_start3A_91 : memref<125xi32, #tpu.memory_space<vmem>>) semaphore(%run_scoped3A : memref<!tpu.dma_semaphore, #tpu.memory_space<semaphore_mem>>) {add = true}
          %dma_wait3A_95 = arith.constant 0 : i32
          %dma_wait3A_96 = tpu.memref_slice %arg8[%add3A_63, %dma_wait3A_95] : memref<40x125xi32, #tpu.memory_space<vmem>> -> memref<1x125xi32, #tpu.memory_space<vmem>>
          %dma_wait3A_97 = tpu.memref_squeeze %dma_wait3A_96 : memref<1x125xi32, #tpu.memory_space<vmem>> -> memref<125xi32, #tpu.memory_space<vmem>>
          %dma_wait3A_98 = arith.constant 0 : i32
          %dma_wait3A_99 = arith.constant 0 : i32
          %dma_wait3A_100 = tpu.memref_slice %arg11[%dma_wait3A_98, %dma_wait3A_99] : memref<10112x128xf32, #tpu.memory_space<vmem_shared>> -> memref<10112x128xf32, #tpu.memory_space<vmem_shared>>
          tpu.wait_indirect_dma semaphore(%run_scoped3A : memref<!tpu.dma_semaphore, #tpu.memory_space<semaphore_mem>>) src(%arg9 : memref<125x128xf32, #tpu.memory_space<vmem>>) dst(%dma_wait3A_100 : memref<10112x128xf32, #tpu.memory_space<vmem_shared>>)
          tpu.yield
        }) : () -> ()
        %add3A_70 = arith.constant 2 : i32
        %add3A_71 = arith.addi %add3A_63, %add3A_70 : i32
        %lt3A = arith.constant 40 : i32
        %lt3A_72 = arith.cmpi slt, %add3A_71, %lt3A : i32
        %convert_element_type3A = arith.extui %lt3A_72 : i1 to i32
        %cond3A = arith.constant 0 : i32
        %cond3A_73 = arith.cmpi ne, %convert_element_type3A, %cond3A : i32
        scf.if %cond3A_73 {
          %add3A_89 = arith.constant 2 : i32
          %add3A_90 = arith.addi %add3A_63, %add3A_89 : i32
          %dma_start3A_91 = arith.constant 0 : i32
          %dma_start3A_92 = tpu.memref_slice %arg7[%add3A_90, %dma_start3A_91] : memref<40x125xi32, #tpu.memory_space<vmem>> -> memref<1x125xi32, #tpu.memory_space<vmem>>
          %dma_start3A_93 = tpu.memref_squeeze %dma_start3A_92 : memref<1x125xi32, #tpu.memory_space<vmem>> -> memref<125xi32, #tpu.memory_space<vmem>>
          %dma_start3A_94 = arith.constant 0 : i32
          %dma_start3A_95 = arith.constant 0 : i32
          %dma_start3A_96 = tpu.memref_slice %arg2[%dma_start3A_94, %dma_start3A_95] : memref<10112x128xf32, #tpu.memory_space<hbm>> -> memref<10112x128xf32, #tpu.memory_space<hbm>>
          tpu.enqueue_indirect_dma source(%dma_start3A_96 : memref<10112x128xf32, #tpu.memory_space<hbm>>) target(%arg9 : memref<125x128xf32, #tpu.memory_space<vmem>>) offsets(%dma_start3A_93 : memref<125xi32, #tpu.memory_space<vmem>>) semaphore(%arg12 : memref<!tpu.dma_semaphore, #tpu.memory_space<semaphore_mem>>)
        } else {
        }
        %add3A_74 = arith.constant 1 : i32
        %add3A_75 = arith.addi %add3A_61, %add3A_74 : i32
        %dma_wait3A_76 = arith.constant 0 : i32
        %dma_wait3A_77 = tpu.memref_slice %arg7[%add3A_75, %dma_wait3A_76] : memref<40x125xi32, #tpu.memory_space<vmem>> -> memref<1x125xi32, #tpu.memory_space<vmem>>
        %dma_wait3A_78 = tpu.memref_squeeze %dma_wait3A_77 : memref<1x125xi32, #tpu.memory_space<vmem>> -> memref<125xi32, #tpu.memory_space<vmem>>
        %dma_wait3A_79 = arith.constant 0 : i32
        %dma_wait3A_80 = arith.constant 0 : i32
        %dma_wait3A_81 = tpu.memref_slice %arg2[%dma_wait3A_79, %dma_wait3A_80] : memref<10112x128xf32, #tpu.memory_space<hbm>> -> memref<10112x128xf32, #tpu.memory_space<hbm>>
        tpu.wait_indirect_dma semaphore(%arg13 : memref<!tpu.dma_semaphore, #tpu.memory_space<semaphore_mem>>) src(%dma_wait3A_81 : memref<10112x128xf32, #tpu.memory_space<hbm>>) dst(%arg10 : memref<125x128xf32, #tpu.memory_space<vmem>>)
        "tpu.region"() ({
          %run_scoped3A = tpu.sem_alloc : memref<!tpu.dma_semaphore, #tpu.memory_space<semaphore_mem>>
          %dma_start3A_89 = arith.constant 0 : i32
          %dma_start3A_90 = tpu.memref_slice %arg8[%add3A_75, %dma_start3A_89] : memref<40x125xi32, #tpu.memory_space<vmem>> -> memref<1x125xi32, #tpu.memory_space<vmem>>
          %dma_start3A_91 = tpu.memref_squeeze %dma_start3A_90 : memref<1x125xi32, #tpu.memory_space<vmem>> -> memref<125xi32, #tpu.memory_space<vmem>>
          %dma_start3A_92 = arith.constant 0 : i32
          %dma_start3A_93 = arith.constant 0 : i32
          %dma_start3A_94 = tpu.memref_slice %arg11[%dma_start3A_92, %dma_start3A_93] : memref<10112x128xf32, #tpu.memory_space<vmem_shared>> -> memref<10112x128xf32, #tpu.memory_space<vmem_shared>>
          tpu.enqueue_indirect_dma source(%arg10 : memref<125x128xf32, #tpu.memory_space<vmem>>) target(%dma_start3A_94 : memref<10112x128xf32, #tpu.memory_space<vmem_shared>>) offsets(%dma_start3A_91 : memref<125xi32, #tpu.memory_space<vmem>>) semaphore(%run_scoped3A : memref<!tpu.dma_semaphore, #tpu.memory_space<semaphore_mem>>) {add = true}
          %dma_wait3A_95 = arith.constant 0 : i32
          %dma_wait3A_96 = tpu.memref_slice %arg8[%add3A_75, %dma_wait3A_95] : memref<40x125xi32, #tpu.memory_space<vmem>> -> memref<1x125xi32, #tpu.memory_space<vmem>>
          %dma_wait3A_97 = tpu.memref_squeeze %dma_wait3A_96 : memref<1x125xi32, #tpu.memory_space<vmem>> -> memref<125xi32, #tpu.memory_space<vmem>>
          %dma_wait3A_98 = arith.constant 0 : i32
          %dma_wait3A_99 = arith.constant 0 : i32
          %dma_wait3A_100 = tpu.memref_slice %arg11[%dma_wait3A_98, %dma_wait3A_99] : memref<10112x128xf32, #tpu.memory_space<vmem_shared>> -> memref<10112x128xf32, #tpu.memory_space<vmem_shared>>
          tpu.wait_indirect_dma semaphore(%run_scoped3A : memref<!tpu.dma_semaphore, #tpu.memory_space<semaphore_mem>>) src(%arg10 : memref<125x128xf32, #tpu.memory_space<vmem>>) dst(%dma_wait3A_100 : memref<10112x128xf32, #tpu.memory_space<vmem_shared>>)
          tpu.yield
        }) : () -> ()
        %add3A_82 = arith.constant 2 : i32
        %add3A_83 = arith.addi %add3A_75, %add3A_82 : i32
        %lt3A_84 = arith.constant 40 : i32
        %lt3A_85 = arith.cmpi slt, %add3A_83, %lt3A_84 : i32
        %convert_element_type3A_86 = arith.extui %lt3A_85 : i1 to i32
        %cond3A_87 = arith.constant 0 : i32
        %cond3A_88 = arith.cmpi ne, %convert_element_type3A_86, %cond3A_87 : i32
        scf.if %cond3A_88 {
          %add3A_89 = arith.constant 2 : i32
          %add3A_90 = arith.addi %add3A_75, %add3A_89 : i32
          %dma_start3A_91 = arith.constant 0 : i32
          %dma_start3A_92 = tpu.memref_slice %arg7[%add3A_90, %dma_start3A_91] : memref<40x125xi32, #tpu.memory_space<vmem>> -> memref<1x125xi32, #tpu.memory_space<vmem>>
          %dma_start3A_93 = tpu.memref_squeeze %dma_start3A_92 : memref<1x125xi32, #tpu.memory_space<vmem>> -> memref<125xi32, #tpu.memory_space<vmem>>
          %dma_start3A_94 = arith.constant 0 : i32
          %dma_start3A_95 = arith.constant 0 : i32
          %dma_start3A_96 = tpu.memref_slice %arg2[%dma_start3A_94, %dma_start3A_95] : memref<10112x128xf32, #tpu.memory_space<hbm>> -> memref<10112x128xf32, #tpu.memory_space<hbm>>
          tpu.enqueue_indirect_dma source(%dma_start3A_96 : memref<10112x128xf32, #tpu.memory_space<hbm>>) target(%arg10 : memref<125x128xf32, #tpu.memory_space<vmem>>) offsets(%dma_start3A_93 : memref<125xi32, #tpu.memory_space<vmem>>) semaphore(%arg13 : memref<!tpu.dma_semaphore, #tpu.memory_space<semaphore_mem>>)
        } else {
        }
      }
      %scan3A_56 = arith.constant 20 : i32
    }
    %scan3A_10 = arith.constant 2 : i32
    %barrier3A_11 = arith.constant 0 : index
    tpu.barrier barrier_id(%barrier3A_11)
    %mul3A_12 = arith.constant 632 : i32
    %mul3A_13 = arith.muli %arg1, %mul3A_12 : i32
    %mul3A_14 = arith.constant 632 : i32
    %mul3A_15 = arith.muli %arg1, %mul3A_14 : i32
    %dma_start3A = arith.constant 0 : i32
    %dma_start3A_16 = arith.constant 0 : i32
    %dma_start3A_17 = tpu.memref_slice %arg6[%arg0, %dma_start3A, %dma_start3A_16] : memref<2x10112x128xf32, #tpu.memory_space<hbm>> -> memref<1x10112x128xf32, #tpu.memory_space<hbm>>
    %dma_start3A_18 = tpu.memref_squeeze %dma_start3A_17 : memref<1x10112x128xf32, #tpu.memory_space<hbm>> -> memref<10112x128xf32, #tpu.memory_space<hbm>>
    %dma_start3A_19 = arith.constant 0 : i32
    %dma_start3A_20 = tpu.memref_slice %dma_start3A_18[%mul3A_15, %dma_start3A_19] : memref<10112x128xf32, #tpu.memory_space<hbm>> -> memref<632x128xf32, #tpu.memory_space<hbm>>
    %dma_start3A_21 = arith.constant 0 : i32
    %dma_start3A_22 = tpu.memref_slice %arg11[%mul3A_13, %dma_start3A_21] : memref<10112x128xf32, #tpu.memory_space<vmem_shared>> -> memref<632x128xf32, #tpu.memory_space<vmem_shared>>
    tpu.enqueue_dma source(%dma_start3A_22 : memref<632x128xf32, #tpu.memory_space<vmem_shared>>) target(%dma_start3A_20 : memref<632x128xf32, #tpu.memory_space<hbm>>) target_semaphore(%arg12 : memref<!tpu.dma_semaphore, #tpu.memory_space<semaphore_mem>>)
    %dma_wait3A = arith.constant 0 : i32
    %dma_wait3A_23 = arith.constant 0 : i32
    %dma_wait3A_24 = tpu.memref_slice %arg6[%arg0, %dma_wait3A, %dma_wait3A_23] : memref<2x10112x128xf32, #tpu.memory_space<hbm>> -> memref<1x10112x128xf32, #tpu.memory_space<hbm>>
    %dma_wait3A_25 = tpu.memref_squeeze %dma_wait3A_24 : memref<1x10112x128xf32, #tpu.memory_space<hbm>> -> memref<10112x128xf32, #tpu.memory_space<hbm>>
    %dma_wait3A_26 = arith.constant 0 : i32
    %dma_wait3A_27 = tpu.memref_slice %dma_wait3A_25[%mul3A_15, %dma_wait3A_26] : memref<10112x128xf32, #tpu.memory_space<hbm>> -> memref<632x128xf32, #tpu.memory_space<hbm>>
    %dma_wait3A_28 = arith.constant 0 : i32
    %dma_wait3A_29 = tpu.memref_slice %arg11[%mul3A_13, %dma_wait3A_28] : memref<10112x128xf32, #tpu.memory_space<vmem_shared>> -> memref<632x128xf32, #tpu.memory_space<vmem_shared>>
    tpu.wait_dma2 semaphore(%arg12 : memref<!tpu.dma_semaphore, #tpu.memory_space<semaphore_mem>>) src(%dma_wait3A_29 : memref<632x128xf32, #tpu.memory_space<vmem_shared>>) dst(%dma_wait3A_27 : memref<632x128xf32, #tpu.memory_space<hbm>>)
    return
  }
}

#map = affine_map<(d0, d1) -> (0, 0)>
#map1 = affine_map<(d0, d1) -> (0, 0, 0)>
module attributes {stable_mosaic.version = 14 : i64} {
  func.func @deg_kernel(%arg0: i32, %arg1: i32, %arg2: memref<5120x125xi32, #tpu.memory_space<hbm>>, %arg3: memref<10112x128xf32, #tpu.memory_space<hbm>>, %arg4: memref<125x128xf32, #tpu.memory_space<hbm>>, %arg5: memref<2x10112x128xf32, #tpu.memory_space<hbm>>, %arg6: memref<160x125xi32, #tpu.memory_space<vmem>>, %arg7: memref<125x128xf32, #tpu.memory_space<vmem>>, %arg8: memref<10112x128xf32, #tpu.memory_space<vmem_shared>>, %arg9: memref<!tpu.dma_semaphore, #tpu.memory_space<semaphore_mem>>) attributes {dimension_semantics = [#tpu.dimension_semantics<core_parallel>, #tpu.dimension_semantics<subcore_parallel>], iteration_bounds = array<i64: 2, 16>, scalar_prefetch = 0 : i64, scratch_operands = 4 : i64, tpu.core_type = #tpu.core_type<sc_vector_subcore>, window_params = [{transform_indices = #map}, {transform_indices = #map}, {transform_indices = #map}, {transform_indices = #map1}]} {
    "tpu.region"() ({
      %run_scoped3A = tpu.sem_alloc : memref<!tpu.dma_semaphore, #tpu.memory_space<semaphore_mem>>
      tpu.enqueue_dma source(%arg4 : memref<125x128xf32, #tpu.memory_space<hbm>>) target(%arg7 : memref<125x128xf32, #tpu.memory_space<vmem>>) target_semaphore(%run_scoped3A : memref<!tpu.dma_semaphore, #tpu.memory_space<semaphore_mem>>)
      tpu.wait_dma2 semaphore(%run_scoped3A : memref<!tpu.dma_semaphore, #tpu.memory_space<semaphore_mem>>) src(%arg4 : memref<125x128xf32, #tpu.memory_space<hbm>>) dst(%arg7 : memref<125x128xf32, #tpu.memory_space<vmem>>)
      tpu.yield
    }) : () -> ()
    %mul3A = arith.constant 632 : i32
    %mul3A_0 = arith.muli %arg1, %mul3A : i32
    %mul3A_1 = arith.constant 632 : i32
    %mul3A_2 = arith.muli %arg1, %mul3A_1 : i32
    "tpu.region"() ({
      %run_scoped3A = tpu.sem_alloc : memref<!tpu.dma_semaphore, #tpu.memory_space<semaphore_mem>>
      %dma_start3A_30 = arith.constant 0 : i32
      %dma_start3A_31 = tpu.memref_slice %arg8[%mul3A_2, %dma_start3A_30] : memref<10112x128xf32, #tpu.memory_space<vmem_shared>> -> memref<632x128xf32, #tpu.memory_space<vmem_shared>>
      %dma_start3A_32 = arith.constant 0 : i32
      %dma_start3A_33 = tpu.memref_slice %arg3[%mul3A_0, %dma_start3A_32] : memref<10112x128xf32, #tpu.memory_space<hbm>> -> memref<632x128xf32, #tpu.memory_space<hbm>>
      tpu.enqueue_dma source(%dma_start3A_33 : memref<632x128xf32, #tpu.memory_space<hbm>>) target(%dma_start3A_31 : memref<632x128xf32, #tpu.memory_space<vmem_shared>>) target_semaphore(%run_scoped3A : memref<!tpu.dma_semaphore, #tpu.memory_space<semaphore_mem>>)
      %dma_wait3A_34 = arith.constant 0 : i32
      %dma_wait3A_35 = tpu.memref_slice %arg8[%mul3A_2, %dma_wait3A_34] : memref<10112x128xf32, #tpu.memory_space<vmem_shared>> -> memref<632x128xf32, #tpu.memory_space<vmem_shared>>
      %dma_wait3A_36 = arith.constant 0 : i32
      %dma_wait3A_37 = tpu.memref_slice %arg3[%mul3A_0, %dma_wait3A_36] : memref<10112x128xf32, #tpu.memory_space<hbm>> -> memref<632x128xf32, #tpu.memory_space<hbm>>
      tpu.wait_dma2 semaphore(%run_scoped3A : memref<!tpu.dma_semaphore, #tpu.memory_space<semaphore_mem>>) src(%dma_wait3A_37 : memref<632x128xf32, #tpu.memory_space<hbm>>) dst(%dma_wait3A_35 : memref<632x128xf32, #tpu.memory_space<vmem_shared>>)
      tpu.yield
    }) : () -> ()
    %mul3A_3 = arith.constant 2560 : i32
    %mul3A_4 = arith.muli %arg0, %mul3A_3 : i32
    %mul3A_5 = arith.constant 160 : i32
    %mul3A_6 = arith.muli %arg1, %mul3A_5 : i32
    %add3A = arith.addi %mul3A_4, %mul3A_6 : i32
    "tpu.region"() ({
      %run_scoped3A = tpu.sem_alloc : memref<!tpu.dma_semaphore, #tpu.memory_space<semaphore_mem>>
      %dma_start3A_30 = arith.constant 0 : i32
      %dma_start3A_31 = tpu.memref_slice %arg2[%add3A, %dma_start3A_30] : memref<5120x125xi32, #tpu.memory_space<hbm>> -> memref<160x125xi32, #tpu.memory_space<hbm>>
      %dma_start3A_32 = arith.constant 0 : i32
      %dma_start3A_33 = tpu.memref_slice %arg2[%add3A, %dma_start3A_32] : memref<5120x125xi32, #tpu.memory_space<hbm>> -> memref<160x125xi32, #tpu.memory_space<hbm>>
      tpu.enqueue_dma source(%dma_start3A_33 : memref<160x125xi32, #tpu.memory_space<hbm>>) target(%arg6 : memref<160x125xi32, #tpu.memory_space<vmem>>) target_semaphore(%run_scoped3A : memref<!tpu.dma_semaphore, #tpu.memory_space<semaphore_mem>>)
      %dma_wait3A_34 = arith.constant 0 : i32
      %dma_wait3A_35 = tpu.memref_slice %arg2[%add3A, %dma_wait3A_34] : memref<5120x125xi32, #tpu.memory_space<hbm>> -> memref<160x125xi32, #tpu.memory_space<hbm>>
      %dma_wait3A_36 = arith.constant 0 : i32
      %dma_wait3A_37 = tpu.memref_slice %arg2[%add3A, %dma_wait3A_36] : memref<5120x125xi32, #tpu.memory_space<hbm>> -> memref<160x125xi32, #tpu.memory_space<hbm>>
      tpu.wait_dma2 semaphore(%run_scoped3A : memref<!tpu.dma_semaphore, #tpu.memory_space<semaphore_mem>>) src(%dma_wait3A_37 : memref<160x125xi32, #tpu.memory_space<hbm>>) dst(%arg6 : memref<160x125xi32, #tpu.memory_space<vmem>>)
      tpu.yield
    }) : () -> ()
    %barrier3A = arith.constant 0 : index
    tpu.barrier barrier_id(%barrier3A)
    %scan3A = arith.constant 0 : i32
    %scan3A_7 = arith.constant 20 : i32
    %scan3A_8 = arith.addi %scan3A, %scan3A_7 : i32
    %scan3A_9 = arith.constant 1 : i32
    scf.for %scan3A_30 = %scan3A to %scan3A_8 step %scan3A_9  : i32 {
      %mul3A_31 = arith.constant 8 : i32
      %mul3A_32 = arith.muli %scan3A_30, %mul3A_31 : i32
      %add3A_33 = arith.constant 0 : i32
      %add3A_34 = arith.addi %add3A_33, %mul3A_32 : i32
      %add3A_35 = arith.constant 0 : i32
      %add3A_36 = arith.addi %add3A_34, %add3A_35 : i32
      %dma_start3A_37 = arith.constant 0 : i32
      %dma_start3A_38 = tpu.memref_slice %arg6[%add3A_36, %dma_start3A_37] : memref<160x125xi32, #tpu.memory_space<vmem>> -> memref<1x125xi32, #tpu.memory_space<vmem>>
      %dma_start3A_39 = tpu.memref_squeeze %dma_start3A_38 : memref<1x125xi32, #tpu.memory_space<vmem>> -> memref<125xi32, #tpu.memory_space<vmem>>
      %dma_start3A_40 = arith.constant 0 : i32
      %dma_start3A_41 = arith.constant 0 : i32
      %dma_start3A_42 = tpu.memref_slice %arg8[%dma_start3A_40, %dma_start3A_41] : memref<10112x128xf32, #tpu.memory_space<vmem_shared>> -> memref<10112x128xf32, #tpu.memory_space<vmem_shared>>
      tpu.enqueue_indirect_dma source(%arg7 : memref<125x128xf32, #tpu.memory_space<vmem>>) target(%dma_start3A_42 : memref<10112x128xf32, #tpu.memory_space<vmem_shared>>) offsets(%dma_start3A_39 : memref<125xi32, #tpu.memory_space<vmem>>) semaphore(%arg9 : memref<!tpu.dma_semaphore, #tpu.memory_space<semaphore_mem>>) {add = true}
      %add3A_43 = arith.constant 1 : i32
      %add3A_44 = arith.addi %add3A_34, %add3A_43 : i32
      %dma_start3A_45 = arith.constant 0 : i32
      %dma_start3A_46 = tpu.memref_slice %arg6[%add3A_44, %dma_start3A_45] : memref<160x125xi32, #tpu.memory_space<vmem>> -> memref<1x125xi32, #tpu.memory_space<vmem>>
      %dma_start3A_47 = tpu.memref_squeeze %dma_start3A_46 : memref<1x125xi32, #tpu.memory_space<vmem>> -> memref<125xi32, #tpu.memory_space<vmem>>
      %dma_start3A_48 = arith.constant 0 : i32
      %dma_start3A_49 = arith.constant 0 : i32
      %dma_start3A_50 = tpu.memref_slice %arg8[%dma_start3A_48, %dma_start3A_49] : memref<10112x128xf32, #tpu.memory_space<vmem_shared>> -> memref<10112x128xf32, #tpu.memory_space<vmem_shared>>
      tpu.enqueue_indirect_dma source(%arg7 : memref<125x128xf32, #tpu.memory_space<vmem>>) target(%dma_start3A_50 : memref<10112x128xf32, #tpu.memory_space<vmem_shared>>) offsets(%dma_start3A_47 : memref<125xi32, #tpu.memory_space<vmem>>) semaphore(%arg9 : memref<!tpu.dma_semaphore, #tpu.memory_space<semaphore_mem>>) {add = true}
      %add3A_51 = arith.constant 2 : i32
      %add3A_52 = arith.addi %add3A_34, %add3A_51 : i32
      %dma_start3A_53 = arith.constant 0 : i32
      %dma_start3A_54 = tpu.memref_slice %arg6[%add3A_52, %dma_start3A_53] : memref<160x125xi32, #tpu.memory_space<vmem>> -> memref<1x125xi32, #tpu.memory_space<vmem>>
      %dma_start3A_55 = tpu.memref_squeeze %dma_start3A_54 : memref<1x125xi32, #tpu.memory_space<vmem>> -> memref<125xi32, #tpu.memory_space<vmem>>
      %dma_start3A_56 = arith.constant 0 : i32
      %dma_start3A_57 = arith.constant 0 : i32
      %dma_start3A_58 = tpu.memref_slice %arg8[%dma_start3A_56, %dma_start3A_57] : memref<10112x128xf32, #tpu.memory_space<vmem_shared>> -> memref<10112x128xf32, #tpu.memory_space<vmem_shared>>
      tpu.enqueue_indirect_dma source(%arg7 : memref<125x128xf32, #tpu.memory_space<vmem>>) target(%dma_start3A_58 : memref<10112x128xf32, #tpu.memory_space<vmem_shared>>) offsets(%dma_start3A_55 : memref<125xi32, #tpu.memory_space<vmem>>) semaphore(%arg9 : memref<!tpu.dma_semaphore, #tpu.memory_space<semaphore_mem>>) {add = true}
      %add3A_59 = arith.constant 3 : i32
      %add3A_60 = arith.addi %add3A_34, %add3A_59 : i32
      %dma_start3A_61 = arith.constant 0 : i32
      %dma_start3A_62 = tpu.memref_slice %arg6[%add3A_60, %dma_start3A_61] : memref<160x125xi32, #tpu.memory_space<vmem>> -> memref<1x125xi32, #tpu.memory_space<vmem>>
      %dma_start3A_63 = tpu.memref_squeeze %dma_start3A_62 : memref<1x125xi32, #tpu.memory_space<vmem>> -> memref<125xi32, #tpu.memory_space<vmem>>
      %dma_start3A_64 = arith.constant 0 : i32
      %dma_start3A_65 = arith.constant 0 : i32
      %dma_start3A_66 = tpu.memref_slice %arg8[%dma_start3A_64, %dma_start3A_65] : memref<10112x128xf32, #tpu.memory_space<vmem_shared>> -> memref<10112x128xf32, #tpu.memory_space<vmem_shared>>
      tpu.enqueue_indirect_dma source(%arg7 : memref<125x128xf32, #tpu.memory_space<vmem>>) target(%dma_start3A_66 : memref<10112x128xf32, #tpu.memory_space<vmem_shared>>) offsets(%dma_start3A_63 : memref<125xi32, #tpu.memory_space<vmem>>) semaphore(%arg9 : memref<!tpu.dma_semaphore, #tpu.memory_space<semaphore_mem>>) {add = true}
      %add3A_67 = arith.constant 4 : i32
      %add3A_68 = arith.addi %add3A_34, %add3A_67 : i32
      %dma_start3A_69 = arith.constant 0 : i32
      %dma_start3A_70 = tpu.memref_slice %arg6[%add3A_68, %dma_start3A_69] : memref<160x125xi32, #tpu.memory_space<vmem>> -> memref<1x125xi32, #tpu.memory_space<vmem>>
      %dma_start3A_71 = tpu.memref_squeeze %dma_start3A_70 : memref<1x125xi32, #tpu.memory_space<vmem>> -> memref<125xi32, #tpu.memory_space<vmem>>
      %dma_start3A_72 = arith.constant 0 : i32
      %dma_start3A_73 = arith.constant 0 : i32
      %dma_start3A_74 = tpu.memref_slice %arg8[%dma_start3A_72, %dma_start3A_73] : memref<10112x128xf32, #tpu.memory_space<vmem_shared>> -> memref<10112x128xf32, #tpu.memory_space<vmem_shared>>
      tpu.enqueue_indirect_dma source(%arg7 : memref<125x128xf32, #tpu.memory_space<vmem>>) target(%dma_start3A_74 : memref<10112x128xf32, #tpu.memory_space<vmem_shared>>) offsets(%dma_start3A_71 : memref<125xi32, #tpu.memory_space<vmem>>) semaphore(%arg9 : memref<!tpu.dma_semaphore, #tpu.memory_space<semaphore_mem>>) {add = true}
      %add3A_75 = arith.constant 5 : i32
      %add3A_76 = arith.addi %add3A_34, %add3A_75 : i32
      %dma_start3A_77 = arith.constant 0 : i32
      %dma_start3A_78 = tpu.memref_slice %arg6[%add3A_76, %dma_start3A_77] : memref<160x125xi32, #tpu.memory_space<vmem>> -> memref<1x125xi32, #tpu.memory_space<vmem>>
      %dma_start3A_79 = tpu.memref_squeeze %dma_start3A_78 : memref<1x125xi32, #tpu.memory_space<vmem>> -> memref<125xi32, #tpu.memory_space<vmem>>
      %dma_start3A_80 = arith.constant 0 : i32
      %dma_start3A_81 = arith.constant 0 : i32
      %dma_start3A_82 = tpu.memref_slice %arg8[%dma_start3A_80, %dma_start3A_81] : memref<10112x128xf32, #tpu.memory_space<vmem_shared>> -> memref<10112x128xf32, #tpu.memory_space<vmem_shared>>
      tpu.enqueue_indirect_dma source(%arg7 : memref<125x128xf32, #tpu.memory_space<vmem>>) target(%dma_start3A_82 : memref<10112x128xf32, #tpu.memory_space<vmem_shared>>) offsets(%dma_start3A_79 : memref<125xi32, #tpu.memory_space<vmem>>) semaphore(%arg9 : memref<!tpu.dma_semaphore, #tpu.memory_space<semaphore_mem>>) {add = true}
      %add3A_83 = arith.constant 6 : i32
      %add3A_84 = arith.addi %add3A_34, %add3A_83 : i32
      %dma_start3A_85 = arith.constant 0 : i32
      %dma_start3A_86 = tpu.memref_slice %arg6[%add3A_84, %dma_start3A_85] : memref<160x125xi32, #tpu.memory_space<vmem>> -> memref<1x125xi32, #tpu.memory_space<vmem>>
      %dma_start3A_87 = tpu.memref_squeeze %dma_start3A_86 : memref<1x125xi32, #tpu.memory_space<vmem>> -> memref<125xi32, #tpu.memory_space<vmem>>
      %dma_start3A_88 = arith.constant 0 : i32
      %dma_start3A_89 = arith.constant 0 : i32
      %dma_start3A_90 = tpu.memref_slice %arg8[%dma_start3A_88, %dma_start3A_89] : memref<10112x128xf32, #tpu.memory_space<vmem_shared>> -> memref<10112x128xf32, #tpu.memory_space<vmem_shared>>
      tpu.enqueue_indirect_dma source(%arg7 : memref<125x128xf32, #tpu.memory_space<vmem>>) target(%dma_start3A_90 : memref<10112x128xf32, #tpu.memory_space<vmem_shared>>) offsets(%dma_start3A_87 : memref<125xi32, #tpu.memory_space<vmem>>) semaphore(%arg9 : memref<!tpu.dma_semaphore, #tpu.memory_space<semaphore_mem>>) {add = true}
      %add3A_91 = arith.constant 7 : i32
      %add3A_92 = arith.addi %add3A_34, %add3A_91 : i32
      %dma_start3A_93 = arith.constant 0 : i32
      %dma_start3A_94 = tpu.memref_slice %arg6[%add3A_92, %dma_start3A_93] : memref<160x125xi32, #tpu.memory_space<vmem>> -> memref<1x125xi32, #tpu.memory_space<vmem>>
      %dma_start3A_95 = tpu.memref_squeeze %dma_start3A_94 : memref<1x125xi32, #tpu.memory_space<vmem>> -> memref<125xi32, #tpu.memory_space<vmem>>
      %dma_start3A_96 = arith.constant 0 : i32
      %dma_start3A_97 = arith.constant 0 : i32
      %dma_start3A_98 = tpu.memref_slice %arg8[%dma_start3A_96, %dma_start3A_97] : memref<10112x128xf32, #tpu.memory_space<vmem_shared>> -> memref<10112x128xf32, #tpu.memory_space<vmem_shared>>
      tpu.enqueue_indirect_dma source(%arg7 : memref<125x128xf32, #tpu.memory_space<vmem>>) target(%dma_start3A_98 : memref<10112x128xf32, #tpu.memory_space<vmem_shared>>) offsets(%dma_start3A_95 : memref<125xi32, #tpu.memory_space<vmem>>) semaphore(%arg9 : memref<!tpu.dma_semaphore, #tpu.memory_space<semaphore_mem>>) {add = true}
      tpu.wait_dma2 semaphore(%arg9 : memref<!tpu.dma_semaphore, #tpu.memory_space<semaphore_mem>>) src(%arg4 : memref<125x128xf32, #tpu.memory_space<hbm>>) dst(%arg7 : memref<125x128xf32, #tpu.memory_space<vmem>>)
      tpu.wait_dma2 semaphore(%arg9 : memref<!tpu.dma_semaphore, #tpu.memory_space<semaphore_mem>>) src(%arg4 : memref<125x128xf32, #tpu.memory_space<hbm>>) dst(%arg7 : memref<125x128xf32, #tpu.memory_space<vmem>>)
      tpu.wait_dma2 semaphore(%arg9 : memref<!tpu.dma_semaphore, #tpu.memory_space<semaphore_mem>>) src(%arg4 : memref<125x128xf32, #tpu.memory_space<hbm>>) dst(%arg7 : memref<125x128xf32, #tpu.memory_space<vmem>>)
      tpu.wait_dma2 semaphore(%arg9 : memref<!tpu.dma_semaphore, #tpu.memory_space<semaphore_mem>>) src(%arg4 : memref<125x128xf32, #tpu.memory_space<hbm>>) dst(%arg7 : memref<125x128xf32, #tpu.memory_space<vmem>>)
      tpu.wait_dma2 semaphore(%arg9 : memref<!tpu.dma_semaphore, #tpu.memory_space<semaphore_mem>>) src(%arg4 : memref<125x128xf32, #tpu.memory_space<hbm>>) dst(%arg7 : memref<125x128xf32, #tpu.memory_space<vmem>>)
      tpu.wait_dma2 semaphore(%arg9 : memref<!tpu.dma_semaphore, #tpu.memory_space<semaphore_mem>>) src(%arg4 : memref<125x128xf32, #tpu.memory_space<hbm>>) dst(%arg7 : memref<125x128xf32, #tpu.memory_space<vmem>>)
      tpu.wait_dma2 semaphore(%arg9 : memref<!tpu.dma_semaphore, #tpu.memory_space<semaphore_mem>>) src(%arg4 : memref<125x128xf32, #tpu.memory_space<hbm>>) dst(%arg7 : memref<125x128xf32, #tpu.memory_space<vmem>>)
      tpu.wait_dma2 semaphore(%arg9 : memref<!tpu.dma_semaphore, #tpu.memory_space<semaphore_mem>>) src(%arg4 : memref<125x128xf32, #tpu.memory_space<hbm>>) dst(%arg7 : memref<125x128xf32, #tpu.memory_space<vmem>>)
    }
    %scan3A_10 = arith.constant 20 : i32
    %barrier3A_11 = arith.constant 0 : index
    tpu.barrier barrier_id(%barrier3A_11)
    %mul3A_12 = arith.constant 632 : i32
    %mul3A_13 = arith.muli %arg1, %mul3A_12 : i32
    %mul3A_14 = arith.constant 632 : i32
    %mul3A_15 = arith.muli %arg1, %mul3A_14 : i32
    %dma_start3A = arith.constant 0 : i32
    %dma_start3A_16 = arith.constant 0 : i32
    %dma_start3A_17 = tpu.memref_slice %arg5[%arg0, %dma_start3A, %dma_start3A_16] : memref<2x10112x128xf32, #tpu.memory_space<hbm>> -> memref<1x10112x128xf32, #tpu.memory_space<hbm>>
    %dma_start3A_18 = tpu.memref_squeeze %dma_start3A_17 : memref<1x10112x128xf32, #tpu.memory_space<hbm>> -> memref<10112x128xf32, #tpu.memory_space<hbm>>
    %dma_start3A_19 = arith.constant 0 : i32
    %dma_start3A_20 = tpu.memref_slice %dma_start3A_18[%mul3A_15, %dma_start3A_19] : memref<10112x128xf32, #tpu.memory_space<hbm>> -> memref<632x128xf32, #tpu.memory_space<hbm>>
    %dma_start3A_21 = arith.constant 0 : i32
    %dma_start3A_22 = tpu.memref_slice %arg8[%mul3A_13, %dma_start3A_21] : memref<10112x128xf32, #tpu.memory_space<vmem_shared>> -> memref<632x128xf32, #tpu.memory_space<vmem_shared>>
    tpu.enqueue_dma source(%dma_start3A_22 : memref<632x128xf32, #tpu.memory_space<vmem_shared>>) target(%dma_start3A_20 : memref<632x128xf32, #tpu.memory_space<hbm>>) target_semaphore(%arg9 : memref<!tpu.dma_semaphore, #tpu.memory_space<semaphore_mem>>)
    %dma_wait3A = arith.constant 0 : i32
    %dma_wait3A_23 = arith.constant 0 : i32
    %dma_wait3A_24 = tpu.memref_slice %arg5[%arg0, %dma_wait3A, %dma_wait3A_23] : memref<2x10112x128xf32, #tpu.memory_space<hbm>> -> memref<1x10112x128xf32, #tpu.memory_space<hbm>>
    %dma_wait3A_25 = tpu.memref_squeeze %dma_wait3A_24 : memref<1x10112x128xf32, #tpu.memory_space<hbm>> -> memref<10112x128xf32, #tpu.memory_space<hbm>>
    %dma_wait3A_26 = arith.constant 0 : i32
    %dma_wait3A_27 = tpu.memref_slice %dma_wait3A_25[%mul3A_15, %dma_wait3A_26] : memref<10112x128xf32, #tpu.memory_space<hbm>> -> memref<632x128xf32, #tpu.memory_space<hbm>>
    %dma_wait3A_28 = arith.constant 0 : i32
    %dma_wait3A_29 = tpu.memref_slice %arg8[%mul3A_13, %dma_wait3A_28] : memref<10112x128xf32, #tpu.memory_space<vmem_shared>> -> memref<632x128xf32, #tpu.memory_space<vmem_shared>>
    tpu.wait_dma2 semaphore(%arg9 : memref<!tpu.dma_semaphore, #tpu.memory_space<semaphore_mem>>) src(%dma_wait3A_29 : memref<632x128xf32, #tpu.memory_space<vmem_shared>>) dst(%dma_wait3A_27 : memref<632x128xf32, #tpu.memory_space<hbm>>)
    return
  }
}

#map = affine_map<(d0, d1) -> (0, 0)>
#map1 = affine_map<(d0, d1) -> (0, 0, 0)>
module attributes {stable_mosaic.version = 14 : i64} {
  func.func @prop_kernel(%arg0: i32, %arg1: i32, %arg2: memref<10112x128xf32, #tpu.memory_space<hbm>>, %arg3: memref<2560x125xi32, #tpu.memory_space<hbm>>, %arg4: memref<2560x125xi32, #tpu.memory_space<hbm>>, %arg5: memref<10112x128xf32, #tpu.memory_space<hbm>>, %arg6: memref<2x10112x128xf32, #tpu.memory_space<hbm>>, %arg7: memref<40x125xi32, #tpu.memory_space<vmem>>, %arg8: memref<40x125xi32, #tpu.memory_space<vmem>>, %arg9: memref<125x128xf32, #tpu.memory_space<vmem>>, %arg10: memref<125x128xf32, #tpu.memory_space<vmem>>, %arg11: memref<10112x128xf32, #tpu.memory_space<vmem_shared>>, %arg12: memref<!tpu.dma_semaphore, #tpu.memory_space<semaphore_mem>>, %arg13: memref<!tpu.dma_semaphore, #tpu.memory_space<semaphore_mem>>) attributes {dimension_semantics = [#tpu.dimension_semantics<core_parallel>, #tpu.dimension_semantics<subcore_parallel>], iteration_bounds = array<i64: 2, 16>, scalar_prefetch = 0 : i64, scratch_operands = 7 : i64, tpu.core_type = #tpu.core_type<sc_vector_subcore>, window_params = [{transform_indices = #map}, {transform_indices = #map}, {transform_indices = #map}, {transform_indices = #map}, {transform_indices = #map1}]} {
    %mul3A = arith.constant 16 : i32
    %mul3A_0 = arith.muli %arg0, %mul3A : i32
    %add3A = arith.addi %mul3A_0, %arg1 : i32
    %mul3A_1 = arith.constant 80 : i32
    %mul3A_2 = arith.muli %add3A, %mul3A_1 : i32
    %mul3A_3 = arith.constant 632 : i32
    %mul3A_4 = arith.muli %arg1, %mul3A_3 : i32
    %mul3A_5 = arith.constant 632 : i32
    %mul3A_6 = arith.muli %arg1, %mul3A_5 : i32
    "tpu.region"() ({
      %run_scoped3A = tpu.sem_alloc : memref<!tpu.dma_semaphore, #tpu.memory_space<semaphore_mem>>
      %dma_start3A_30 = arith.constant 0 : i32
      %dma_start3A_31 = tpu.memref_slice %arg11[%mul3A_6, %dma_start3A_30] : memref<10112x128xf32, #tpu.memory_space<vmem_shared>> -> memref<632x128xf32, #tpu.memory_space<vmem_shared>>
      %dma_start3A_32 = arith.constant 0 : i32
      %dma_start3A_33 = tpu.memref_slice %arg5[%mul3A_4, %dma_start3A_32] : memref<10112x128xf32, #tpu.memory_space<hbm>> -> memref<632x128xf32, #tpu.memory_space<hbm>>
      tpu.enqueue_dma source(%dma_start3A_33 : memref<632x128xf32, #tpu.memory_space<hbm>>) target(%dma_start3A_31 : memref<632x128xf32, #tpu.memory_space<vmem_shared>>) target_semaphore(%run_scoped3A : memref<!tpu.dma_semaphore, #tpu.memory_space<semaphore_mem>>)
      %dma_wait3A_34 = arith.constant 0 : i32
      %dma_wait3A_35 = tpu.memref_slice %arg11[%mul3A_6, %dma_wait3A_34] : memref<10112x128xf32, #tpu.memory_space<vmem_shared>> -> memref<632x128xf32, #tpu.memory_space<vmem_shared>>
      %dma_wait3A_36 = arith.constant 0 : i32
      %dma_wait3A_37 = tpu.memref_slice %arg5[%mul3A_4, %dma_wait3A_36] : memref<10112x128xf32, #tpu.memory_space<hbm>> -> memref<632x128xf32, #tpu.memory_space<hbm>>
      tpu.wait_dma2 semaphore(%run_scoped3A : memref<!tpu.dma_semaphore, #tpu.memory_space<semaphore_mem>>) src(%dma_wait3A_37 : memref<632x128xf32, #tpu.memory_space<hbm>>) dst(%dma_wait3A_35 : memref<632x128xf32, #tpu.memory_space<vmem_shared>>)
      tpu.yield
    }) : () -> ()
    %barrier3A = arith.constant 0 : index
    tpu.barrier barrier_id(%barrier3A)
    %scan3A = arith.constant 0 : i32
    %scan3A_7 = arith.constant 2 : i32
    %scan3A_8 = arith.addi %scan3A, %scan3A_7 : i32
    %scan3A_9 = arith.constant 1 : i32
    scf.for %scan3A_30 = %scan3A to %scan3A_8 step %scan3A_9  : i32 {
      %mul3A_31 = arith.constant 1 : i32
      %mul3A_32 = arith.muli %scan3A_30, %mul3A_31 : i32
      %add3A_33 = arith.constant 0 : i32
      %add3A_34 = arith.addi %add3A_33, %mul3A_32 : i32
      %mul3A_35 = arith.constant 40 : i32
      %mul3A_36 = arith.muli %add3A_34, %mul3A_35 : i32
      %add3A_37 = arith.addi %mul3A_2, %mul3A_36 : i32
      "tpu.region"() ({
        %run_scoped3A = tpu.sem_alloc : memref<!tpu.dma_semaphore, #tpu.memory_space<semaphore_mem>>
        %dma_start3A_57 = arith.constant 0 : i32
        %dma_start3A_58 = tpu.memref_slice %arg3[%add3A_37, %dma_start3A_57] : memref<2560x125xi32, #tpu.memory_space<hbm>> -> memref<40x125xi32, #tpu.memory_space<hbm>>
        %dma_start3A_59 = arith.constant 0 : i32
        %dma_start3A_60 = tpu.memref_slice %arg3[%add3A_37, %dma_start3A_59] : memref<2560x125xi32, #tpu.memory_space<hbm>> -> memref<40x125xi32, #tpu.memory_space<hbm>>
        tpu.enqueue_dma source(%dma_start3A_60 : memref<40x125xi32, #tpu.memory_space<hbm>>) target(%arg7 : memref<40x125xi32, #tpu.memory_space<vmem>>) target_semaphore(%run_scoped3A : memref<!tpu.dma_semaphore, #tpu.memory_space<semaphore_mem>>)
        %dma_wait3A_61 = arith.constant 0 : i32
        %dma_wait3A_62 = tpu.memref_slice %arg3[%add3A_37, %dma_wait3A_61] : memref<2560x125xi32, #tpu.memory_space<hbm>> -> memref<40x125xi32, #tpu.memory_space<hbm>>
        %dma_wait3A_63 = arith.constant 0 : i32
        %dma_wait3A_64 = tpu.memref_slice %arg3[%add3A_37, %dma_wait3A_63] : memref<2560x125xi32, #tpu.memory_space<hbm>> -> memref<40x125xi32, #tpu.memory_space<hbm>>
        tpu.wait_dma2 semaphore(%run_scoped3A : memref<!tpu.dma_semaphore, #tpu.memory_space<semaphore_mem>>) src(%dma_wait3A_64 : memref<40x125xi32, #tpu.memory_space<hbm>>) dst(%arg7 : memref<40x125xi32, #tpu.memory_space<vmem>>)
        tpu.yield
      }) : () -> ()
      "tpu.region"() ({
        %run_scoped3A = tpu.sem_alloc : memref<!tpu.dma_semaphore, #tpu.memory_space<semaphore_mem>>
        %dma_start3A_57 = arith.constant 0 : i32
        %dma_start3A_58 = tpu.memref_slice %arg4[%add3A_37, %dma_start3A_57] : memref<2560x125xi32, #tpu.memory_space<hbm>> -> memref<40x125xi32, #tpu.memory_space<hbm>>
        %dma_start3A_59 = arith.constant 0 : i32
        %dma_start3A_60 = tpu.memref_slice %arg4[%add3A_37, %dma_start3A_59] : memref<2560x125xi32, #tpu.memory_space<hbm>> -> memref<40x125xi32, #tpu.memory_space<hbm>>
        tpu.enqueue_dma source(%dma_start3A_60 : memref<40x125xi32, #tpu.memory_space<hbm>>) target(%arg8 : memref<40x125xi32, #tpu.memory_space<vmem>>) target_semaphore(%run_scoped3A : memref<!tpu.dma_semaphore, #tpu.memory_space<semaphore_mem>>)
        %dma_wait3A_61 = arith.constant 0 : i32
        %dma_wait3A_62 = tpu.memref_slice %arg4[%add3A_37, %dma_wait3A_61] : memref<2560x125xi32, #tpu.memory_space<hbm>> -> memref<40x125xi32, #tpu.memory_space<hbm>>
        %dma_wait3A_63 = arith.constant 0 : i32
        %dma_wait3A_64 = tpu.memref_slice %arg4[%add3A_37, %dma_wait3A_63] : memref<2560x125xi32, #tpu.memory_space<hbm>> -> memref<40x125xi32, #tpu.memory_space<hbm>>
        tpu.wait_dma2 semaphore(%run_scoped3A : memref<!tpu.dma_semaphore, #tpu.memory_space<semaphore_mem>>) src(%dma_wait3A_64 : memref<40x125xi32, #tpu.memory_space<hbm>>) dst(%arg8 : memref<40x125xi32, #tpu.memory_space<vmem>>)
        tpu.yield
      }) : () -> ()
      %dma_start3A_38 = arith.constant 0 : i32
      %dma_start3A_39 = arith.constant 0 : i32
      %dma_start3A_40 = tpu.memref_slice %arg7[%dma_start3A_38, %dma_start3A_39] : memref<40x125xi32, #tpu.memory_space<vmem>> -> memref<1x125xi32, #tpu.memory_space<vmem>>
      %dma_start3A_41 = tpu.memref_squeeze %dma_start3A_40 : memref<1x125xi32, #tpu.memory_space<vmem>> -> memref<125xi32, #tpu.memory_space<vmem>>
      %dma_start3A_42 = arith.constant 0 : i32
      %dma_start3A_43 = arith.constant 0 : i32
      %dma_start3A_44 = tpu.memref_slice %arg2[%dma_start3A_42, %dma_start3A_43] : memref<10112x128xf32, #tpu.memory_space<hbm>> -> memref<10112x128xf32, #tpu.memory_space<hbm>>
      tpu.enqueue_indirect_dma source(%dma_start3A_44 : memref<10112x128xf32, #tpu.memory_space<hbm>>) target(%arg9 : memref<125x128xf32, #tpu.memory_space<vmem>>) offsets(%dma_start3A_41 : memref<125xi32, #tpu.memory_space<vmem>>) semaphore(%arg12 : memref<!tpu.dma_semaphore, #tpu.memory_space<semaphore_mem>>)
      %dma_start3A_45 = arith.constant 1 : i32
      %dma_start3A_46 = arith.constant 0 : i32
      %dma_start3A_47 = tpu.memref_slice %arg7[%dma_start3A_45, %dma_start3A_46] : memref<40x125xi32, #tpu.memory_space<vmem>> -> memref<1x125xi32, #tpu.memory_space<vmem>>
      %dma_start3A_48 = tpu.memref_squeeze %dma_start3A_47 : memref<1x125xi32, #tpu.memory_space<vmem>> -> memref<125xi32, #tpu.memory_space<vmem>>
      %dma_start3A_49 = arith.constant 0 : i32
      %dma_start3A_50 = arith.constant 0 : i32
      %dma_start3A_51 = tpu.memref_slice %arg2[%dma_start3A_49, %dma_start3A_50] : memref<10112x128xf32, #tpu.memory_space<hbm>> -> memref<10112x128xf32, #tpu.memory_space<hbm>>
      tpu.enqueue_indirect_dma source(%dma_start3A_51 : memref<10112x128xf32, #tpu.memory_space<hbm>>) target(%arg10 : memref<125x128xf32, #tpu.memory_space<vmem>>) offsets(%dma_start3A_48 : memref<125xi32, #tpu.memory_space<vmem>>) semaphore(%arg13 : memref<!tpu.dma_semaphore, #tpu.memory_space<semaphore_mem>>)
      %scan3A_52 = arith.constant 0 : i32
      %scan3A_53 = arith.constant 20 : i32
      %scan3A_54 = arith.addi %scan3A_52, %scan3A_53 : i32
      %scan3A_55 = arith.constant 1 : i32
      scf.for %scan3A_57 = %scan3A_52 to %scan3A_54 step %scan3A_55  : i32 {
        %mul3A_58 = arith.constant 2 : i32
        %mul3A_59 = arith.muli %scan3A_57, %mul3A_58 : i32
        %add3A_60 = arith.constant 0 : i32
        %add3A_61 = arith.addi %add3A_60, %mul3A_59 : i32
        %add3A_62 = arith.constant 0 : i32
        %add3A_63 = arith.addi %add3A_61, %add3A_62 : i32
        %dma_wait3A_64 = arith.constant 0 : i32
        %dma_wait3A_65 = tpu.memref_slice %arg7[%add3A_63, %dma_wait3A_64] : memref<40x125xi32, #tpu.memory_space<vmem>> -> memref<1x125xi32, #tpu.memory_space<vmem>>
        %dma_wait3A_66 = tpu.memref_squeeze %dma_wait3A_65 : memref<1x125xi32, #tpu.memory_space<vmem>> -> memref<125xi32, #tpu.memory_space<vmem>>
        %dma_wait3A_67 = arith.constant 0 : i32
        %dma_wait3A_68 = arith.constant 0 : i32
        %dma_wait3A_69 = tpu.memref_slice %arg2[%dma_wait3A_67, %dma_wait3A_68] : memref<10112x128xf32, #tpu.memory_space<hbm>> -> memref<10112x128xf32, #tpu.memory_space<hbm>>
        tpu.wait_indirect_dma semaphore(%arg12 : memref<!tpu.dma_semaphore, #tpu.memory_space<semaphore_mem>>) src(%dma_wait3A_69 : memref<10112x128xf32, #tpu.memory_space<hbm>>) dst(%arg9 : memref<125x128xf32, #tpu.memory_space<vmem>>)
        "tpu.region"() ({
          %run_scoped3A = tpu.sem_alloc : memref<!tpu.dma_semaphore, #tpu.memory_space<semaphore_mem>>
          %dma_start3A_89 = arith.constant 0 : i32
          %dma_start3A_90 = tpu.memref_slice %arg8[%add3A_63, %dma_start3A_89] : memref<40x125xi32, #tpu.memory_space<vmem>> -> memref<1x125xi32, #tpu.memory_space<vmem>>
          %dma_start3A_91 = tpu.memref_squeeze %dma_start3A_90 : memref<1x125xi32, #tpu.memory_space<vmem>> -> memref<125xi32, #tpu.memory_space<vmem>>
          %dma_start3A_92 = arith.constant 0 : i32
          %dma_start3A_93 = arith.constant 0 : i32
          %dma_start3A_94 = tpu.memref_slice %arg11[%dma_start3A_92, %dma_start3A_93] : memref<10112x128xf32, #tpu.memory_space<vmem_shared>> -> memref<10112x128xf32, #tpu.memory_space<vmem_shared>>
          tpu.enqueue_indirect_dma source(%arg9 : memref<125x128xf32, #tpu.memory_space<vmem>>) target(%dma_start3A_94 : memref<10112x128xf32, #tpu.memory_space<vmem_shared>>) offsets(%dma_start3A_91 : memref<125xi32, #tpu.memory_space<vmem>>) semaphore(%run_scoped3A : memref<!tpu.dma_semaphore, #tpu.memory_space<semaphore_mem>>) {add = true}
          %dma_wait3A_95 = arith.constant 0 : i32
          %dma_wait3A_96 = tpu.memref_slice %arg8[%add3A_63, %dma_wait3A_95] : memref<40x125xi32, #tpu.memory_space<vmem>> -> memref<1x125xi32, #tpu.memory_space<vmem>>
          %dma_wait3A_97 = tpu.memref_squeeze %dma_wait3A_96 : memref<1x125xi32, #tpu.memory_space<vmem>> -> memref<125xi32, #tpu.memory_space<vmem>>
          %dma_wait3A_98 = arith.constant 0 : i32
          %dma_wait3A_99 = arith.constant 0 : i32
          %dma_wait3A_100 = tpu.memref_slice %arg11[%dma_wait3A_98, %dma_wait3A_99] : memref<10112x128xf32, #tpu.memory_space<vmem_shared>> -> memref<10112x128xf32, #tpu.memory_space<vmem_shared>>
          tpu.wait_indirect_dma semaphore(%run_scoped3A : memref<!tpu.dma_semaphore, #tpu.memory_space<semaphore_mem>>) src(%arg9 : memref<125x128xf32, #tpu.memory_space<vmem>>) dst(%dma_wait3A_100 : memref<10112x128xf32, #tpu.memory_space<vmem_shared>>)
          tpu.yield
        }) : () -> ()
        %add3A_70 = arith.constant 2 : i32
        %add3A_71 = arith.addi %add3A_63, %add3A_70 : i32
        %lt3A = arith.constant 40 : i32
        %lt3A_72 = arith.cmpi slt, %add3A_71, %lt3A : i32
        %convert_element_type3A = arith.extui %lt3A_72 : i1 to i32
        %cond3A = arith.constant 0 : i32
        %cond3A_73 = arith.cmpi ne, %convert_element_type3A, %cond3A : i32
        scf.if %cond3A_73 {
          %add3A_89 = arith.constant 2 : i32
          %add3A_90 = arith.addi %add3A_63, %add3A_89 : i32
          %dma_start3A_91 = arith.constant 0 : i32
          %dma_start3A_92 = tpu.memref_slice %arg7[%add3A_90, %dma_start3A_91] : memref<40x125xi32, #tpu.memory_space<vmem>> -> memref<1x125xi32, #tpu.memory_space<vmem>>
          %dma_start3A_93 = tpu.memref_squeeze %dma_start3A_92 : memref<1x125xi32, #tpu.memory_space<vmem>> -> memref<125xi32, #tpu.memory_space<vmem>>
          %dma_start3A_94 = arith.constant 0 : i32
          %dma_start3A_95 = arith.constant 0 : i32
          %dma_start3A_96 = tpu.memref_slice %arg2[%dma_start3A_94, %dma_start3A_95] : memref<10112x128xf32, #tpu.memory_space<hbm>> -> memref<10112x128xf32, #tpu.memory_space<hbm>>
          tpu.enqueue_indirect_dma source(%dma_start3A_96 : memref<10112x128xf32, #tpu.memory_space<hbm>>) target(%arg9 : memref<125x128xf32, #tpu.memory_space<vmem>>) offsets(%dma_start3A_93 : memref<125xi32, #tpu.memory_space<vmem>>) semaphore(%arg12 : memref<!tpu.dma_semaphore, #tpu.memory_space<semaphore_mem>>)
        } else {
        }
        %add3A_74 = arith.constant 1 : i32
        %add3A_75 = arith.addi %add3A_61, %add3A_74 : i32
        %dma_wait3A_76 = arith.constant 0 : i32
        %dma_wait3A_77 = tpu.memref_slice %arg7[%add3A_75, %dma_wait3A_76] : memref<40x125xi32, #tpu.memory_space<vmem>> -> memref<1x125xi32, #tpu.memory_space<vmem>>
        %dma_wait3A_78 = tpu.memref_squeeze %dma_wait3A_77 : memref<1x125xi32, #tpu.memory_space<vmem>> -> memref<125xi32, #tpu.memory_space<vmem>>
        %dma_wait3A_79 = arith.constant 0 : i32
        %dma_wait3A_80 = arith.constant 0 : i32
        %dma_wait3A_81 = tpu.memref_slice %arg2[%dma_wait3A_79, %dma_wait3A_80] : memref<10112x128xf32, #tpu.memory_space<hbm>> -> memref<10112x128xf32, #tpu.memory_space<hbm>>
        tpu.wait_indirect_dma semaphore(%arg13 : memref<!tpu.dma_semaphore, #tpu.memory_space<semaphore_mem>>) src(%dma_wait3A_81 : memref<10112x128xf32, #tpu.memory_space<hbm>>) dst(%arg10 : memref<125x128xf32, #tpu.memory_space<vmem>>)
        "tpu.region"() ({
          %run_scoped3A = tpu.sem_alloc : memref<!tpu.dma_semaphore, #tpu.memory_space<semaphore_mem>>
          %dma_start3A_89 = arith.constant 0 : i32
          %dma_start3A_90 = tpu.memref_slice %arg8[%add3A_75, %dma_start3A_89] : memref<40x125xi32, #tpu.memory_space<vmem>> -> memref<1x125xi32, #tpu.memory_space<vmem>>
          %dma_start3A_91 = tpu.memref_squeeze %dma_start3A_90 : memref<1x125xi32, #tpu.memory_space<vmem>> -> memref<125xi32, #tpu.memory_space<vmem>>
          %dma_start3A_92 = arith.constant 0 : i32
          %dma_start3A_93 = arith.constant 0 : i32
          %dma_start3A_94 = tpu.memref_slice %arg11[%dma_start3A_92, %dma_start3A_93] : memref<10112x128xf32, #tpu.memory_space<vmem_shared>> -> memref<10112x128xf32, #tpu.memory_space<vmem_shared>>
          tpu.enqueue_indirect_dma source(%arg10 : memref<125x128xf32, #tpu.memory_space<vmem>>) target(%dma_start3A_94 : memref<10112x128xf32, #tpu.memory_space<vmem_shared>>) offsets(%dma_start3A_91 : memref<125xi32, #tpu.memory_space<vmem>>) semaphore(%run_scoped3A : memref<!tpu.dma_semaphore, #tpu.memory_space<semaphore_mem>>) {add = true}
          %dma_wait3A_95 = arith.constant 0 : i32
          %dma_wait3A_96 = tpu.memref_slice %arg8[%add3A_75, %dma_wait3A_95] : memref<40x125xi32, #tpu.memory_space<vmem>> -> memref<1x125xi32, #tpu.memory_space<vmem>>
          %dma_wait3A_97 = tpu.memref_squeeze %dma_wait3A_96 : memref<1x125xi32, #tpu.memory_space<vmem>> -> memref<125xi32, #tpu.memory_space<vmem>>
          %dma_wait3A_98 = arith.constant 0 : i32
          %dma_wait3A_99 = arith.constant 0 : i32
          %dma_wait3A_100 = tpu.memref_slice %arg11[%dma_wait3A_98, %dma_wait3A_99] : memref<10112x128xf32, #tpu.memory_space<vmem_shared>> -> memref<10112x128xf32, #tpu.memory_space<vmem_shared>>
          tpu.wait_indirect_dma semaphore(%run_scoped3A : memref<!tpu.dma_semaphore, #tpu.memory_space<semaphore_mem>>) src(%arg10 : memref<125x128xf32, #tpu.memory_space<vmem>>) dst(%dma_wait3A_100 : memref<10112x128xf32, #tpu.memory_space<vmem_shared>>)
          tpu.yield
        }) : () -> ()
        %add3A_82 = arith.constant 2 : i32
        %add3A_83 = arith.addi %add3A_75, %add3A_82 : i32
        %lt3A_84 = arith.constant 40 : i32
        %lt3A_85 = arith.cmpi slt, %add3A_83, %lt3A_84 : i32
        %convert_element_type3A_86 = arith.extui %lt3A_85 : i1 to i32
        %cond3A_87 = arith.constant 0 : i32
        %cond3A_88 = arith.cmpi ne, %convert_element_type3A_86, %cond3A_87 : i32
        scf.if %cond3A_88 {
          %add3A_89 = arith.constant 2 : i32
          %add3A_90 = arith.addi %add3A_75, %add3A_89 : i32
          %dma_start3A_91 = arith.constant 0 : i32
          %dma_start3A_92 = tpu.memref_slice %arg7[%add3A_90, %dma_start3A_91] : memref<40x125xi32, #tpu.memory_space<vmem>> -> memref<1x125xi32, #tpu.memory_space<vmem>>
          %dma_start3A_93 = tpu.memref_squeeze %dma_start3A_92 : memref<1x125xi32, #tpu.memory_space<vmem>> -> memref<125xi32, #tpu.memory_space<vmem>>
          %dma_start3A_94 = arith.constant 0 : i32
          %dma_start3A_95 = arith.constant 0 : i32
          %dma_start3A_96 = tpu.memref_slice %arg2[%dma_start3A_94, %dma_start3A_95] : memref<10112x128xf32, #tpu.memory_space<hbm>> -> memref<10112x128xf32, #tpu.memory_space<hbm>>
          tpu.enqueue_indirect_dma source(%dma_start3A_96 : memref<10112x128xf32, #tpu.memory_space<hbm>>) target(%arg10 : memref<125x128xf32, #tpu.memory_space<vmem>>) offsets(%dma_start3A_93 : memref<125xi32, #tpu.memory_space<vmem>>) semaphore(%arg13 : memref<!tpu.dma_semaphore, #tpu.memory_space<semaphore_mem>>)
        } else {
        }
      }
      %scan3A_56 = arith.constant 20 : i32
    }
    %scan3A_10 = arith.constant 2 : i32
    %barrier3A_11 = arith.constant 0 : index
    tpu.barrier barrier_id(%barrier3A_11)
    %mul3A_12 = arith.constant 632 : i32
    %mul3A_13 = arith.muli %arg1, %mul3A_12 : i32
    %mul3A_14 = arith.constant 632 : i32
    %mul3A_15 = arith.muli %arg1, %mul3A_14 : i32
    %dma_start3A = arith.constant 0 : i32
    %dma_start3A_16 = arith.constant 0 : i32
    %dma_start3A_17 = tpu.memref_slice %arg6[%arg0, %dma_start3A, %dma_start3A_16] : memref<2x10112x128xf32, #tpu.memory_space<hbm>> -> memref<1x10112x128xf32, #tpu.memory_space<hbm>>
    %dma_start3A_18 = tpu.memref_squeeze %dma_start3A_17 : memref<1x10112x128xf32, #tpu.memory_space<hbm>> -> memref<10112x128xf32, #tpu.memory_space<hbm>>
    %dma_start3A_19 = arith.constant 0 : i32
    %dma_start3A_20 = tpu.memref_slice %dma_start3A_18[%mul3A_15, %dma_start3A_19] : memref<10112x128xf32, #tpu.memory_space<hbm>> -> memref<632x128xf32, #tpu.memory_space<hbm>>
    %dma_start3A_21 = arith.constant 0 : i32
    %dma_start3A_22 = tpu.memref_slice %arg11[%mul3A_13, %dma_start3A_21] : memref<10112x128xf32, #tpu.memory_space<vmem_shared>> -> memref<632x128xf32, #tpu.memory_space<vmem_shared>>
    tpu.enqueue_dma source(%dma_start3A_22 : memref<632x128xf32, #tpu.memory_space<vmem_shared>>) target(%dma_start3A_20 : memref<632x128xf32, #tpu.memory_space<hbm>>) target_semaphore(%arg12 : memref<!tpu.dma_semaphore, #tpu.memory_space<semaphore_mem>>)
    %dma_wait3A = arith.constant 0 : i32
    %dma_wait3A_23 = arith.constant 0 : i32
    %dma_wait3A_24 = tpu.memref_slice %arg6[%arg0, %dma_wait3A, %dma_wait3A_23] : memref<2x10112x128xf32, #tpu.memory_space<hbm>> -> memref<1x10112x128xf32, #tpu.memory_space<hbm>>
    %dma_wait3A_25 = tpu.memref_squeeze %dma_wait3A_24 : memref<1x10112x128xf32, #tpu.memory_space<hbm>> -> memref<10112x128xf32, #tpu.memory_space<hbm>>
    %dma_wait3A_26 = arith.constant 0 : i32
    %dma_wait3A_27 = tpu.memref_slice %dma_wait3A_25[%mul3A_15, %dma_wait3A_26] : memref<10112x128xf32, #tpu.memory_space<hbm>> -> memref<632x128xf32, #tpu.memory_space<hbm>>
    %dma_wait3A_28 = arith.constant 0 : i32
    %dma_wait3A_29 = tpu.memref_slice %arg11[%mul3A_13, %dma_wait3A_28] : memref<10112x128xf32, #tpu.memory_space<vmem_shared>> -> memref<632x128xf32, #tpu.memory_space<vmem_shared>>
    tpu.wait_dma2 semaphore(%arg12 : memref<!tpu.dma_semaphore, #tpu.memory_space<semaphore_mem>>) src(%dma_wait3A_29 : memref<632x128xf32, #tpu.memory_space<vmem_shared>>) dst(%dma_wait3A_27 : memref<632x128xf32, #tpu.memory_space<hbm>>)
    return
  }
}

#map = affine_map<(d0, d1) -> (0, 0)>
#map1 = affine_map<(d0, d1) -> (0, 0, 0)>
module attributes {stable_mosaic.version = 14 : i64} {
  func.func @prop_kernel(%arg0: i32, %arg1: i32, %arg2: memref<10112x128xf32, #tpu.memory_space<hbm>>, %arg3: memref<2560x125xi32, #tpu.memory_space<hbm>>, %arg4: memref<2560x125xi32, #tpu.memory_space<hbm>>, %arg5: memref<10112x128xf32, #tpu.memory_space<hbm>>, %arg6: memref<2x10112x128xf32, #tpu.memory_space<hbm>>, %arg7: memref<40x125xi32, #tpu.memory_space<vmem>>, %arg8: memref<40x125xi32, #tpu.memory_space<vmem>>, %arg9: memref<125x128xf32, #tpu.memory_space<vmem>>, %arg10: memref<125x128xf32, #tpu.memory_space<vmem>>, %arg11: memref<10112x128xf32, #tpu.memory_space<vmem_shared>>, %arg12: memref<!tpu.dma_semaphore, #tpu.memory_space<semaphore_mem>>, %arg13: memref<!tpu.dma_semaphore, #tpu.memory_space<semaphore_mem>>) attributes {dimension_semantics = [#tpu.dimension_semantics<core_parallel>, #tpu.dimension_semantics<subcore_parallel>], iteration_bounds = array<i64: 2, 16>, scalar_prefetch = 0 : i64, scratch_operands = 7 : i64, tpu.core_type = #tpu.core_type<sc_vector_subcore>, window_params = [{transform_indices = #map}, {transform_indices = #map}, {transform_indices = #map}, {transform_indices = #map}, {transform_indices = #map1}]} {
    %mul3A = arith.constant 16 : i32
    %mul3A_0 = arith.muli %arg0, %mul3A : i32
    %add3A = arith.addi %mul3A_0, %arg1 : i32
    %mul3A_1 = arith.constant 80 : i32
    %mul3A_2 = arith.muli %add3A, %mul3A_1 : i32
    %mul3A_3 = arith.constant 632 : i32
    %mul3A_4 = arith.muli %arg1, %mul3A_3 : i32
    %mul3A_5 = arith.constant 632 : i32
    %mul3A_6 = arith.muli %arg1, %mul3A_5 : i32
    "tpu.region"() ({
      %run_scoped3A = tpu.sem_alloc : memref<!tpu.dma_semaphore, #tpu.memory_space<semaphore_mem>>
      %dma_start3A_30 = arith.constant 0 : i32
      %dma_start3A_31 = tpu.memref_slice %arg11[%mul3A_6, %dma_start3A_30] : memref<10112x128xf32, #tpu.memory_space<vmem_shared>> -> memref<632x128xf32, #tpu.memory_space<vmem_shared>>
      %dma_start3A_32 = arith.constant 0 : i32
      %dma_start3A_33 = tpu.memref_slice %arg5[%mul3A_4, %dma_start3A_32] : memref<10112x128xf32, #tpu.memory_space<hbm>> -> memref<632x128xf32, #tpu.memory_space<hbm>>
      tpu.enqueue_dma source(%dma_start3A_33 : memref<632x128xf32, #tpu.memory_space<hbm>>) target(%dma_start3A_31 : memref<632x128xf32, #tpu.memory_space<vmem_shared>>) target_semaphore(%run_scoped3A : memref<!tpu.dma_semaphore, #tpu.memory_space<semaphore_mem>>)
      %dma_wait3A_34 = arith.constant 0 : i32
      %dma_wait3A_35 = tpu.memref_slice %arg11[%mul3A_6, %dma_wait3A_34] : memref<10112x128xf32, #tpu.memory_space<vmem_shared>> -> memref<632x128xf32, #tpu.memory_space<vmem_shared>>
      %dma_wait3A_36 = arith.constant 0 : i32
      %dma_wait3A_37 = tpu.memref_slice %arg5[%mul3A_4, %dma_wait3A_36] : memref<10112x128xf32, #tpu.memory_space<hbm>> -> memref<632x128xf32, #tpu.memory_space<hbm>>
      tpu.wait_dma2 semaphore(%run_scoped3A : memref<!tpu.dma_semaphore, #tpu.memory_space<semaphore_mem>>) src(%dma_wait3A_37 : memref<632x128xf32, #tpu.memory_space<hbm>>) dst(%dma_wait3A_35 : memref<632x128xf32, #tpu.memory_space<vmem_shared>>)
      tpu.yield
    }) : () -> ()
    %barrier3A = arith.constant 0 : index
    tpu.barrier barrier_id(%barrier3A)
    %scan3A = arith.constant 0 : i32
    %scan3A_7 = arith.constant 2 : i32
    %scan3A_8 = arith.addi %scan3A, %scan3A_7 : i32
    %scan3A_9 = arith.constant 1 : i32
    scf.for %scan3A_30 = %scan3A to %scan3A_8 step %scan3A_9  : i32 {
      %mul3A_31 = arith.constant 1 : i32
      %mul3A_32 = arith.muli %scan3A_30, %mul3A_31 : i32
      %add3A_33 = arith.constant 0 : i32
      %add3A_34 = arith.addi %add3A_33, %mul3A_32 : i32
      %mul3A_35 = arith.constant 40 : i32
      %mul3A_36 = arith.muli %add3A_34, %mul3A_35 : i32
      %add3A_37 = arith.addi %mul3A_2, %mul3A_36 : i32
      "tpu.region"() ({
        %run_scoped3A = tpu.sem_alloc : memref<!tpu.dma_semaphore, #tpu.memory_space<semaphore_mem>>
        %dma_start3A_57 = arith.constant 0 : i32
        %dma_start3A_58 = tpu.memref_slice %arg3[%add3A_37, %dma_start3A_57] : memref<2560x125xi32, #tpu.memory_space<hbm>> -> memref<40x125xi32, #tpu.memory_space<hbm>>
        %dma_start3A_59 = arith.constant 0 : i32
        %dma_start3A_60 = tpu.memref_slice %arg3[%add3A_37, %dma_start3A_59] : memref<2560x125xi32, #tpu.memory_space<hbm>> -> memref<40x125xi32, #tpu.memory_space<hbm>>
        tpu.enqueue_dma source(%dma_start3A_60 : memref<40x125xi32, #tpu.memory_space<hbm>>) target(%arg7 : memref<40x125xi32, #tpu.memory_space<vmem>>) target_semaphore(%run_scoped3A : memref<!tpu.dma_semaphore, #tpu.memory_space<semaphore_mem>>)
        %dma_wait3A_61 = arith.constant 0 : i32
        %dma_wait3A_62 = tpu.memref_slice %arg3[%add3A_37, %dma_wait3A_61] : memref<2560x125xi32, #tpu.memory_space<hbm>> -> memref<40x125xi32, #tpu.memory_space<hbm>>
        %dma_wait3A_63 = arith.constant 0 : i32
        %dma_wait3A_64 = tpu.memref_slice %arg3[%add3A_37, %dma_wait3A_63] : memref<2560x125xi32, #tpu.memory_space<hbm>> -> memref<40x125xi32, #tpu.memory_space<hbm>>
        tpu.wait_dma2 semaphore(%run_scoped3A : memref<!tpu.dma_semaphore, #tpu.memory_space<semaphore_mem>>) src(%dma_wait3A_64 : memref<40x125xi32, #tpu.memory_space<hbm>>) dst(%arg7 : memref<40x125xi32, #tpu.memory_space<vmem>>)
        tpu.yield
      }) : () -> ()
      "tpu.region"() ({
        %run_scoped3A = tpu.sem_alloc : memref<!tpu.dma_semaphore, #tpu.memory_space<semaphore_mem>>
        %dma_start3A_57 = arith.constant 0 : i32
        %dma_start3A_58 = tpu.memref_slice %arg4[%add3A_37, %dma_start3A_57] : memref<2560x125xi32, #tpu.memory_space<hbm>> -> memref<40x125xi32, #tpu.memory_space<hbm>>
        %dma_start3A_59 = arith.constant 0 : i32
        %dma_start3A_60 = tpu.memref_slice %arg4[%add3A_37, %dma_start3A_59] : memref<2560x125xi32, #tpu.memory_space<hbm>> -> memref<40x125xi32, #tpu.memory_space<hbm>>
        tpu.enqueue_dma source(%dma_start3A_60 : memref<40x125xi32, #tpu.memory_space<hbm>>) target(%arg8 : memref<40x125xi32, #tpu.memory_space<vmem>>) target_semaphore(%run_scoped3A : memref<!tpu.dma_semaphore, #tpu.memory_space<semaphore_mem>>)
        %dma_wait3A_61 = arith.constant 0 : i32
        %dma_wait3A_62 = tpu.memref_slice %arg4[%add3A_37, %dma_wait3A_61] : memref<2560x125xi32, #tpu.memory_space<hbm>> -> memref<40x125xi32, #tpu.memory_space<hbm>>
        %dma_wait3A_63 = arith.constant 0 : i32
        %dma_wait3A_64 = tpu.memref_slice %arg4[%add3A_37, %dma_wait3A_63] : memref<2560x125xi32, #tpu.memory_space<hbm>> -> memref<40x125xi32, #tpu.memory_space<hbm>>
        tpu.wait_dma2 semaphore(%run_scoped3A : memref<!tpu.dma_semaphore, #tpu.memory_space<semaphore_mem>>) src(%dma_wait3A_64 : memref<40x125xi32, #tpu.memory_space<hbm>>) dst(%arg8 : memref<40x125xi32, #tpu.memory_space<vmem>>)
        tpu.yield
      }) : () -> ()
      %dma_start3A_38 = arith.constant 0 : i32
      %dma_start3A_39 = arith.constant 0 : i32
      %dma_start3A_40 = tpu.memref_slice %arg7[%dma_start3A_38, %dma_start3A_39] : memref<40x125xi32, #tpu.memory_space<vmem>> -> memref<1x125xi32, #tpu.memory_space<vmem>>
      %dma_start3A_41 = tpu.memref_squeeze %dma_start3A_40 : memref<1x125xi32, #tpu.memory_space<vmem>> -> memref<125xi32, #tpu.memory_space<vmem>>
      %dma_start3A_42 = arith.constant 0 : i32
      %dma_start3A_43 = arith.constant 0 : i32
      %dma_start3A_44 = tpu.memref_slice %arg2[%dma_start3A_42, %dma_start3A_43] : memref<10112x128xf32, #tpu.memory_space<hbm>> -> memref<10112x128xf32, #tpu.memory_space<hbm>>
      tpu.enqueue_indirect_dma source(%dma_start3A_44 : memref<10112x128xf32, #tpu.memory_space<hbm>>) target(%arg9 : memref<125x128xf32, #tpu.memory_space<vmem>>) offsets(%dma_start3A_41 : memref<125xi32, #tpu.memory_space<vmem>>) semaphore(%arg12 : memref<!tpu.dma_semaphore, #tpu.memory_space<semaphore_mem>>)
      %dma_start3A_45 = arith.constant 1 : i32
      %dma_start3A_46 = arith.constant 0 : i32
      %dma_start3A_47 = tpu.memref_slice %arg7[%dma_start3A_45, %dma_start3A_46] : memref<40x125xi32, #tpu.memory_space<vmem>> -> memref<1x125xi32, #tpu.memory_space<vmem>>
      %dma_start3A_48 = tpu.memref_squeeze %dma_start3A_47 : memref<1x125xi32, #tpu.memory_space<vmem>> -> memref<125xi32, #tpu.memory_space<vmem>>
      %dma_start3A_49 = arith.constant 0 : i32
      %dma_start3A_50 = arith.constant 0 : i32
      %dma_start3A_51 = tpu.memref_slice %arg2[%dma_start3A_49, %dma_start3A_50] : memref<10112x128xf32, #tpu.memory_space<hbm>> -> memref<10112x128xf32, #tpu.memory_space<hbm>>
      tpu.enqueue_indirect_dma source(%dma_start3A_51 : memref<10112x128xf32, #tpu.memory_space<hbm>>) target(%arg10 : memref<125x128xf32, #tpu.memory_space<vmem>>) offsets(%dma_start3A_48 : memref<125xi32, #tpu.memory_space<vmem>>) semaphore(%arg13 : memref<!tpu.dma_semaphore, #tpu.memory_space<semaphore_mem>>)
      %scan3A_52 = arith.constant 0 : i32
      %scan3A_53 = arith.constant 20 : i32
      %scan3A_54 = arith.addi %scan3A_52, %scan3A_53 : i32
      %scan3A_55 = arith.constant 1 : i32
      scf.for %scan3A_57 = %scan3A_52 to %scan3A_54 step %scan3A_55  : i32 {
        %mul3A_58 = arith.constant 2 : i32
        %mul3A_59 = arith.muli %scan3A_57, %mul3A_58 : i32
        %add3A_60 = arith.constant 0 : i32
        %add3A_61 = arith.addi %add3A_60, %mul3A_59 : i32
        %add3A_62 = arith.constant 0 : i32
        %add3A_63 = arith.addi %add3A_61, %add3A_62 : i32
        %dma_wait3A_64 = arith.constant 0 : i32
        %dma_wait3A_65 = tpu.memref_slice %arg7[%add3A_63, %dma_wait3A_64] : memref<40x125xi32, #tpu.memory_space<vmem>> -> memref<1x125xi32, #tpu.memory_space<vmem>>
        %dma_wait3A_66 = tpu.memref_squeeze %dma_wait3A_65 : memref<1x125xi32, #tpu.memory_space<vmem>> -> memref<125xi32, #tpu.memory_space<vmem>>
        %dma_wait3A_67 = arith.constant 0 : i32
        %dma_wait3A_68 = arith.constant 0 : i32
        %dma_wait3A_69 = tpu.memref_slice %arg2[%dma_wait3A_67, %dma_wait3A_68] : memref<10112x128xf32, #tpu.memory_space<hbm>> -> memref<10112x128xf32, #tpu.memory_space<hbm>>
        tpu.wait_indirect_dma semaphore(%arg12 : memref<!tpu.dma_semaphore, #tpu.memory_space<semaphore_mem>>) src(%dma_wait3A_69 : memref<10112x128xf32, #tpu.memory_space<hbm>>) dst(%arg9 : memref<125x128xf32, #tpu.memory_space<vmem>>)
        "tpu.region"() ({
          %run_scoped3A = tpu.sem_alloc : memref<!tpu.dma_semaphore, #tpu.memory_space<semaphore_mem>>
          %dma_start3A_89 = arith.constant 0 : i32
          %dma_start3A_90 = tpu.memref_slice %arg8[%add3A_63, %dma_start3A_89] : memref<40x125xi32, #tpu.memory_space<vmem>> -> memref<1x125xi32, #tpu.memory_space<vmem>>
          %dma_start3A_91 = tpu.memref_squeeze %dma_start3A_90 : memref<1x125xi32, #tpu.memory_space<vmem>> -> memref<125xi32, #tpu.memory_space<vmem>>
          %dma_start3A_92 = arith.constant 0 : i32
          %dma_start3A_93 = arith.constant 0 : i32
          %dma_start3A_94 = tpu.memref_slice %arg11[%dma_start3A_92, %dma_start3A_93] : memref<10112x128xf32, #tpu.memory_space<vmem_shared>> -> memref<10112x128xf32, #tpu.memory_space<vmem_shared>>
          tpu.enqueue_indirect_dma source(%arg9 : memref<125x128xf32, #tpu.memory_space<vmem>>) target(%dma_start3A_94 : memref<10112x128xf32, #tpu.memory_space<vmem_shared>>) offsets(%dma_start3A_91 : memref<125xi32, #tpu.memory_space<vmem>>) semaphore(%run_scoped3A : memref<!tpu.dma_semaphore, #tpu.memory_space<semaphore_mem>>) {add = true}
          %dma_wait3A_95 = arith.constant 0 : i32
          %dma_wait3A_96 = tpu.memref_slice %arg8[%add3A_63, %dma_wait3A_95] : memref<40x125xi32, #tpu.memory_space<vmem>> -> memref<1x125xi32, #tpu.memory_space<vmem>>
          %dma_wait3A_97 = tpu.memref_squeeze %dma_wait3A_96 : memref<1x125xi32, #tpu.memory_space<vmem>> -> memref<125xi32, #tpu.memory_space<vmem>>
          %dma_wait3A_98 = arith.constant 0 : i32
          %dma_wait3A_99 = arith.constant 0 : i32
          %dma_wait3A_100 = tpu.memref_slice %arg11[%dma_wait3A_98, %dma_wait3A_99] : memref<10112x128xf32, #tpu.memory_space<vmem_shared>> -> memref<10112x128xf32, #tpu.memory_space<vmem_shared>>
          tpu.wait_indirect_dma semaphore(%run_scoped3A : memref<!tpu.dma_semaphore, #tpu.memory_space<semaphore_mem>>) src(%arg9 : memref<125x128xf32, #tpu.memory_space<vmem>>) dst(%dma_wait3A_100 : memref<10112x128xf32, #tpu.memory_space<vmem_shared>>)
          tpu.yield
        }) : () -> ()
        %add3A_70 = arith.constant 2 : i32
        %add3A_71 = arith.addi %add3A_63, %add3A_70 : i32
        %lt3A = arith.constant 40 : i32
        %lt3A_72 = arith.cmpi slt, %add3A_71, %lt3A : i32
        %convert_element_type3A = arith.extui %lt3A_72 : i1 to i32
        %cond3A = arith.constant 0 : i32
        %cond3A_73 = arith.cmpi ne, %convert_element_type3A, %cond3A : i32
        scf.if %cond3A_73 {
          %add3A_89 = arith.constant 2 : i32
          %add3A_90 = arith.addi %add3A_63, %add3A_89 : i32
          %dma_start3A_91 = arith.constant 0 : i32
          %dma_start3A_92 = tpu.memref_slice %arg7[%add3A_90, %dma_start3A_91] : memref<40x125xi32, #tpu.memory_space<vmem>> -> memref<1x125xi32, #tpu.memory_space<vmem>>
          %dma_start3A_93 = tpu.memref_squeeze %dma_start3A_92 : memref<1x125xi32, #tpu.memory_space<vmem>> -> memref<125xi32, #tpu.memory_space<vmem>>
          %dma_start3A_94 = arith.constant 0 : i32
          %dma_start3A_95 = arith.constant 0 : i32
          %dma_start3A_96 = tpu.memref_slice %arg2[%dma_start3A_94, %dma_start3A_95] : memref<10112x128xf32, #tpu.memory_space<hbm>> -> memref<10112x128xf32, #tpu.memory_space<hbm>>
          tpu.enqueue_indirect_dma source(%dma_start3A_96 : memref<10112x128xf32, #tpu.memory_space<hbm>>) target(%arg9 : memref<125x128xf32, #tpu.memory_space<vmem>>) offsets(%dma_start3A_93 : memref<125xi32, #tpu.memory_space<vmem>>) semaphore(%arg12 : memref<!tpu.dma_semaphore, #tpu.memory_space<semaphore_mem>>)
        } else {
        }
        %add3A_74 = arith.constant 1 : i32
        %add3A_75 = arith.addi %add3A_61, %add3A_74 : i32
        %dma_wait3A_76 = arith.constant 0 : i32
        %dma_wait3A_77 = tpu.memref_slice %arg7[%add3A_75, %dma_wait3A_76] : memref<40x125xi32, #tpu.memory_space<vmem>> -> memref<1x125xi32, #tpu.memory_space<vmem>>
        %dma_wait3A_78 = tpu.memref_squeeze %dma_wait3A_77 : memref<1x125xi32, #tpu.memory_space<vmem>> -> memref<125xi32, #tpu.memory_space<vmem>>
        %dma_wait3A_79 = arith.constant 0 : i32
        %dma_wait3A_80 = arith.constant 0 : i32
        %dma_wait3A_81 = tpu.memref_slice %arg2[%dma_wait3A_79, %dma_wait3A_80] : memref<10112x128xf32, #tpu.memory_space<hbm>> -> memref<10112x128xf32, #tpu.memory_space<hbm>>
        tpu.wait_indirect_dma semaphore(%arg13 : memref<!tpu.dma_semaphore, #tpu.memory_space<semaphore_mem>>) src(%dma_wait3A_81 : memref<10112x128xf32, #tpu.memory_space<hbm>>) dst(%arg10 : memref<125x128xf32, #tpu.memory_space<vmem>>)
        "tpu.region"() ({
          %run_scoped3A = tpu.sem_alloc : memref<!tpu.dma_semaphore, #tpu.memory_space<semaphore_mem>>
          %dma_start3A_89 = arith.constant 0 : i32
          %dma_start3A_90 = tpu.memref_slice %arg8[%add3A_75, %dma_start3A_89] : memref<40x125xi32, #tpu.memory_space<vmem>> -> memref<1x125xi32, #tpu.memory_space<vmem>>
          %dma_start3A_91 = tpu.memref_squeeze %dma_start3A_90 : memref<1x125xi32, #tpu.memory_space<vmem>> -> memref<125xi32, #tpu.memory_space<vmem>>
          %dma_start3A_92 = arith.constant 0 : i32
          %dma_start3A_93 = arith.constant 0 : i32
          %dma_start3A_94 = tpu.memref_slice %arg11[%dma_start3A_92, %dma_start3A_93] : memref<10112x128xf32, #tpu.memory_space<vmem_shared>> -> memref<10112x128xf32, #tpu.memory_space<vmem_shared>>
          tpu.enqueue_indirect_dma source(%arg10 : memref<125x128xf32, #tpu.memory_space<vmem>>) target(%dma_start3A_94 : memref<10112x128xf32, #tpu.memory_space<vmem_shared>>) offsets(%dma_start3A_91 : memref<125xi32, #tpu.memory_space<vmem>>) semaphore(%run_scoped3A : memref<!tpu.dma_semaphore, #tpu.memory_space<semaphore_mem>>) {add = true}
          %dma_wait3A_95 = arith.constant 0 : i32
          %dma_wait3A_96 = tpu.memref_slice %arg8[%add3A_75, %dma_wait3A_95] : memref<40x125xi32, #tpu.memory_space<vmem>> -> memref<1x125xi32, #tpu.memory_space<vmem>>
          %dma_wait3A_97 = tpu.memref_squeeze %dma_wait3A_96 : memref<1x125xi32, #tpu.memory_space<vmem>> -> memref<125xi32, #tpu.memory_space<vmem>>
          %dma_wait3A_98 = arith.constant 0 : i32
          %dma_wait3A_99 = arith.constant 0 : i32
          %dma_wait3A_100 = tpu.memref_slice %arg11[%dma_wait3A_98, %dma_wait3A_99] : memref<10112x128xf32, #tpu.memory_space<vmem_shared>> -> memref<10112x128xf32, #tpu.memory_space<vmem_shared>>
          tpu.wait_indirect_dma semaphore(%run_scoped3A : memref<!tpu.dma_semaphore, #tpu.memory_space<semaphore_mem>>) src(%arg10 : memref<125x128xf32, #tpu.memory_space<vmem>>) dst(%dma_wait3A_100 : memref<10112x128xf32, #tpu.memory_space<vmem_shared>>)
          tpu.yield
        }) : () -> ()
        %add3A_82 = arith.constant 2 : i32
        %add3A_83 = arith.addi %add3A_75, %add3A_82 : i32
        %lt3A_84 = arith.constant 40 : i32
        %lt3A_85 = arith.cmpi slt, %add3A_83, %lt3A_84 : i32
        %convert_element_type3A_86 = arith.extui %lt3A_85 : i1 to i32
        %cond3A_87 = arith.constant 0 : i32
        %cond3A_88 = arith.cmpi ne, %convert_element_type3A_86, %cond3A_87 : i32
        scf.if %cond3A_88 {
          %add3A_89 = arith.constant 2 : i32
          %add3A_90 = arith.addi %add3A_75, %add3A_89 : i32
          %dma_start3A_91 = arith.constant 0 : i32
          %dma_start3A_92 = tpu.memref_slice %arg7[%add3A_90, %dma_start3A_91] : memref<40x125xi32, #tpu.memory_space<vmem>> -> memref<1x125xi32, #tpu.memory_space<vmem>>
          %dma_start3A_93 = tpu.memref_squeeze %dma_start3A_92 : memref<1x125xi32, #tpu.memory_space<vmem>> -> memref<125xi32, #tpu.memory_space<vmem>>
          %dma_start3A_94 = arith.constant 0 : i32
          %dma_start3A_95 = arith.constant 0 : i32
          %dma_start3A_96 = tpu.memref_slice %arg2[%dma_start3A_94, %dma_start3A_95] : memref<10112x128xf32, #tpu.memory_space<hbm>> -> memref<10112x128xf32, #tpu.memory_space<hbm>>
          tpu.enqueue_indirect_dma source(%dma_start3A_96 : memref<10112x128xf32, #tpu.memory_space<hbm>>) target(%arg10 : memref<125x128xf32, #tpu.memory_space<vmem>>) offsets(%dma_start3A_93 : memref<125xi32, #tpu.memory_space<vmem>>) semaphore(%arg13 : memref<!tpu.dma_semaphore, #tpu.memory_space<semaphore_mem>>)
        } else {
        }
      }
      %scan3A_56 = arith.constant 20 : i32
    }
    %scan3A_10 = arith.constant 2 : i32
    %barrier3A_11 = arith.constant 0 : index
    tpu.barrier barrier_id(%barrier3A_11)
    %mul3A_12 = arith.constant 632 : i32
    %mul3A_13 = arith.muli %arg1, %mul3A_12 : i32
    %mul3A_14 = arith.constant 632 : i32
    %mul3A_15 = arith.muli %arg1, %mul3A_14 : i32
    %dma_start3A = arith.constant 0 : i32
    %dma_start3A_16 = arith.constant 0 : i32
    %dma_start3A_17 = tpu.memref_slice %arg6[%arg0, %dma_start3A, %dma_start3A_16] : memref<2x10112x128xf32, #tpu.memory_space<hbm>> -> memref<1x10112x128xf32, #tpu.memory_space<hbm>>
    %dma_start3A_18 = tpu.memref_squeeze %dma_start3A_17 : memref<1x10112x128xf32, #tpu.memory_space<hbm>> -> memref<10112x128xf32, #tpu.memory_space<hbm>>
    %dma_start3A_19 = arith.constant 0 : i32
    %dma_start3A_20 = tpu.memref_slice %dma_start3A_18[%mul3A_15, %dma_start3A_19] : memref<10112x128xf32, #tpu.memory_space<hbm>> -> memref<632x128xf32, #tpu.memory_space<hbm>>
    %dma_start3A_21 = arith.constant 0 : i32
    %dma_start3A_22 = tpu.memref_slice %arg11[%mul3A_13, %dma_start3A_21] : memref<10112x128xf32, #tpu.memory_space<vmem_shared>> -> memref<632x128xf32, #tpu.memory_space<vmem_shared>>
    tpu.enqueue_dma source(%dma_start3A_22 : memref<632x128xf32, #tpu.memory_space<vmem_shared>>) target(%dma_start3A_20 : memref<632x128xf32, #tpu.memory_space<hbm>>) target_semaphore(%arg12 : memref<!tpu.dma_semaphore, #tpu.memory_space<semaphore_mem>>)
    %dma_wait3A = arith.constant 0 : i32
    %dma_wait3A_23 = arith.constant 0 : i32
    %dma_wait3A_24 = tpu.memref_slice %arg6[%arg0, %dma_wait3A, %dma_wait3A_23] : memref<2x10112x128xf32, #tpu.memory_space<hbm>> -> memref<1x10112x128xf32, #tpu.memory_space<hbm>>
    %dma_wait3A_25 = tpu.memref_squeeze %dma_wait3A_24 : memref<1x10112x128xf32, #tpu.memory_space<hbm>> -> memref<10112x128xf32, #tpu.memory_space<hbm>>
    %dma_wait3A_26 = arith.constant 0 : i32
    %dma_wait3A_27 = tpu.memref_slice %dma_wait3A_25[%mul3A_15, %dma_wait3A_26] : memref<10112x128xf32, #tpu.memory_space<hbm>> -> memref<632x128xf32, #tpu.memory_space<hbm>>
    %dma_wait3A_28 = arith.constant 0 : i32
    %dma_wait3A_29 = tpu.memref_slice %arg11[%mul3A_13, %dma_wait3A_28] : memref<10112x128xf32, #tpu.memory_space<vmem_shared>> -> memref<632x128xf32, #tpu.memory_space<vmem_shared>>
    tpu.wait_dma2 semaphore(%arg12 : memref<!tpu.dma_semaphore, #tpu.memory_space<semaphore_mem>>) src(%dma_wait3A_29 : memref<632x128xf32, #tpu.memory_space<vmem_shared>>) dst(%dma_wait3A_27 : memref<632x128xf32, #tpu.memory_space<hbm>>)
    return
  }
}

module attributes {stable_mosaic.version = 14 : i64} {
  func.func @body(%arg0: i32, %arg1: memref<632x128xf32, #tpu.memory_space<vmem>>, %arg2: memref<128x128xf32, #tpu.memory_space<vmem>>, %arg3: memref<632x128xf32, #tpu.memory_space<vmem>>) attributes {dimension_semantics = [#tpu.dimension_semantics<arbitrary>], iteration_bounds = array<i64: 16>, scalar_prefetch = 0 : i64, scratch_operands = 0 : i64, tpu.core_type = #tpu.core_type<tc>, window_params = [{transform_indices = @transform_0, window_bounds = array<i64: 632, 128>}, {pipeline_mode = #tpu.pipeline_mode<synchronous>, transform_indices = @transform_1, window_bounds = array<i64: 128, 128>}, {transform_indices = @transform_2, window_bounds = array<i64: 632, 128>}]} {
    %get3A = arith.constant 0 : index
    %get3A_0 = arith.constant 0 : index
    %get3A_1 = vector.load %arg1[%get3A, %get3A_0] : memref<632x128xf32, #tpu.memory_space<vmem>>, vector<632x128xf32>
    %get3A_2 = arith.constant 0 : index
    %get3A_3 = arith.constant 0 : index
    %get3A_4 = vector.load %arg2[%get3A_2, %get3A_3] : memref<128x128xf32, #tpu.memory_space<vmem>>, vector<128x128xf32>
    %dot_general3A = arith.constant dense<0.000000e+00> : vector<632x128xf32>
    %dot_general3A_5 = tpu.matmul %get3A_1, %get3A_4, %dot_general3A {dimension_numbers = #tpu.dot_dimension_numbers<[1], [0], [0], [1], [0, 0, 1, 1], [], []>, precision = #tpu.contract_precision<fp32>, transpose_lhs_hint = false} : vector<632x128xf32>, vector<128x128xf32>, vector<632x128xf32> -> vector<632x128xf32>
    %swap3A = arith.constant 0 : index
    %swap3A_6 = arith.constant 0 : index
    %swap3A_7 = vector.load %arg3[%swap3A, %swap3A_6] : memref<632x128xf32, #tpu.memory_space<vmem>>, vector<632x128xf32>
    tpu.vector_store %arg3[%swap3A, %swap3A_6], %dot_general3A_5 {strides = array<i32>} : memref<632x128xf32, #tpu.memory_space<vmem>>, vector<632x128xf32>,
    return
  }
  func.func @transform_0(%arg0: i32) -> (i32, i32) {
    %c0_i32 = arith.constant 0 : i32
    %c0_i32_0 = arith.constant 0 : i32
    return %arg0, %c0_i32 : i32, i32
  }
  func.func @transform_1(%arg0: i32) -> (i32, i32) {
    %c0_i32 = arith.constant 0 : i32
    %c0_i32_0 = arith.constant 0 : i32
    %c0_i32_1 = arith.constant 0 : i32
    return %c0_i32, %c0_i32_0 : i32, i32
  }
  func.func @transform_2(%arg0: i32) -> (i32, i32) {
    %c0_i32 = arith.constant 0 : i32
    %c0_i32_0 = arith.constant 0 : i32
    return %arg0, %c0_i32 : i32, i32
  }
}

module attributes {stable_mosaic.version = 14 : i64} {
  func.func @body(%arg0: i32, %arg1: memref<2x632x128xf32, #tpu.memory_space<vmem>>, %arg2: memref<632x128xf32, #tpu.memory_space<vmem>>, %arg3: memref<632x128xf32, #tpu.memory_space<vmem>>, %arg4: memref<1x128xf32, #tpu.memory_space<vmem>>, %arg5: memref<128x128xf32, #tpu.memory_space<vmem>>, %arg6: memref<632x128xf32, #tpu.memory_space<vmem>>) attributes {dimension_semantics = [#tpu.dimension_semantics<arbitrary>], iteration_bounds = array<i64: 16>, scalar_prefetch = 0 : i64, scratch_operands = 0 : i64, tpu.core_type = #tpu.core_type<tc>, window_params = [{transform_indices = @transform_0, window_bounds = array<i64: 2, 632, 128>}, {transform_indices = @transform_1, window_bounds = array<i64: 632, 128>}, {transform_indices = @transform_2, window_bounds = array<i64: 632, 128>}, {pipeline_mode = #tpu.pipeline_mode<synchronous>, transform_indices = @transform_3, window_bounds = array<i64: 1, 128>}, {pipeline_mode = #tpu.pipeline_mode<synchronous>, transform_indices = @transform_4, window_bounds = array<i64: 128, 128>}, {transform_indices = @transform_5, window_bounds = array<i64: 632, 128>}]} {
    %get3A = arith.constant 0 : index
    %get3A_0 = arith.constant 0 : index
    %get3A_1 = arith.constant 0 : index
    %get3A_2 = vector.load %arg1[%get3A, %get3A_0, %get3A_1] : memref<2x632x128xf32, #tpu.memory_space<vmem>>, vector<1x632x128xf32>
    %get3A_3 = vector.shape_cast %get3A_2 : vector<1x632x128xf32> to vector<632x128xf32>
    %get3A_4 = arith.constant 1 : index
    %get3A_5 = arith.constant 0 : index
    %get3A_6 = arith.constant 0 : index
    %get3A_7 = vector.load %arg1[%get3A_4, %get3A_5, %get3A_6] : memref<2x632x128xf32, #tpu.memory_space<vmem>>, vector<1x632x128xf32>
    %get3A_8 = vector.shape_cast %get3A_7 : vector<1x632x128xf32> to vector<632x128xf32>
    %add3A = arith.addf %get3A_3, %get3A_8 : vector<632x128xf32>
    %get3A_9 = arith.constant 0 : index
    %get3A_10 = arith.constant 0 : index
    %get3A_11 = vector.load %arg2[%get3A_9, %get3A_10] : memref<632x128xf32, #tpu.memory_space<vmem>>, vector<632x128xf32>
    %slice3A = vector.extract_strided_slice %get3A_11 {offsets = [0, 0], sizes = [632, 1], strides = [1, 1]} : vector<632x128xf32> to vector<632x1xf32>
    %jit3A = arith.constant 1.000000e+00 : f32
    %max3A = vector.broadcast %jit3A : f32 to vector<632x1xf32>
    %max3A_12 = arith.maximumf %max3A, %slice3A : vector<632x1xf32>
    %rsqrt3A = math.rsqrt %max3A_12 : vector<632x1xf32>
    %mul3A = vector.broadcast %rsqrt3A : vector<632x1xf32> to vector<632x128xf32>
    %mul3A_13 = arith.mulf %add3A, %mul3A : vector<632x128xf32>
    %get3A_14 = arith.constant 0 : index
    %get3A_15 = arith.constant 0 : index
    %get3A_16 = vector.load %arg4[%get3A_14, %get3A_15] : memref<1x128xf32, #tpu.memory_space<vmem>>, vector<1x128xf32>
    %add3A_17 = vector.broadcast %get3A_16 : vector<1x128xf32> to vector<632x128xf32>
    %add3A_18 = arith.addf %mul3A_13, %add3A_17 : vector<632x128xf32>
    %max3A_19 = arith.constant 0.000000e+00 : f32
    %max3A_20 = vector.broadcast %max3A_19 : f32 to vector<632x128xf32>
    %max3A_21 = arith.maximumf %add3A_18, %max3A_20 : vector<632x128xf32>
    %get3A_22 = arith.constant 0 : index
    %get3A_23 = arith.constant 0 : index
    %get3A_24 = vector.load %arg5[%get3A_22, %get3A_23] : memref<128x128xf32, #tpu.memory_space<vmem>>, vector<128x128xf32>
    %dot_general3A = arith.constant dense<0.000000e+00> : vector<632x128xf32>
    %dot_general3A_25 = tpu.matmul %max3A_21, %get3A_24, %dot_general3A {dimension_numbers = #tpu.dot_dimension_numbers<[1], [0], [0], [1], [0, 0, 1, 1], [], []>, precision = #tpu.contract_precision<fp32>, transpose_lhs_hint = false} : vector<632x128xf32>, vector<128x128xf32>, vector<632x128xf32> -> vector<632x128xf32>
    %get3A_26 = arith.constant 0 : index
    %get3A_27 = arith.constant 0 : index
    %get3A_28 = vector.load %arg3[%get3A_26, %get3A_27] : memref<632x128xf32, #tpu.memory_space<vmem>>, vector<632x128xf32>
    %slice3A_29 = vector.extract_strided_slice %get3A_28 {offsets = [0, 0], sizes = [632, 1], strides = [1, 1]} : vector<632x128xf32> to vector<632x1xf32>
    %jit3A_30 = arith.constant 1.000000e+00 : f32
    %max3A_31 = vector.broadcast %jit3A_30 : f32 to vector<632x1xf32>
    %max3A_32 = arith.maximumf %max3A_31, %slice3A_29 : vector<632x1xf32>
    %rsqrt3A_33 = math.rsqrt %max3A_32 : vector<632x1xf32>
    %mul3A_34 = vector.broadcast %rsqrt3A_33 : vector<632x1xf32> to vector<632x128xf32>
    %mul3A_35 = arith.mulf %dot_general3A_25, %mul3A_34 : vector<632x128xf32>
    %swap3A = arith.constant 0 : index
    %swap3A_36 = arith.constant 0 : index
    %swap3A_37 = vector.load %arg6[%swap3A, %swap3A_36] : memref<632x128xf32, #tpu.memory_space<vmem>>, vector<632x128xf32>
    tpu.vector_store %arg6[%swap3A, %swap3A_36], %mul3A_35 {strides = array<i32>} : memref<632x128xf32, #tpu.memory_space<vmem>>, vector<632x128xf32>,
    return
  }
  func.func @transform_0(%arg0: i32) -> (i32, i32, i32) {
    %c0_i32 = arith.constant 0 : i32
    %c0_i32_0 = arith.constant 0 : i32
    %c0_i32_1 = arith.constant 0 : i32
    return %c0_i32, %arg0, %c0_i32_0 : i32, i32, i32
  }
  func.func @transform_1(%arg0: i32) -> (i32, i32) {
    %c0_i32 = arith.constant 0 : i32
    %c0_i32_0 = arith.constant 0 : i32
    return %arg0, %c0_i32 : i32, i32
  }
  func.func @transform_2(%arg0: i32) -> (i32, i32) {
    %c0_i32 = arith.constant 0 : i32
    %c0_i32_0 = arith.constant 0 : i32
    return %arg0, %c0_i32 : i32, i32
  }
  func.func @transform_3(%arg0: i32) -> (i32, i32) {
    %c0_i32 = arith.constant 0 : i32
    %c0_i32_0 = arith.constant 0 : i32
    %c0_i32_1 = arith.constant 0 : i32
    return %c0_i32, %c0_i32_0 : i32, i32
  }
  func.func @transform_4(%arg0: i32) -> (i32, i32) {
    %c0_i32 = arith.constant 0 : i32
    %c0_i32_0 = arith.constant 0 : i32
    %c0_i32_1 = arith.constant 0 : i32
    return %c0_i32, %c0_i32_0 : i32, i32
  }
  func.func @transform_5(%arg0: i32) -> (i32, i32) {
    %c0_i32 = arith.constant 0 : i32
    %c0_i32_0 = arith.constant 0 : i32
    return %arg0, %c0_i32 : i32, i32
  }
}

module attributes {stable_mosaic.version = 14 : i64} {
  func.func @body(%arg0: i32, %arg1: memref<632x128xf32, #tpu.memory_space<vmem>>, %arg2: memref<632x128xf32, #tpu.memory_space<vmem>>, %arg3: memref<632x128xf32, #tpu.memory_space<vmem>>) attributes {dimension_semantics = [#tpu.dimension_semantics<arbitrary>], iteration_bounds = array<i64: 16>, scalar_prefetch = 0 : i64, scratch_operands = 0 : i64, tpu.core_type = #tpu.core_type<tc>, window_params = [{transform_indices = @transform_0, window_bounds = array<i64: 632, 128>}, {transform_indices = @transform_1, window_bounds = array<i64: 632, 128>}, {transform_indices = @transform_2, window_bounds = array<i64: 632, 128>}]} {
    %get3A = arith.constant 0 : index
    %get3A_0 = arith.constant 0 : index
    %get3A_1 = vector.load %arg1[%get3A, %get3A_0] : memref<632x128xf32, #tpu.memory_space<vmem>>, vector<632x128xf32>
    %get3A_2 = arith.constant 0 : index
    %get3A_3 = arith.constant 0 : index
    %get3A_4 = vector.load %arg2[%get3A_2, %get3A_3] : memref<632x128xf32, #tpu.memory_space<vmem>>, vector<632x128xf32>
    %slice3A = vector.extract_strided_slice %get3A_4 {offsets = [0, 0], sizes = [632, 1], strides = [1, 1]} : vector<632x128xf32> to vector<632x1xf32>
    %jit3A = arith.constant 1.000000e+00 : f32
    %max3A = vector.broadcast %jit3A : f32 to vector<632x1xf32>
    %max3A_5 = arith.maximumf %max3A, %slice3A : vector<632x1xf32>
    %rsqrt3A = math.rsqrt %max3A_5 : vector<632x1xf32>
    %mul3A = vector.broadcast %rsqrt3A : vector<632x1xf32> to vector<632x128xf32>
    %mul3A_6 = arith.mulf %get3A_1, %mul3A : vector<632x128xf32>
    %swap3A = arith.constant 0 : index
    %swap3A_7 = arith.constant 0 : index
    %swap3A_8 = vector.load %arg3[%swap3A, %swap3A_7] : memref<632x128xf32, #tpu.memory_space<vmem>>, vector<632x128xf32>
    tpu.vector_store %arg3[%swap3A, %swap3A_7], %mul3A_6 {strides = array<i32>} : memref<632x128xf32, #tpu.memory_space<vmem>>, vector<632x128xf32>,
    return
  }
  func.func @transform_0(%arg0: i32) -> (i32, i32) {
    %c0_i32 = arith.constant 0 : i32
    %c0_i32_0 = arith.constant 0 : i32
    return %arg0, %c0_i32 : i32, i32
  }
  func.func @transform_1(%arg0: i32) -> (i32, i32) {
    %c0_i32 = arith.constant 0 : i32
    %c0_i32_0 = arith.constant 0 : i32
    return %arg0, %c0_i32 : i32, i32
  }
  func.func @transform_2(%arg0: i32) -> (i32, i32) {
    %c0_i32 = arith.constant 0 : i32
    %c0_i32_0 = arith.constant 0 : i32
    return %arg0, %c0_i32 : i32, i32
  }
}

module attributes {stable_mosaic.version = 14 : i64} {
  func.func @body(%arg0: i32, %arg1: memref<2x632x128xf32, #tpu.memory_space<vmem>>, %arg2: memref<632x128xf32, #tpu.memory_space<vmem>>, %arg3: memref<632x128xf32, #tpu.memory_space<vmem>>, %arg4: memref<1x128xf32, #tpu.memory_space<vmem>>, %arg5: memref<632x128xf32, #tpu.memory_space<vmem>>) attributes {dimension_semantics = [#tpu.dimension_semantics<arbitrary>], iteration_bounds = array<i64: 16>, scalar_prefetch = 0 : i64, scratch_operands = 0 : i64, tpu.core_type = #tpu.core_type<tc>, window_params = [{transform_indices = @transform_0, window_bounds = array<i64: 2, 632, 128>}, {transform_indices = @transform_1, window_bounds = array<i64: 632, 128>}, {transform_indices = @transform_2, window_bounds = array<i64: 632, 128>}, {pipeline_mode = #tpu.pipeline_mode<synchronous>, transform_indices = @transform_3, window_bounds = array<i64: 1, 128>}, {transform_indices = @transform_4, window_bounds = array<i64: 632, 128>}]} {
    %get3A = arith.constant 0 : index
    %get3A_0 = arith.constant 0 : index
    %get3A_1 = arith.constant 0 : index
    %get3A_2 = vector.load %arg1[%get3A, %get3A_0, %get3A_1] : memref<2x632x128xf32, #tpu.memory_space<vmem>>, vector<1x632x128xf32>
    %get3A_3 = vector.shape_cast %get3A_2 : vector<1x632x128xf32> to vector<632x128xf32>
    %get3A_4 = arith.constant 1 : index
    %get3A_5 = arith.constant 0 : index
    %get3A_6 = arith.constant 0 : index
    %get3A_7 = vector.load %arg1[%get3A_4, %get3A_5, %get3A_6] : memref<2x632x128xf32, #tpu.memory_space<vmem>>, vector<1x632x128xf32>
    %get3A_8 = vector.shape_cast %get3A_7 : vector<1x632x128xf32> to vector<632x128xf32>
    %add3A = arith.addf %get3A_3, %get3A_8 : vector<632x128xf32>
    %get3A_9 = arith.constant 0 : index
    %get3A_10 = arith.constant 0 : index
    %get3A_11 = vector.load %arg2[%get3A_9, %get3A_10] : memref<632x128xf32, #tpu.memory_space<vmem>>, vector<632x128xf32>
    %slice3A = vector.extract_strided_slice %get3A_11 {offsets = [0, 0], sizes = [632, 1], strides = [1, 1]} : vector<632x128xf32> to vector<632x1xf32>
    %jit3A = arith.constant 1.000000e+00 : f32
    %max3A = vector.broadcast %jit3A : f32 to vector<632x1xf32>
    %max3A_12 = arith.maximumf %max3A, %slice3A : vector<632x1xf32>
    %rsqrt3A = math.rsqrt %max3A_12 : vector<632x1xf32>
    %mul3A = vector.broadcast %rsqrt3A : vector<632x1xf32> to vector<632x128xf32>
    %mul3A_13 = arith.mulf %add3A, %mul3A : vector<632x128xf32>
    %get3A_14 = arith.constant 0 : index
    %get3A_15 = arith.constant 0 : index
    %get3A_16 = vector.load %arg4[%get3A_14, %get3A_15] : memref<1x128xf32, #tpu.memory_space<vmem>>, vector<1x128xf32>
    %add3A_17 = vector.broadcast %get3A_16 : vector<1x128xf32> to vector<632x128xf32>
    %add3A_18 = arith.addf %mul3A_13, %add3A_17 : vector<632x128xf32>
    %max3A_19 = arith.constant 0.000000e+00 : f32
    %max3A_20 = vector.broadcast %max3A_19 : f32 to vector<632x128xf32>
    %max3A_21 = arith.maximumf %add3A_18, %max3A_20 : vector<632x128xf32>
    %get3A_22 = arith.constant 0 : index
    %get3A_23 = arith.constant 0 : index
    %get3A_24 = vector.load %arg3[%get3A_22, %get3A_23] : memref<632x128xf32, #tpu.memory_space<vmem>>, vector<632x128xf32>
    %slice3A_25 = vector.extract_strided_slice %get3A_24 {offsets = [0, 0], sizes = [632, 1], strides = [1, 1]} : vector<632x128xf32> to vector<632x1xf32>
    %jit3A_26 = arith.constant 1.000000e+00 : f32
    %max3A_27 = vector.broadcast %jit3A_26 : f32 to vector<632x1xf32>
    %max3A_28 = arith.maximumf %max3A_27, %slice3A_25 : vector<632x1xf32>
    %rsqrt3A_29 = math.rsqrt %max3A_28 : vector<632x1xf32>
    %mul3A_30 = vector.broadcast %rsqrt3A_29 : vector<632x1xf32> to vector<632x128xf32>
    %mul3A_31 = arith.mulf %max3A_21, %mul3A_30 : vector<632x128xf32>
    %swap3A = arith.constant 0 : index
    %swap3A_32 = arith.constant 0 : index
    %swap3A_33 = vector.load %arg5[%swap3A, %swap3A_32] : memref<632x128xf32, #tpu.memory_space<vmem>>, vector<632x128xf32>
    tpu.vector_store %arg5[%swap3A, %swap3A_32], %mul3A_31 {strides = array<i32>} : memref<632x128xf32, #tpu.memory_space<vmem>>, vector<632x128xf32>,
    return
  }
  func.func @transform_0(%arg0: i32) -> (i32, i32, i32) {
    %c0_i32 = arith.constant 0 : i32
    %c0_i32_0 = arith.constant 0 : i32
    %c0_i32_1 = arith.constant 0 : i32
    return %c0_i32, %arg0, %c0_i32_0 : i32, i32, i32
  }
  func.func @transform_1(%arg0: i32) -> (i32, i32) {
    %c0_i32 = arith.constant 0 : i32
    %c0_i32_0 = arith.constant 0 : i32
    return %arg0, %c0_i32 : i32, i32
  }
  func.func @transform_2(%arg0: i32) -> (i32, i32) {
    %c0_i32 = arith.constant 0 : i32
    %c0_i32_0 = arith.constant 0 : i32
    return %arg0, %c0_i32 : i32, i32
  }
  func.func @transform_3(%arg0: i32) -> (i32, i32) {
    %c0_i32 = arith.constant 0 : i32
    %c0_i32_0 = arith.constant 0 : i32
    %c0_i32_1 = arith.constant 0 : i32
    return %c0_i32, %c0_i32_0 : i32, i32
  }
  func.func @transform_4(%arg0: i32) -> (i32, i32) {
    %c0_i32 = arith.constant 0 : i32
    %c0_i32_0 = arith.constant 0 : i32
    return %arg0, %c0_i32 : i32, i32
  }
}

module attributes {stable_mosaic.version = 14 : i64} {
  func.func @body(%arg0: i32, %arg1: memref<2x632x128xf32, #tpu.memory_space<vmem>>, %arg2: memref<632x128xf32, #tpu.memory_space<vmem>>, %arg3: memref<1x64xf32, #tpu.memory_space<vmem>>, %arg4: memref<128x64xf32, #tpu.memory_space<vmem>>, %arg5: memref<632x64xf32, #tpu.memory_space<vmem>>) attributes {dimension_semantics = [#tpu.dimension_semantics<arbitrary>], iteration_bounds = array<i64: 16>, scalar_prefetch = 0 : i64, scratch_operands = 0 : i64, tpu.core_type = #tpu.core_type<tc>, window_params = [{transform_indices = @transform_0, window_bounds = array<i64: 2, 632, 128>}, {transform_indices = @transform_1, window_bounds = array<i64: 632, 128>}, {pipeline_mode = #tpu.pipeline_mode<synchronous>, transform_indices = @transform_2, window_bounds = array<i64: 1, 64>}, {pipeline_mode = #tpu.pipeline_mode<synchronous>, transform_indices = @transform_3, window_bounds = array<i64: 128, 64>}, {transform_indices = @transform_4, window_bounds = array<i64: 632, 64>}]} {
    %get3A = arith.constant 0 : index
    %get3A_0 = arith.constant 0 : index
    %get3A_1 = arith.constant 0 : index
    %get3A_2 = vector.load %arg1[%get3A, %get3A_0, %get3A_1] : memref<2x632x128xf32, #tpu.memory_space<vmem>>, vector<1x632x128xf32>
    %get3A_3 = vector.shape_cast %get3A_2 : vector<1x632x128xf32> to vector<632x128xf32>
    %get3A_4 = arith.constant 1 : index
    %get3A_5 = arith.constant 0 : index
    %get3A_6 = arith.constant 0 : index
    %get3A_7 = vector.load %arg1[%get3A_4, %get3A_5, %get3A_6] : memref<2x632x128xf32, #tpu.memory_space<vmem>>, vector<1x632x128xf32>
    %get3A_8 = vector.shape_cast %get3A_7 : vector<1x632x128xf32> to vector<632x128xf32>
    %add3A = arith.addf %get3A_3, %get3A_8 : vector<632x128xf32>
    %get3A_9 = arith.constant 0 : index
    %get3A_10 = arith.constant 0 : index
    %get3A_11 = vector.load %arg2[%get3A_9, %get3A_10] : memref<632x128xf32, #tpu.memory_space<vmem>>, vector<632x128xf32>
    %slice3A = vector.extract_strided_slice %get3A_11 {offsets = [0, 0], sizes = [632, 1], strides = [1, 1]} : vector<632x128xf32> to vector<632x1xf32>
    %jit3A = arith.constant 1.000000e+00 : f32
    %max3A = vector.broadcast %jit3A : f32 to vector<632x1xf32>
    %max3A_12 = arith.maximumf %max3A, %slice3A : vector<632x1xf32>
    %rsqrt3A = math.rsqrt %max3A_12 : vector<632x1xf32>
    %mul3A = vector.broadcast %rsqrt3A : vector<632x1xf32> to vector<632x128xf32>
    %mul3A_13 = arith.mulf %add3A, %mul3A : vector<632x128xf32>
    %get3A_14 = arith.constant 0 : index
    %get3A_15 = arith.constant 0 : index
    %get3A_16 = vector.load %arg4[%get3A_14, %get3A_15] : memref<128x64xf32, #tpu.memory_space<vmem>>, vector<128x64xf32>
    %dot_general3A = arith.constant dense<0.000000e+00> : vector<632x64xf32>
    %dot_general3A_17 = tpu.matmul %mul3A_13, %get3A_16, %dot_general3A {dimension_numbers = #tpu.dot_dimension_numbers<[1], [0], [0], [1], [0, 0, 1, 1], [], []>, precision = #tpu.contract_precision<fp32>, transpose_lhs_hint = false} : vector<632x128xf32>, vector<128x64xf32>, vector<632x64xf32> -> vector<632x64xf32>
    %get3A_18 = arith.constant 0 : index
    %get3A_19 = arith.constant 0 : index
    %get3A_20 = vector.load %arg3[%get3A_18, %get3A_19] : memref<1x64xf32, #tpu.memory_space<vmem>>, vector<1x64xf32>
    %add3A_21 = vector.broadcast %get3A_20 : vector<1x64xf32> to vector<632x64xf32>
    %add3A_22 = arith.addf %dot_general3A_17, %add3A_21 : vector<632x64xf32>
    %swap3A = arith.constant 0 : index
    %swap3A_23 = arith.constant 0 : index
    %swap3A_24 = vector.load %arg5[%swap3A, %swap3A_23] : memref<632x64xf32, #tpu.memory_space<vmem>>, vector<632x64xf32>
    tpu.vector_store %arg5[%swap3A, %swap3A_23], %add3A_22 {strides = array<i32>} : memref<632x64xf32, #tpu.memory_space<vmem>>, vector<632x64xf32>,
    return
  }
  func.func @transform_0(%arg0: i32) -> (i32, i32, i32) {
    %c0_i32 = arith.constant 0 : i32
    %c0_i32_0 = arith.constant 0 : i32
    %c0_i32_1 = arith.constant 0 : i32
    return %c0_i32, %arg0, %c0_i32_0 : i32, i32, i32
  }
  func.func @transform_1(%arg0: i32) -> (i32, i32) {
    %c0_i32 = arith.constant 0 : i32
    %c0_i32_0 = arith.constant 0 : i32
    return %arg0, %c0_i32 : i32, i32
  }
  func.func @transform_2(%arg0: i32) -> (i32, i32) {
    %c0_i32 = arith.constant 0 : i32
    %c0_i32_0 = arith.constant 0 : i32
    %c0_i32_1 = arith.constant 0 : i32
    return %c0_i32, %c0_i32_0 : i32, i32
  }
  func.func @transform_3(%arg0: i32) -> (i32, i32) {
    %c0_i32 = arith.constant 0 : i32
    %c0_i32_0 = arith.constant 0 : i32
    %c0_i32_1 = arith.constant 0 : i32
    return %c0_i32, %c0_i32_0 : i32, i32
  }
  func.func @transform_4(%arg0: i32) -> (i32, i32) {
    %c0_i32 = arith.constant 0 : i32
    %c0_i32_0 = arith.constant 0 : i32
    return %arg0, %c0_i32 : i32, i32
  }
}

</mosaic_0001>

<sc_bundles>
// kernel: kernel.11.cloned.1.call-start
scs
__scs_entry_jumppad:
0x0: {  	(pc) =	sbr.rel $0x88, $3  }
0x1: {  	(tag) =	ssettag $0x0;
	lr =	simm.s32 $0x1  }
0x2: {  	[smem:$0x3F99] =	sst lr;
	_ =	strace $0xD0000000  }
0x3: {  	_ = 	snop  }
0x4: {  	_ = 	snop  }
0x5: {  	_ = 	snop  }
0x6: {  	_ = 	snop  }
0x7: {  	_ = 	snop  }
__scs_overlays_trampoline_lowered:
0x8: {  	[smem:$0x3FA8] =	sst s0  }
0x9: {  	[smem:$0x3FA9] =	sst s1  }
0xa: {  	[smem:$0x3FAA] =	sst s2  }
0xb: {  	[smem:$0x3FAB] =	sst s3  }
0xc: {  	[smem:$0x3FAC] =	sst s4  }
0xd: {  	[smem:$0x3FAD] =	sst s5  }
0xe: {  	[smem:$0x3FAE] =	sst s6  }
0xf: {  	[smem:$0x3FAF] =	sst s7  }
0x10: {  	[smem:$0x3FB0] =	sst s8  }
0x11: {  	[smem:$0x3FB1] =	sst s9;
	s0 =	simm.s32 @!p0 $0x0  }
0x12: {  	s1 =	sld [smem:$0x3F97];
	s0 =	simm.s32 @p0 $0x1  }
0x13: {  	[smem:$0x3FB2] =	sst s0;
	s0 =	simm.s32 @!p1 $0x0  }
0x14: {  	s2 =	sld [smem:$0x3F96];
	s0 =	simm.s32 @p1 $0x1  }
0x15: {  	[smem:$0x3FB3] =	sst s0;
	s0 =	simm.s32 @!p2 $0x0  }
0x16: {  	s3 =	sld [smem:$0x3FDB];
	s0 =	simm.s32 @p2 $0x1  }
0x17: {  	s4 =	simm.s32 $0x1BF5;
	[smem:$0x3FB5] =	sst s0  }
0x18: {  	s0 =	sld [smem:$0x3F98];
	_ =	swait.ge [sflag:s4], $0x0  }
0x19: {  	s7 =	sld [smem:$0x3F99]  }
0x1a: {  	s8 =	sadd.s32 $0xFFFFE003, lr  }
0x1b: {  	s9 =	sadd.s32 $0xFFFFFEF7, lr;
	s5 =	simm.s32 $0xFFFFFFFF;
	p2 =	slt.u32 s8, $0xFFFFF086  }
0x1c: {  	p1 =	slt.u32 s9, $0xF7A;
	s5 =	simm.s32 @!p2 $0x0  }
0x1d: {  	s5 =	simm.s32 @p1 $0x1;
	p0 =	seq.s32 s7, s2  }
0x1e: {  	s7 =	smul.u32 @!p0 $0xF7A, s2;
	p2 =	seq.s32 @!p0 s5, $0x0  }
0x1f: {  	s9 =	smul.u32 $0xF7A, s1;
	s8 =	simm.s32 @!p0 $0x1BF5;
	p2 =	por !p2, p0  }
0x20: {  	[sflag:s8] =	ssyncset.s32 @!p0 $0xFFFFF086;
	s6 =	sadd.s32 @!p0 s3, s7;
	s7 =	simm.s32 @!p0 $0x108  }
0x21: {  	s3 =	sadd.s32 s3, s9;
	s6 =	sadd.s32 @!p0 $0x88, s6;
	s7 =	simm.s32 @p2 $0x1082  }
0x22: {  	[simem:s7], [sflag:s8] =	dma.local @!p0 [hbm:s6], $0xF7A  }
0x23: {  	s9 =	sor.u32 $0xD0000000, s2;
	s6 =	simm.s32 $0x108;
	_ =	swait.ge @!p0 [sflag:s8], $0x0  }
0x24: {  	s3 =	sadd.s32 $0x88, s3;
	s6 =	simm.s32 @!p1 $0x1082;
	[sflag:s4] =	ssyncset.s32 $0xFFFFF086  }
0x25: {  	[simem:s6], [sflag:s4] =	dma.local [hbm:s3], $0xF7A  }
0x26: {  	[smem:$0x3F99] =	sst s1;
	(tag) =	ssettag s2;
	_ =	strace s9  }
0x27: {  	s1 =	sld [smem:$0x3FA9]  }
0x28: {  	s2 =	sld [smem:$0x3FAA]  }
0x29: {  	s4 =	sld [smem:$0x3FAC]  }
0x2a: {  	p0 =	seq.s32 s5, $0x0;
	s5 =	sld [smem:$0x3FAD]  }
0x2b: {  	s6 =	sld [smem:$0x3FAE]  }
0x2c: {  	s7 =	sld [smem:$0x3FAF]  }
0x2d: {  	s3 =	simm.s32 $0x108;
	s8 =	sld [smem:$0x3FB0]  }
0x2e: {  	s3 =	simm.s32 @!p0 $0x1082;
	s9 =	sld [smem:$0x3FB1]  }
0x2f: {  	lr =	sadd.s32 s0, s3;
	s0 =	sld [smem:$0x3FA8]  }
0x30: {  	s3 =	sld [smem:$0x3FAB]  }
0x31: {  	[smem:$0x3FB4] =	sst s10  }
0x32: {  	s10 =	sld [smem:$0x3FB2];
	_ =	sdelay $0x3  }
0x33: {  	p0 =	seq.s32 s10, $0x1;
	s10 =	sld [smem:$0x3FB4];
	_ =	sdelay $0x3  }
0x34: {  	[smem:$0x3FB4] =	sst s10  }
0x35: {  	s10 =	sld [smem:$0x3FB3];
	_ =	sdelay $0x3  }
0x36: {  	p1 =	seq.s32 s10, $0x1;
	s10 =	sld [smem:$0x3FB4];
	_ =	sdelay $0x3  }
0x37: {  	[smem:$0x3FB4] =	sst s10  }
0x38: {  	s10 =	sld [smem:$0x3FB5]  }
0x39: {  	_ = 	snop;
	(pc) =	sbr.ind lr, $3  }
0x3a: {  	_ = 	snop  }
0x3b: {  	_ = 	snop  }
0x3c: {  	p2 =	seq.s32 s10, $0x1;
	s10 =	sld [smem:$0x3FB4]  }
0x3d: {  	_ =	shalt  }
0x3e: {  	_ =	shalt  }
0x3f: {  	_ =	shalt  }
0x40: {  	_ =	shalt  }
0x41: {  	_ =	shalt  }
0x42: {  	_ =	shalt  }
0x43: {  	_ =	shalt  }
0x44: {  	_ =	shalt  }
0x45: {  	_ =	shalt  }
0x46: {  	_ =	shalt  }
0x47: {  	_ =	shalt  }
0x48: {  	_ =	shalt  }
0x49: {  	_ =	shalt  }
0x4a: {  	_ =	shalt  }
0x4b: {  	_ =	shalt  }
0x4c: {  	_ =	shalt  }
0x4d: {  	_ =	shalt  }
0x4e: {  	_ =	shalt  }
0x4f: {  	_ =	shalt  }
0x50: {  	_ =	shalt  }
0x51: {  	_ =	shalt  }
0x52: {  	_ =	shalt  }
0x53: {  	_ =	shalt  }
0x54: {  	_ =	shalt  }
0x55: {  	_ =	shalt  }
0x56: {  	_ =	shalt  }
0x57: {  	_ =	shalt  }
0x58: {  	_ =	shalt  }
0x59: {  	_ =	shalt  }
0x5a: {  	_ =	shalt  }
0x5b: {  	_ =	shalt  }
0x5c: {  	_ =	shalt  }
0x5d: {  	_ =	shalt  }
0x5e: {  	_ =	shalt  }
0x5f: {  	_ =	shalt  }
0x60: {  	_ =	shalt  }
0x61: {  	_ =	shalt  }
0x62: {  	_ =	shalt  }
0x63: {  	_ =	shalt  }
0x64: {  	_ =	shalt  }
0x65: {  	_ =	shalt  }
0x66: {  	_ =	shalt  }
0x67: {  	_ =	shalt  }
0x68: {  	_ =	shalt  }
0x69: {  	_ =	shalt  }
0x6a: {  	_ =	shalt  }
0x6b: {  	_ =	shalt  }
0x6c: {  	_ =	shalt  }
0x6d: {  	_ =	shalt  }
0x6e: {  	_ =	shalt  }
0x6f: {  	_ =	shalt  }
0x70: {  	_ =	shalt  }
0x71: {  	_ =	shalt  }
0x72: {  	_ =	shalt  }
0x73: {  	_ =	shalt  }
0x74: {  	_ =	shalt  }
0x75: {  	_ =	shalt  }
0x76: {  	_ =	shalt  }
0x77: {  	_ =	shalt  }
0x78: {  	_ =	shalt  }
0x79: {  	_ =	shalt  }
0x7a: {  	_ =	shalt  }
0x7b: {  	_ =	shalt  }
0x7c: {  	_ =	shalt  }
0x7d: {  	_ =	shalt  }
0x7e: {  	_ =	shalt  }
0x7f: {  	_ =	shalt  }
0x80: {  	_ =	shalt  }
0x81: {  	_ =	shalt  }
0x82: {  	_ =	shalt  }
0x83: {  	_ =	shalt  }
0x84: {  	_ =	shalt  }
0x85: {  	_ =	shalt  }
0x86: {  	_ =	shalt  }
0x87: {  	_ =	shalt  }
.Lfunc_end0:
.L_simem_size_0:
called_computation_lowered:
.L_overlay_start_0:
0x88: {  	s2 =	sld [smem:$0x3FD9]  }
0x89: {  	s3 =	sld [smem:$0x3FFE];
	_ =	sdelay $0x1  }
0x8a: {  	s1 =	srdreg.scid  }
0x8b: {  	s0 =	sand.u32 $0x1, s1  }
0x8c: {  	s16 =	sshll.u32 s0, $0xA;
	s2 =	sadd.s32 s3, s2  }
0x8d: {  	s2 =	sadd.s32 s2, s16  }
0x8e: {  	[smem:$0x3FC0] =	sst s2  }
0x8f: {  	_ = 	snop  }
0x90: {  	(tm) =	ssettm $0x1  }
0x91: {  	s17 =	sld [smem:$0x3FFB];
	_ =	sdelay $0x3  }
0x92: {  	_ =	strace s17  }
0x93: {  	s2 =	sld [smem:$0x3FFC];
	_ =	sdelay $0x3  }
0x94: {  	_ =	strace s2  }
0x95: {  	s2 =	sld [smem:$0x3FFD];
	_ =	sdelay $0x3  }
0x96: {  	_ =	strace s2  }
0x97: {  	_ =	strace $0x8FFFFFFF  }
0x98: {  	s18 =	sld [smem:$0x3FDB];
	_ =	sdelay $0x1  }
0x99: {  	s19 =	simm.s32 $_scs_section_size  }
0x9a: {  	s4 =	simm.s32 $_size__tile_overlayer_lowered;
	s5 =	simm.s32 $_tile_overlayer_lowered  }
0x9b: {  	s22 =	simm.s32 $0x1BFF;
	s21 =	sshll.u32 s5, $0x1;
	s2 =	sadd.s32 s19, s18  }
0x9c: {  	s6 =	simm.s32 $0x0;
	s20 =	sshll.u32 s4, $0x1;
	s4 =	sadd.s32 s21, s2  }
0x9d: {  	[timem:s6], [sflag:s22] =	dma.local [hbm:s4], s20  }
0x9e: {  	_ =	swait.ge [sflag:s22], s20  }
0x9f: {  	s3 =	ssub.s32 $0x0, s20;
	[sflag:s22] =	ssyncset.done $0x0  }
0xa0: {  	[sflag:s22] =	ssyncadd.s32 s3;
	_ =	sdelay $0x1  }
0xa1: {  	s23 =	simm.s32 $0x1B8B  }
0xa2: {  	_ =	swait.ge [sflag:s23], $0x1  }
0xa3: {  	[sflag:s23] =	ssyncset.done $0x0  }
0xa4: {  	s25 =	simm.s32 $0x1B8E;
	s24 =	sld [smem:$0x3FFE];
	[sflag:s23] =	ssyncadd.s32 $0xFFFFFFFF  }
0xa5: {  	s26 =	simm.s32 $execute0_lowered;
	[smem:$0x3FD2] =	sst s25  }
0xa6: {  	s4 =	sshll.u32 s26, $0x1;
	_ =	strace $0x80000046;
	[dreg:$0x1] =	wrdreg $0xFFFFFFFF  }
0xa7: {  	s28 =	simm.s32 $_size_execute0_lowered;
	s2 =	sadd.s32 s2, s4;
	[dreg:$0x0] =	wrdreg $0x0  }
0xa8: {  	s4 =	sshll.u32 s28, $0x1;
	[dreg:$0x2] =	wrdreg s2  }
0xa9: {  	[dreg:$0x3] =	wrdreg s4  }
0xaa: {  	[dreg:$0x4] =	wrdreg $0xC0  }
0xab: {  	_ =	task [dreg:s6], $0x5FFFF  }
0xac: {  	[dreg:$0x1] =	wrdreg $0xFFFFFFFF  }
0xad: {  	[dreg:$0x0] =	wrdreg $0x60  }
0xae: {  	[dreg:$0x2] =	wrdreg s24  }
0xaf: {  	[dreg:$0x3] =	wrdreg $0x90000  }
0xb0: {  	[dreg:$0x4] =	wrdreg $0x9  }
0xb1: {  	_ =	task.clear_ibuf [dreg:s6], $0x5FFFF;
	_ =	strace $0x90000046  }
0xb2: {  	s29 =	simm.s32 $0x9;
	_ =	strace $0x80000048  }
0xb3: {  	_ =	swait.ge [sflag:s29], $0x1  }
0xb4: {  	[sflag:s29] =	ssyncadd.s32 $0xFFFFFFFF  }
0xb5: {  	_ =	strace $0x90000048  }
0xb6: {  	_ =	sfence  }
0xb7: {  	s30 =	sld [smem:$0x0];
	_ =	sdelay $0x2  }
0xb8: {  	s31 =	sshll.u32 s1, $0xD;
	s1 =	sshrl.u32 s1, $0x2  }
0xb9: {  	s3 =	sand.u32 $0x4000, s31;
	s1 =	sadd.s32 s1, s30  }
0xba: {  	s0 =	sor.u32 s3, s0;
	s1 =	sshll.u32 s1, $0x11  }
0xbb: {  	s0 =	sor.u32 s1, s0  }
0xbc: {  	s0 =	sadd.s32 $0x8F2B, s0  }
0xbd: {  	[sflag:s0] =	ssyncadd.remote.s32 $0x1  }
0xbe: {  	_ =	sfence.sel $0xFFFF  }
0xbf: {  	[dreg:$0x0] =	wrdreg $0xFFFFFFFF;
	(pc) =	sbr.abs _section_cstart, $3  }
0xc0: {  	[dreg:$0x1] =	wrdreg $0xFFFFFFFF  }
0xc1: {  	_ =	task.clear_ibuf [dreg:s6], $0x2FFFF;
	_ =	strace $0x9FFFFFFF  }
0xc2: {  	(tm) =	ssettm $0x7FFFFFFF  }
0xc3: {  	_ =	shalt  }
tec
execute0_lowered:
.L_overlay_start_1:
0x0: {  	(tag) =	ssettag $0x1  }
0x1: {  	s5 =	rddreg [dreg:$0x0]  }
0x2: {  	s0 =	srdreg.scid;
	s1 =	stileid.u32  }
0x3: {  	s2 =	rddreg [dreg:$0x1];
	s7 =	smul.u32 $0xA00, s1  }
0x4: {  	s3 =	simm.s32 $0x0;
	s12 =	simm.s32 $0x7D;
	s14 =	smul.u32 $0x2780, s1  }
0x5: {  	s4 =	sand.u32 $0x1, s0;
	s0 =	rddreg [dreg:$0x2];
	s9 =	smul.u32 $0x4F000, s1  }
0x6: {  	s13 =	simm.s32 $0x1;
	[smem:$0x7FF] =	sst s3;
	s6 =	smul.u32 $0xA000, s4  }
0x7: {  	s16 =	sshll.u32 s1, $0x6;
	_ =	strace $0x80000047;
	s29 =	smul.u32 $0x27800, s4  }
0x8: {  	s8 =	ssub.s32 $0x2, s4;
	s4 =	sadd.s32 $0x48200, s5;
	s10 =	sadd.s32 s14, s5  }
0x9: {  	s11 =	sshrl.u32 s8, $0x1;
	s30 =	sshrl.u32 s9, $0x2;
	s9 =	simm.s32 $0x2  }
0xa: {  	s6 =	sadd.s32 s7, s6;
	s7 =	sadd.s32 s29, s5;
	s8 =	ssub.s32 s8, s11  }
0xb: {  	s31 =	sadd.s32 s30, s2;
	s6 =	sadd.s32 s6, s5;
	s5 =	sadd.s32 $0x20A00, s10  }
0xc: {  	s15 =	sadd.s32 $0x48A00, s7;
	s7 =	smax.u32 s8, $0x1;
	s8 =	simm.s32 $0x5000  }
0xd: {  	s10 =	sor.u32 $0x1C02, s16;
	s11 =	sshrl.u32 s31, $0x3;
	s6 =	sadd.s32 $0xCA00, s6  }
0xe: {  	s14 =	sadd.s32 s14, s15;
	s15 =	sor.u32 $0x1C01, s16;
	s16 =	simm.s32 $0x0  }
.LBB2_1:
0xf: {  	[tilespmem:s8], [sflag:$0x2] =	stream.linear.gather [hbm4b:s4+s3], $0x3E80, $0x38;
	[tilespmem:$0x1CC00] =	vst v63  }
0x10: {  	_ =	swait.ge [sflag:s9], $0x3E80  }
0x11: {  	[sflag:s9] =	ssyncset.done $0x0  }
0x12: {  	[sflag:s9] =	ssyncadd.s32 $0xFFFFC180  }
0x13: {  	[spmem:s11], [sflag:s10] =	dma.local [hbm:s5], $0x2780  }
0x14: {  	_ =	swait.ge [sflag:s9], $0x2780  }
0x15: {  	[sflag:s9] =	ssyncset.done $0x0  }
0x16: {  	[sflag:s9] =	ssyncadd.s32 $0xFFFFD880  }
0x17: {  	[tilespmem:s3], [sflag:$0x2] =	stream.linear.gather [hbm4b:s6+s3], $0x5000, $0x38;
	[tilespmem:$0x1CC00] =	vst v63  }
0x18: {  	_ =	swait.ge [sflag:s9], $0x5000  }
0x19: {  	[sflag:s9] =	ssyncset.done $0x0  }
0x1a: {  	[sflag:s9] =	ssyncadd.s32 $0xFFFFB000  }
0x1b: {  	s17 =	simm.s32 $0x0;
	[bflag:$0x0] =	sbarrier.arrive $0xFFFF  }
0x1c: {  	[spmem:s2] =	stream.indirect.scatter.add.f32 [tilespmem:s8], [sflag:$0x1], $0x80, s17, s12, $0xb8;
	[tilespmem:$0x1CC00] =	vst v63  }
0x1d: {  	s24 =	simm.s32 $0x80  }
0x1e: {  	[spmem:s2] =	stream.indirect.scatter.add.f32 [tilespmem:s8], [sflag:$0x1], $0x80, s24, s12, $0xb8;
	[tilespmem:$0x1CC00] =	vst v63  }
0x1f: {  	s25 =	simm.s32 $0x100  }
0x20: {  	[spmem:s2] =	stream.indirect.scatter.add.f32 [tilespmem:s8], [sflag:$0x1], $0x80, s25, s12, $0xb8;
	[tilespmem:$0x1CC00] =	vst v63  }
0x21: {  	s26 =	simm.s32 $0x180  }
0x22: {  	[spmem:s2] =	stream.indirect.scatter.add.f32 [tilespmem:s8], [sflag:$0x1], $0x80, s26, s12, $0xb8;
	[tilespmem:$0x1CC00] =	vst v63  }
0x23: {  	s28 =	simm.s32 $0x200  }
0x24: {  	[spmem:s2] =	stream.indirect.scatter.add.f32 [tilespmem:s8], [sflag:$0x1], $0x80, s28, s12, $0xb8;
	[tilespmem:$0x1CC00] =	vst v63  }
0x25: {  	s29 =	simm.s32 $0x280  }
0x26: {  	[spmem:s2] =	stream.indirect.scatter.add.f32 [tilespmem:s8], [sflag:$0x1], $0x80, s29, s12, $0xb8;
	[tilespmem:$0x1CC00] =	vst v63  }
0x27: {  	s30 =	simm.s32 $0x300  }
0x28: {  	[spmem:s2] =	stream.indirect.scatter.add.f32 [tilespmem:s8], [sflag:$0x1], $0x80, s30, s12, $0xb8;
	[tilespmem:$0x1CC00] =	vst v63  }
0x29: {  	s31 =	simm.s32 $0x380  }
0x2a: {  	[spmem:s2] =	stream.indirect.scatter.add.f32 [tilespmem:s8], [sflag:$0x1], $0x80, s31, s12, $0xb8;
	[tilespmem:$0x1CC00] =	vst v63  }
0x2b: {  	_ =	swait.ge [sflag:s13], $0x3E80  }
0x2c: {  	[sflag:s13] =	ssyncset.done $0x0  }
0x2d: {  	[sflag:s13] =	ssyncadd.s32 $0xFFFFC180  }
0x2e: {  	_ =	swait.ge [sflag:s13], $0x3E80  }
0x2f: {  	[sflag:s13] =	ssyncset.done $0x0  }
0x30: {  	[sflag:s13] =	ssyncadd.s32 $0xFFFFC180  }
0x31: {  	_ =	swait.ge [sflag:s13], $0x3E80  }
0x32: {  	[sflag:s13] =	ssyncset.done $0x0  }
0x33: {  	[sflag:s13] =	ssyncadd.s32 $0xFFFFC180  }
0x34: {  	_ =	swait.ge [sflag:s13], $0x3E80  }
0x35: {  	[sflag:s13] =	ssyncset.done $0x0  }
0x36: {  	[sflag:s13] =	ssyncadd.s32 $0xFFFFC180  }
0x37: {  	_ =	swait.ge [sflag:s13], $0x3E80  }
0x38: {  	[sflag:s13] =	ssyncset.done $0x0  }
0x39: {  	[sflag:s13] =	ssyncadd.s32 $0xFFFFC180  }
0x3a: {  	_ =	swait.ge [sflag:s13], $0x3E80  }
0x3b: {  	[sflag:s13] =	ssyncset.done $0x0  }
0x3c: {  	[sflag:s13] =	ssyncadd.s32 $0xFFFFC180  }
0x3d: {  	_ =	swait.ge [sflag:s13], $0x3E80  }
0x3e: {  	[sflag:s13] =	ssyncset.done $0x0  }
0x3f: {  	[sflag:s13] =	ssyncadd.s32 $0xFFFFC180  }
0x40: {  	_ =	swait.ge [sflag:s13], $0x3E80  }
0x41: {  	s19 =	simm.s32 $0x2000;
	s17 =	simm.s32 $0x1000;
	[sflag:s13] =	ssyncset.done $0x0  }
.LBB2_2:
0x42: {  	s20 =	sshra.s32 s17, $0x2  }
0x43: {  	[sflag:s13] =	ssyncadd.s32 $0xFFFFC180;
	s17 =	smov.u32 s19;
	s18 =	sadd.s32 $0x1000, s19  }
0x44: {  	[spmem:s2] =	stream.indirect.scatter.add.f32 [tilespmem:s8], [sflag:$0x1], $0x80, s20, s12, $0xb8;
	[tilespmem:$0x1CC00] =	vst v63  }
0x45: {  	p0 =	sne.s32 s19, $0x13000;
	s19 =	sadd.s32 $0x80, s20  }
0x46: {  	[spmem:s2] =	stream.indirect.scatter.add.f32 [tilespmem:s8], [sflag:$0x1], $0x80, s19, s12, $0xb8;
	[tilespmem:$0x1CC00] =	vst v63  }
0x47: {  	s19 =	sadd.s32 $0x100, s20  }
0x48: {  	[spmem:s2] =	stream.indirect.scatter.add.f32 [tilespmem:s8], [sflag:$0x1], $0x80, s19, s12, $0xb8;
	[tilespmem:$0x1CC00] =	vst v63  }
0x49: {  	s19 =	sadd.s32 $0x180, s20  }
0x4a: {  	[spmem:s2] =	stream.indirect.scatter.add.f32 [tilespmem:s8], [sflag:$0x1], $0x80, s19, s12, $0xb8;
	[tilespmem:$0x1CC00] =	vst v63  }
0x4b: {  	s19 =	sadd.s32 $0x200, s20  }
0x4c: {  	[spmem:s2] =	stream.indirect.scatter.add.f32 [tilespmem:s8], [sflag:$0x1], $0x80, s19, s12, $0xb8;
	[tilespmem:$0x1CC00] =	vst v63  }
0x4d: {  	s19 =	sadd.s32 $0x280, s20  }
0x4e: {  	[spmem:s2] =	stream.indirect.scatter.add.f32 [tilespmem:s8], [sflag:$0x1], $0x80, s19, s12, $0xb8;
	[tilespmem:$0x1CC00] =	vst v63  }
0x4f: {  	s19 =	sadd.s32 $0x300, s20  }
0x50: {  	[spmem:s2] =	stream.indirect.scatter.add.f32 [tilespmem:s8], [sflag:$0x1], $0x80, s19, s12, $0xb8;
	[tilespmem:$0x1CC00] =	vst v63  }
0x51: {  	s19 =	sadd.s32 $0x380, s20  }
0x52: {  	[spmem:s2] =	stream.indirect.scatter.add.f32 [tilespmem:s8], [sflag:$0x1], $0x80, s19, s12, $0xb8;
	[tilespmem:$0x1CC00] =	vst v63  }
0x53: {  	_ =	swait.ge [sflag:s13], $0x3E80  }
0x54: {  	[sflag:s13] =	ssyncset.done $0x0  }
0x55: {  	[sflag:s13] =	ssyncadd.s32 $0xFFFFC180  }
0x56: {  	_ =	swait.ge [sflag:s13], $0x3E80  }
0x57: {  	[sflag:s13] =	ssyncset.done $0x0  }
0x58: {  	[sflag:s13] =	ssyncadd.s32 $0xFFFFC180  }
0x59: {  	_ =	swait.ge [sflag:s13], $0x3E80  }
0x5a: {  	[sflag:s13] =	ssyncset.done $0x0  }
0x5b: {  	[sflag:s13] =	ssyncadd.s32 $0xFFFFC180  }
0x5c: {  	_ =	swait.ge [sflag:s13], $0x3E80  }
0x5d: {  	[sflag:s13] =	ssyncset.done $0x0  }
0x5e: {  	[sflag:s13] =	ssyncadd.s32 $0xFFFFC180  }
0x5f: {  	_ =	swait.ge [sflag:s13], $0x3E80  }
0x60: {  	[sflag:s13] =	ssyncset.done $0x0  }
0x61: {  	[sflag:s13] =	ssyncadd.s32 $0xFFFFC180  }
0x62: {  	_ =	swait.ge [sflag:s13], $0x3E80  }
0x63: {  	[sflag:s13] =	ssyncset.done $0x0  }
0x64: {  	[sflag:s13] =	ssyncadd.s32 $0xFFFFC180  }
.Ltmp0:
0x65: {  	_ =	swait.ge [sflag:s13], $0x3E80;
	(pc) =	sbr.rel @p0 .LBB2_2-.Ltmp0, $4  }
0x66: {  	[sflag:s13] =	ssyncset.done $0x0  }
0x67: {  	[sflag:s13] =	ssyncadd.s32 $0xFFFFC180  }
0x68: {  	_ =	swait.ge [sflag:s13], $0x3E80  }
0x69: {  	s19 =	smov.u32 s18;
	[sflag:s13] =	ssyncset.done $0x0  }
0x6a: {  	s17 =	sshra.s32 s17, $0x2;
	[sflag:s13] =	ssyncadd.s32 $0xFFFFC180  }
0x6b: {  	[spmem:s2] =	stream.indirect.scatter.add.f32 [tilespmem:s8], [sflag:$0x1], $0x80, s17, s12, $0xb8;
	[tilespmem:$0x1CC00] =	vst v63  }
0x6c: {  	s18 =	sadd.s32 $0x80, s17  }
0x6d: {  	[spmem:s2] =	stream.indirect.scatter.add.f32 [tilespmem:s8], [sflag:$0x1], $0x80, s18, s12, $0xb8;
	[tilespmem:$0x1CC00] =	vst v63  }
0x6e: {  	s26 =	sadd.s32 $0x100, s17  }
0x6f: {  	[spmem:s2] =	stream.indirect.scatter.add.f32 [tilespmem:s8], [sflag:$0x1], $0x80, s26, s12, $0xb8;
	[tilespmem:$0x1CC00] =	vst v63  }
0x70: {  	s28 =	sadd.s32 $0x180, s17  }
0x71: {  	[spmem:s2] =	stream.indirect.scatter.add.f32 [tilespmem:s8], [sflag:$0x1], $0x80, s28, s12, $0xb8;
	[tilespmem:$0x1CC00] =	vst v63  }
0x72: {  	s29 =	sadd.s32 $0x200, s17  }
0x73: {  	[spmem:s2] =	stream.indirect.scatter.add.f32 [tilespmem:s8], [sflag:$0x1], $0x80, s29, s12, $0xb8;
	[tilespmem:$0x1CC00] =	vst v63  }
0x74: {  	s30 =	sadd.s32 $0x280, s17  }
0x75: {  	[spmem:s2] =	stream.indirect.scatter.add.f32 [tilespmem:s8], [sflag:$0x1], $0x80, s30, s12, $0xb8;
	[tilespmem:$0x1CC00] =	vst v63  }
0x76: {  	s31 =	sadd.s32 $0x300, s17  }
0x77: {  	[spmem:s2] =	stream.indirect.scatter.add.f32 [tilespmem:s8], [sflag:$0x1], $0x80, s31, s12, $0xb8;
	[tilespmem:$0x1CC00] =	vst v63  }
0x78: {  	s17 =	sadd.s32 $0x380, s17  }
0x79: {  	[spmem:s2] =	stream.indirect.scatter.add.f32 [tilespmem:s8], [sflag:$0x1], $0x80, s17, s12, $0xb8;
	[tilespmem:$0x1CC00] =	vst v63  }
0x7a: {  	_ =	swait.ge [sflag:s13], $0x3E80  }
0x7b: {  	[sflag:s13] =	ssyncset.done $0x0  }
0x7c: {  	[sflag:s13] =	ssyncadd.s32 $0xFFFFC180  }
0x7d: {  	_ =	swait.ge [sflag:s13], $0x3E80  }
0x7e: {  	[sflag:s13] =	ssyncset.done $0x0  }
0x7f: {  	[sflag:s13] =	ssyncadd.s32 $0xFFFFC180  }
0x80: {  	_ =	swait.ge [sflag:s13], $0x3E80  }
0x81: {  	[sflag:s13] =	ssyncset.done $0x0  }
0x82: {  	[sflag:s13] =	ssyncadd.s32 $0xFFFFC180  }
0x83: {  	_ =	swait.ge [sflag:s13], $0x3E80  }
0x84: {  	[sflag:s13] =	ssyncset.done $0x0  }
0x85: {  	[sflag:s13] =	ssyncadd.s32 $0xFFFFC180  }
0x86: {  	_ =	swait.ge [sflag:s13], $0x3E80  }
0x87: {  	[sflag:s13] =	ssyncset.done $0x0  }
0x88: {  	[sflag:s13] =	ssyncadd.s32 $0xFFFFC180  }
0x89: {  	_ =	swait.ge [sflag:s13], $0x3E80  }
0x8a: {  	[sflag:s13] =	ssyncset.done $0x0  }
0x8b: {  	[sflag:s13] =	ssyncadd.s32 $0xFFFFC180  }
0x8c: {  	_ =	swait.ge [sflag:s13], $0x3E80  }
0x8d: {  	[sflag:s13] =	ssyncset.done $0x0  }
0x8e: {  	[sflag:s13] =	ssyncadd.s32 $0xFFFFC180  }
0x8f: {  	_ =	swait.ge [sflag:s13], $0x3E80  }
0x90: {  	s16 =	sadd.s32 $0x1, s16;
	[sflag:s13] =	ssyncset.done $0x0  }
0x91: {  	p0 =	sne.s32 s16, s7;
	[sflag:s13] =	ssyncadd.s32 $0xFFFFC180  }
.Ltmp1:
0x92: {  	[bflag:$0x0] =	sbarrier.arrive $0xFFFF;
	(pc) =	sbr.rel @p0 .LBB2_1-.Ltmp1, $4  }
0x93: {  	[hbm:s14], [sflag:s15] =	dma.local [spmem:s11], $0x2780  }
0x94: {  	_ =	swait.ge [sflag:s13], $0x2780  }
0x95: {  	[sflag:s13] =	ssyncset.done $0x0  }
0x96: {  	[sflag:s13] =	ssyncadd.s32 $0xFFFFD880  }
0x97: {  	_ =	sfence.sel $0x180000  }
0x98: {  	[bflag:$0x0] =	sbarrier.arrive $0xFFFF  }
0x99: {  	p0 =	sne.s32 s1, $0x0;
	_ =	strace $0x90000047  }
0x9a: {  	s0 =	sadd.s32 @!p0 $0x100000, s0;
	[bflag:$0x2] =	sbarrier.arrive $0xFFFF  }
0x9b: {  	[sflag:s0] =	ssyncadd.tile.s32 @!p0 $0x1;
	_ =	shalt  }
.Lfunc_end2:
_tile_overlayer_lowered:
.L_overlay_start_2:
0x9c: {  	(tag) =	ssettag $0x2  }
0x9d: {  	s0 =	rddreg [dreg:$0x0];
	s2 =	stileid.u32  }
0x9e: {  	s1 =	rddreg [dreg:$0x1];
	p0 =	sne.s32 s2, $0x0  }
0x9f: {  	s3 =	rddreg [dreg:$0x2];
	[bflag:$0x3] =	sbarrier.arrive $0xFFFF;
	s2 =	simm.s32 @!p0 $0x1C02  }
0xa0: {  	[timem:s3], [sflag:s2] =	dma.local @!p0 [hbm:s0], s1  }
0xa1: {  	s0 =	simm.s32 @!p0 $0x2  }
0xa2: {  	_ =	swait.ge @!p0 [sflag:s0], s1  }
0xa3: {  	s1 =	ssub.s32 @!p0 $0x0, s1;
	[sflag:s0] =	ssyncset.done @!p0 $0x0  }
0xa4: {  	[sflag:s0] =	ssyncadd.s32 @!p0 s1  }
0xa5: {  	[bflag:$0x3] =	sbarrier.arrive $0xFFFF  }
0xa6: {  	_ =	shalt  }

// kernel: kernel.14.cloned.1.call-start
scs
__scs_entry_jumppad:
0x0: {  	(pc) =	sbr.rel $0x88, $3  }
0x1: {  	(tag) =	ssettag $0x0;
	lr =	simm.s32 $0x1  }
0x2: {  	[smem:$0x3F99] =	sst lr;
	_ =	strace $0xD0000000  }
0x3: {  	_ = 	snop  }
0x4: {  	_ = 	snop  }
0x5: {  	_ = 	snop  }
0x6: {  	_ = 	snop  }
0x7: {  	_ = 	snop  }
__scs_overlays_trampoline_lowered:
0x8: {  	[smem:$0x3FA8] =	sst s0  }
0x9: {  	[smem:$0x3FA9] =	sst s1  }
0xa: {  	[smem:$0x3FAA] =	sst s2  }
0xb: {  	[smem:$0x3FAB] =	sst s3  }
0xc: {  	[smem:$0x3FAC] =	sst s4  }
0xd: {  	[smem:$0x3FAD] =	sst s5  }
0xe: {  	[smem:$0x3FAE] =	sst s6  }
0xf: {  	[smem:$0x3FAF] =	sst s7  }
0x10: {  	[smem:$0x3FB0] =	sst s8  }
0x11: {  	[smem:$0x3FB1] =	sst s9;
	s0 =	simm.s32 @!p0 $0x0  }
0x12: {  	s1 =	sld [smem:$0x3F97];
	s0 =	simm.s32 @p0 $0x1  }
0x13: {  	[smem:$0x3FB2] =	sst s0;
	s0 =	simm.s32 @!p1 $0x0  }
0x14: {  	s2 =	sld [smem:$0x3F96];
	s0 =	simm.s32 @p1 $0x1  }
0x15: {  	[smem:$0x3FB3] =	sst s0;
	s0 =	simm.s32 @!p2 $0x0  }
0x16: {  	s3 =	sld [smem:$0x3FDB];
	s0 =	simm.s32 @p2 $0x1  }
0x17: {  	s4 =	simm.s32 $0x1BF5;
	[smem:$0x3FB5] =	sst s0  }
0x18: {  	s0 =	sld [smem:$0x3F98];
	_ =	swait.ge [sflag:s4], $0x0  }
0x19: {  	s7 =	sld [smem:$0x3F99]  }
0x1a: {  	s8 =	sadd.s32 $0xFFFFE003, lr  }
0x1b: {  	s9 =	sadd.s32 $0xFFFFFEF7, lr;
	s5 =	simm.s32 $0xFFFFFFFF;
	p2 =	slt.u32 s8, $0xFFFFF086  }
0x1c: {  	p1 =	slt.u32 s9, $0xF7A;
	s5 =	simm.s32 @!p2 $0x0  }
0x1d: {  	s5 =	simm.s32 @p1 $0x1;
	p0 =	seq.s32 s7, s2  }
0x1e: {  	s7 =	smul.u32 @!p0 $0xF7A, s2;
	p2 =	seq.s32 @!p0 s5, $0x0  }
0x1f: {  	s9 =	smul.u32 $0xF7A, s1;
	s8 =	simm.s32 @!p0 $0x1BF5;
	p2 =	por !p2, p0  }
0x20: {  	[sflag:s8] =	ssyncset.s32 @!p0 $0xFFFFF086;
	s6 =	sadd.s32 @!p0 s3, s7;
	s7 =	simm.s32 @!p0 $0x108  }
0x21: {  	s3 =	sadd.s32 s3, s9;
	s6 =	sadd.s32 @!p0 $0x88, s6;
	s7 =	simm.s32 @p2 $0x1082  }
0x22: {  	[simem:s7], [sflag:s8] =	dma.local @!p0 [hbm:s6], $0xF7A  }
0x23: {  	s9 =	sor.u32 $0xD0000000, s2;
	s6 =	simm.s32 $0x108;
	_ =	swait.ge @!p0 [sflag:s8], $0x0  }
0x24: {  	s3 =	sadd.s32 $0x88, s3;
	s6 =	simm.s32 @!p1 $0x1082;
	[sflag:s4] =	ssyncset.s32 $0xFFFFF086  }
0x25: {  	[simem:s6], [sflag:s4] =	dma.local [hbm:s3], $0xF7A  }
0x26: {  	[smem:$0x3F99] =	sst s1;
	(tag) =	ssettag s2;
	_ =	strace s9  }
0x27: {  	s1 =	sld [smem:$0x3FA9]  }
0x28: {  	s2 =	sld [smem:$0x3FAA]  }
0x29: {  	s4 =	sld [smem:$0x3FAC]  }
0x2a: {  	p0 =	seq.s32 s5, $0x0;
	s5 =	sld [smem:$0x3FAD]  }
0x2b: {  	s6 =	sld [smem:$0x3FAE]  }
0x2c: {  	s7 =	sld [smem:$0x3FAF]  }
0x2d: {  	s3 =	simm.s32 $0x108;
	s8 =	sld [smem:$0x3FB0]  }
0x2e: {  	s3 =	simm.s32 @!p0 $0x1082;
	s9 =	sld [smem:$0x3FB1]  }
0x2f: {  	lr =	sadd.s32 s0, s3;
	s0 =	sld [smem:$0x3FA8]  }
0x30: {  	s3 =	sld [smem:$0x3FAB]  }
0x31: {  	[smem:$0x3FB4] =	sst s10  }
0x32: {  	s10 =	sld [smem:$0x3FB2];
	_ =	sdelay $0x3  }
0x33: {  	p0 =	seq.s32 s10, $0x1;
	s10 =	sld [smem:$0x3FB4];
	_ =	sdelay $0x3  }
0x34: {  	[smem:$0x3FB4] =	sst s10  }
0x35: {  	s10 =	sld [smem:$0x3FB3];
	_ =	sdelay $0x3  }
0x36: {  	p1 =	seq.s32 s10, $0x1;
	s10 =	sld [smem:$0x3FB4];
	_ =	sdelay $0x3  }
0x37: {  	[smem:$0x3FB4] =	sst s10  }
0x38: {  	s10 =	sld [smem:$0x3FB5]  }
0x39: {  	_ = 	snop;
	(pc) =	sbr.ind lr, $3  }
0x3a: {  	_ = 	snop  }
0x3b: {  	_ = 	snop  }
0x3c: {  	p2 =	seq.s32 s10, $0x1;
	s10 =	sld [smem:$0x3FB4]  }
0x3d: {  	_ =	shalt  }
0x3e: {  	_ =	shalt  }
0x3f: {  	_ =	shalt  }
0x40: {  	_ =	shalt  }
0x41: {  	_ =	shalt  }
0x42: {  	_ =	shalt  }
0x43: {  	_ =	shalt  }
0x44: {  	_ =	shalt  }
0x45: {  	_ =	shalt  }
0x46: {  	_ =	shalt  }
0x47: {  	_ =	shalt  }
0x48: {  	_ =	shalt  }
0x49: {  	_ =	shalt  }
0x4a: {  	_ =	shalt  }
0x4b: {  	_ =	shalt  }
0x4c: {  	_ =	shalt  }
0x4d: {  	_ =	shalt  }
0x4e: {  	_ =	shalt  }
0x4f: {  	_ =	shalt  }
0x50: {  	_ =	shalt  }
0x51: {  	_ =	shalt  }
0x52: {  	_ =	shalt  }
0x53: {  	_ =	shalt  }
0x54: {  	_ =	shalt  }
0x55: {  	_ =	shalt  }
0x56: {  	_ =	shalt  }
0x57: {  	_ =	shalt  }
0x58: {  	_ =	shalt  }
0x59: {  	_ =	shalt  }
0x5a: {  	_ =	shalt  }
0x5b: {  	_ =	shalt  }
0x5c: {  	_ =	shalt  }
0x5d: {  	_ =	shalt  }
0x5e: {  	_ =	shalt  }
0x5f: {  	_ =	shalt  }
0x60: {  	_ =	shalt  }
0x61: {  	_ =	shalt  }
0x62: {  	_ =	shalt  }
0x63: {  	_ =	shalt  }
0x64: {  	_ =	shalt  }
0x65: {  	_ =	shalt  }
0x66: {  	_ =	shalt  }
0x67: {  	_ =	shalt  }
0x68: {  	_ =	shalt  }
0x69: {  	_ =	shalt  }
0x6a: {  	_ =	shalt  }
0x6b: {  	_ =	shalt  }
0x6c: {  	_ =	shalt  }
0x6d: {  	_ =	shalt  }
0x6e: {  	_ =	shalt  }
0x6f: {  	_ =	shalt  }
0x70: {  	_ =	shalt  }
0x71: {  	_ =	shalt  }
0x72: {  	_ =	shalt  }
0x73: {  	_ =	shalt  }
0x74: {  	_ =	shalt  }
0x75: {  	_ =	shalt  }
0x76: {  	_ =	shalt  }
0x77: {  	_ =	shalt  }
0x78: {  	_ =	shalt  }
0x79: {  	_ =	shalt  }
0x7a: {  	_ =	shalt  }
0x7b: {  	_ =	shalt  }
0x7c: {  	_ =	shalt  }
0x7d: {  	_ =	shalt  }
0x7e: {  	_ =	shalt  }
0x7f: {  	_ =	shalt  }
0x80: {  	_ =	shalt  }
0x81: {  	_ =	shalt  }
0x82: {  	_ =	shalt  }
0x83: {  	_ =	shalt  }
0x84: {  	_ =	shalt  }
0x85: {  	_ =	shalt  }
0x86: {  	_ =	shalt  }
0x87: {  	_ =	shalt  }
.Lfunc_end0:
.L_simem_size_0:
called_computation.1_lowered:
.L_overlay_start_0:
0x88: {  	s2 =	sld [smem:$0x3FD9]  }
0x89: {  	s3 =	sld [smem:$0x3FFE];
	_ =	sdelay $0x1  }
0x8a: {  	s1 =	srdreg.scid  }
0x8b: {  	s0 =	sand.u32 $0x1, s1  }
0x8c: {  	s17 =	sshll.u32 s0, $0xA;
	s2 =	sadd.s32 s3, s2  }
0x8d: {  	s2 =	sadd.s32 s2, s17  }
0x8e: {  	[smem:$0x3FC0] =	sst s2  }
0x8f: {  	_ = 	snop  }
0x90: {  	s2 =	sld [smem:$0x3FD0];
	(tm) =	ssettm $0x1  }
0x91: {  	s18 =	sld [smem:$0x3FFB];
	_ =	sdelay $0x3  }
0x92: {  	_ =	strace s18  }
0x93: {  	s3 =	sld [smem:$0x3FFC];
	_ =	sdelay $0x3  }
0x94: {  	_ =	strace s3  }
0x95: {  	s3 =	sld [smem:$0x3FFD];
	_ =	sdelay $0x3  }
0x96: {  	_ =	strace s3  }
0x97: {  	_ =	strace $0x8FFFFFFF  }
0x98: {  	s19 =	sld [smem:$0x3FDB];
	_ =	sdelay $0x1  }
0x99: {  	s4 =	simm.s32 $_scs_section_size  }
0x9a: {  	s5 =	simm.s32 $_size__tile_overlayer_lowered;
	s6 =	simm.s32 $_tile_overlayer_lowered  }
0x9b: {  	s22 =	simm.s32 $0x1BFF;
	s21 =	sshll.u32 s6, $0x1;
	s3 =	sadd.s32 s4, s19  }
0x9c: {  	s7 =	simm.s32 $0x0;
	s20 =	sshll.u32 s5, $0x1;
	s5 =	sadd.s32 s21, s3  }
0x9d: {  	[timem:s7], [sflag:s22] =	dma.local [hbm:s5], s20  }
0x9e: {  	_ =	swait.ge [sflag:s22], s20  }
0x9f: {  	s4 =	ssub.s32 $0x0, s20;
	[sflag:s22] =	ssyncset.done $0x0  }
0xa0: {  	[sflag:s22] =	ssyncadd.s32 s4;
	_ =	sdelay $0x1  }
0xa1: {  	s23 =	simm.s32 $0x1B8B  }
0xa2: {  	_ =	swait.ge [sflag:s23], $0x1  }
0xa3: {  	[sflag:s23] =	ssyncset.done $0x0  }
0xa4: {  	s25 =	simm.s32 $0x1B8E;
	s24 =	sld [smem:$0x3FFE];
	[sflag:s23] =	ssyncadd.s32 $0xFFFFFFFF  }
0xa5: {  	s26 =	simm.s32 $execute0_lowered;
	[smem:$0x3FD2] =	sst s25  }
0xa6: {  	s5 =	sshll.u32 s26, $0x1;
	_ =	strace $0x80000049;
	[dreg:$0x1] =	wrdreg $0xFFFFFFFF  }
0xa7: {  	s28 =	simm.s32 $_size_execute0_lowered;
	s3 =	sadd.s32 s3, s5;
	[dreg:$0x0] =	wrdreg $0x0  }
0xa8: {  	s5 =	sshll.u32 s28, $0x1;
	[dreg:$0x2] =	wrdreg s3  }
0xa9: {  	[dreg:$0x3] =	wrdreg s5  }
0xaa: {  	[dreg:$0x4] =	wrdreg $0xC0  }
0xab: {  	_ =	task [dreg:s7], $0x5FFFF  }
0xac: {  	[dreg:$0x1] =	wrdreg $0xFFFFFFFF  }
0xad: {  	[dreg:$0x0] =	wrdreg $0x60  }
0xae: {  	[dreg:$0x2] =	wrdreg s24  }
0xaf: {  	[dreg:$0x3] =	wrdreg s2  }
0xb0: {  	[dreg:$0x4] =	wrdreg $0xA8000  }
0xb1: {  	[dreg:$0x5] =	wrdreg $0x9  }
0xb2: {  	_ =	task.clear_ibuf [dreg:s7], $0x6FFFF;
	_ =	strace $0x90000049  }
0xb3: {  	s29 =	simm.s32 $0x9;
	_ =	strace $0x8000004B  }
0xb4: {  	_ =	swait.ge [sflag:s29], $0x1  }
0xb5: {  	[sflag:s29] =	ssyncadd.s32 $0xFFFFFFFF  }
0xb6: {  	_ =	strace $0x9000004B  }
0xb7: {  	_ =	sfence  }
0xb8: {  	s30 =	sld [smem:$0x0];
	_ =	sdelay $0x2  }
0xb9: {  	s31 =	sshll.u32 s1, $0xD;
	s1 =	sshrl.u32 s1, $0x2  }
0xba: {  	s3 =	sand.u32 $0x4000, s31;
	s1 =	sadd.s32 s1, s30  }
0xbb: {  	s0 =	sor.u32 s3, s0;
	s1 =	sshll.u32 s1, $0x11  }
0xbc: {  	s0 =	sor.u32 s1, s0  }
0xbd: {  	s0 =	sadd.s32 $0x8F2B, s0  }
0xbe: {  	[sflag:s0] =	ssyncadd.remote.s32 $0x1  }
0xbf: {  	_ =	sfence.sel $0xFFFF  }
0xc0: {  	[dreg:$0x0] =	wrdreg $0xFFFFFFFF;
	(pc) =	sbr.abs _section_cstart, $3  }
0xc1: {  	[dreg:$0x1] =	wrdreg $0xFFFFFFFF  }
0xc2: {  	_ =	task.clear_ibuf [dreg:s7], $0x2FFFF;
	_ =	strace $0x9FFFFFFF  }
0xc3: {  	(tm) =	ssettm $0x7FFFFFFF  }
tec
execute0_lowered:
.L_overlay_start_1:
0x0: {  	(tag) =	ssettag $0x1  }
0x1: {  	s5 =	rddreg [dreg:$0x0]  }
0x2: {  	s11 =	rddreg [dreg:$0x1]  }
0x3: {  	s2 =	rddreg [dreg:$0x2]  }
0x4: {  	s0 =	rddreg [dreg:$0x3];
	s3 =	simm.s32 $0x0;
	s1 =	stileid.u32  }
0x5: {  	s4 =	srdreg.scid;
	s16 =	simm.s32 $0x7D;
	s17 =	simm.s32 $0x2800  }
0x6: {  	s18 =	simm.s32 $0x80;
	s19 =	simm.s32 $0x6800;
	s20 =	simm.s32 $0x1  }
0x7: {  	s21 =	simm.s32 $0x2;
	s22 =	simm.s32 $0x2700;
	s23 =	simm.s32 $0x2780  }
0x8: {  	[smem:$0x7FF] =	sst s3;
	s24 =	smul.u32 $0x2780, s1;
	s6 =	sand.u32 $0x1, s4  }
0x9: {  	s4 =	sadd.s32 $0x48200, s5;
	s12 =	sadd.s32 $0x2A00, s5;
	s8 =	smul.u32 $0x4F000, s1  }
0xa: {  	_ =	strace $0x8000004A;
	s7 =	smul.u32 $0x27800, s6;
	s28 =	ssub.s32 $0x2, s6  }
0xb: {  	s6 =	sshll.u32 s6, $0x4;
	s9 =	sadd.s32 s24, s5;
	s29 =	sshrl.u32 s28, $0x1  }
0xc: {  	s8 =	sshrl.u32 s8, $0x2;
	s30 =	sor.u32 s1, s6;
	s6 =	sshll.u32 s1, $0x6  }
0xd: {  	s10 =	sadd.s32 s7, s5;
	s13 =	ssub.s32 s28, s29;
	s14 =	sadd.s32 s8, s2  }
0xe: {  	s5 =	sadd.s32 $0x20A00, s9;
	s15 =	smul.u32 $0x500, s30;
	s7 =	sor.u32 $0x1C03, s6  }
0xf: {  	s25 =	sadd.s32 $0x6FA00, s10;
	s8 =	smax.u32 s13, $0x1;
	s13 =	sshrl.u32 s14, $0x3  }
0x10: {  	s14 =	simm.s32 $0x3;
	s9 =	sadd.s32 s11, s15;
	s10 =	sadd.s32 s12, s15  }
0x11: {  	s31 =	sadd.s32 $0x280, s15;
	s15 =	simm.s32 $0x1400;
	s24 =	sadd.s32 s24, s25  }
0x12: {  	s25 =	simm.s32 $0x0;
	s11 =	sadd.s32 s11, s31;
	s12 =	sadd.s32 s12, s31  }
.LBB2_1:
0x13: {  	[spmem:s13], [sflag:s7] =	dma.local [hbm:s5], $0x2780  }
0x14: {  	_ =	swait.ge [sflag:s14], $0x2780  }
0x15: {  	[sflag:s14] =	ssyncset.done $0x0  }
0x16: {  	[sflag:s14] =	ssyncadd.s32 $0xFFFFD880  }
0x17: {  	[bflag:$0x0] =	sbarrier.arrive $0xFFFF  }
0x18: {  	[tilespmem:s3], [sflag:$0x3] =	stream.linear.gather [hbm4b:s9+s3], $0x1400, $0x38;
	[tilespmem:$0x1E400] =	vst v63  }
0x19: {  	_ =	swait.ge [sflag:s14], $0x1400  }
0x1a: {  	[sflag:s14] =	ssyncset.done $0x0  }
0x1b: {  	[sflag:s14] =	ssyncadd.s32 $0xFFFFEC00  }
0x1c: {  	[tilespmem:s15], [sflag:$0x3] =	stream.linear.gather [hbm4b:s10+s3], $0x1400, $0x38;
	[tilespmem:$0x1E400] =	vst v63  }
0x1d: {  	_ =	swait.ge [sflag:s14], $0x1400  }
0x1e: {  	[sflag:s14] =	ssyncset.done $0x0  }
0x1f: {  	[sflag:s14] =	ssyncadd.s32 $0xFFFFEC00  }
0x20: {  	[tilespmem:s17], [sflag:$0x1] =	stream.indirect.gather [hbm4b:s4+s16], $0x80, s3, s16, $0xb8;
	[tilespmem:$0x1E400] =	vst v63  }
0x21: {  	_ = 	snop  }
0x22: {  	[tilespmem:s19], [sflag:$0x2] =	stream.indirect.gather [hbm4b:s4+s16], $0x80, s18, s16, $0xb8;
	[tilespmem:$0x1E400] =	vst v63  }
0x23: {  	_ =	swait.ge [sflag:s20], $0x3E80  }
0x24: {  	[sflag:s20] =	ssyncset.done $0x0  }
0x25: {  	s26 =	simm.s32 $0x1400;
	[sflag:s20] =	ssyncadd.s32 $0xFFFFC180  }
0x26: {  	[spmem:s2] =	stream.indirect.scatter.add.f32 [tilespmem:s17], [sflag:$0x3], $0x80, s26, s16, $0xb8;
	[tilespmem:$0x1E400] =	vst v63  }
0x27: {  	_ =	swait.ge [sflag:s14], $0x3E80  }
0x28: {  	[sflag:s14] =	ssyncset.done $0x0  }
0x29: {  	s30 =	simm.s32 $0x100;
	[sflag:s14] =	ssyncadd.s32 $0xFFFFC180  }
0x2a: {  	[tilespmem:s17], [sflag:$0x1] =	stream.indirect.gather [hbm4b:s4+s16], $0x80, s30, s16, $0xb8;
	[tilespmem:$0x1E400] =	vst v63  }
0x2b: {  	_ =	swait.ge [sflag:s21], $0x3E80  }
0x2c: {  	[sflag:s21] =	ssyncset.done $0x0  }
0x2d: {  	s31 =	simm.s32 $0x1480;
	[sflag:s21] =	ssyncadd.s32 $0xFFFFC180  }
0x2e: {  	[spmem:s2] =	stream.indirect.scatter.add.f32 [tilespmem:s19], [sflag:$0x3], $0x80, s31, s16, $0xb8;
	[tilespmem:$0x1E400] =	vst v63  }
0x2f: {  	_ =	swait.ge [sflag:s14], $0x3E80  }
0x30: {  	[sflag:s14] =	ssyncset.done $0x0  }
0x31: {  	s28 =	simm.s32 $0x180;
	s26 =	simm.s32 $0x400;
	[sflag:s14] =	ssyncadd.s32 $0xFFFFC180  }
.LBB2_2:
0x32: {  	[tilespmem:s19], [sflag:$0x2] =	stream.indirect.gather [hbm4b:s4+s16], $0x80, s28, s16, $0xb8;
	[tilespmem:$0x1E400] =	vst v63  }
0x33: {  	s28 =	smov.u32 s26  }
0x34: {  	p0 =	sne.s32 s26, $0x4800;
	s26 =	sadd.s32 $0x400, s26;
	_ =	swait.ge [sflag:s20], $0x3E80  }
0x35: {  	s28 =	sshra.s32 s28, $0x2;
	[sflag:s20] =	ssyncset.done $0x0  }
0x36: {  	s29 =	sadd.s32 $0x1400, s28;
	[sflag:s20] =	ssyncadd.s32 $0xFFFFC180  }
0x37: {  	[spmem:s2] =	stream.indirect.scatter.add.f32 [tilespmem:s17], [sflag:$0x3], $0x80, s29, s16, $0xb8;
	[tilespmem:$0x1E400] =	vst v63  }
0x38: {  	_ =	swait.ge [sflag:s14], $0x3E80  }
0x39: {  	[sflag:s14] =	ssyncset.done $0x0  }
0x3a: {  	s29 =	sadd.s32 $0x100, s28;
	[sflag:s14] =	ssyncadd.s32 $0xFFFFC180  }
0x3b: {  	[tilespmem:s17], [sflag:$0x1] =	stream.indirect.gather [hbm4b:s4+s16], $0x80, s29, s16, $0xb8;
	[tilespmem:$0x1E400] =	vst v63  }
0x3c: {  	_ =	swait.ge [sflag:s21], $0x3E80  }
0x3d: {  	[sflag:s21] =	ssyncset.done $0x0  }
.Ltmp0:
0x3e: {  	s29 =	sadd.s32 $0x1480, s28;
	[sflag:s21] =	ssyncadd.s32 $0xFFFFC180;
	(pc) =	sbr.rel @p0 .LBB2_2-.Ltmp0, $4  }
0x3f: {  	[spmem:s2] =	stream.indirect.scatter.add.f32 [tilespmem:s19], [sflag:$0x3], $0x80, s29, s16, $0xb8;
	[tilespmem:$0x1E400] =	vst v63  }
0x40: {  	_ =	swait.ge [sflag:s14], $0x3E80  }
0x41: {  	[sflag:s14] =	ssyncset.done $0x0  }
0x42: {  	s28 =	sadd.s32 $0x180, s28;
	[sflag:s14] =	ssyncadd.s32 $0xFFFFC180  }
0x43: {  	[tilespmem:s19], [sflag:$0x2] =	stream.indirect.gather [hbm4b:s4+s16], $0x80, s28, s16, $0xb8;
	[tilespmem:$0x1E400] =	vst v63  }
0x44: {  	_ =	swait.ge [sflag:s20], $0x3E80  }
0x45: {  	[sflag:s20] =	ssyncset.done $0x0  }
0x46: {  	[sflag:s20] =	ssyncadd.s32 $0xFFFFC180  }
0x47: {  	[spmem:s2] =	stream.indirect.scatter.add.f32 [tilespmem:s17], [sflag:$0x3], $0x80, s22, s16, $0xb8;
	[tilespmem:$0x1E400] =	vst v63  }
0x48: {  	_ =	swait.ge [sflag:s14], $0x3E80  }
0x49: {  	[sflag:s14] =	ssyncset.done $0x0  }
0x4a: {  	[sflag:s14] =	ssyncadd.s32 $0xFFFFC180  }
0x4b: {  	_ =	swait.ge [sflag:s21], $0x3E80  }
0x4c: {  	[sflag:s21] =	ssyncset.done $0x0  }
0x4d: {  	[sflag:s21] =	ssyncadd.s32 $0xFFFFC180  }
0x4e: {  	[spmem:s2] =	stream.indirect.scatter.add.f32 [tilespmem:s19], [sflag:$0x3], $0x80, s23, s16, $0xb8;
	[tilespmem:$0x1E400] =	vst v63  }
0x4f: {  	_ =	swait.ge [sflag:s14], $0x3E80  }
0x50: {  	[sflag:s14] =	ssyncset.done $0x0  }
0x51: {  	s26 =	simm.s32 $0x0;
	[sflag:s14] =	ssyncadd.s32 $0xFFFFC180  }
0x52: {  	[tilespmem:s26], [sflag:$0x3] =	stream.linear.gather [hbm4b:s11+s26], $0x1400, $0x38;
	[tilespmem:$0x1E400] =	vst v63  }
0x53: {  	_ =	swait.ge [sflag:s14], $0x1400  }
0x54: {  	[sflag:s14] =	ssyncset.done $0x0  }
0x55: {  	[sflag:s14] =	ssyncadd.s32 $0xFFFFEC00  }
0x56: {  	[tilespmem:s15], [sflag:$0x3] =	stream.linear.gather [hbm4b:s12+s26], $0x1400, $0x38;
	[tilespmem:$0x1E400] =	vst v63  }
0x57: {  	_ =	swait.ge [sflag:s14], $0x1400  }
0x58: {  	[sflag:s14] =	ssyncset.done $0x0  }
0x59: {  	[sflag:s14] =	ssyncadd.s32 $0xFFFFEC00  }
0x5a: {  	[tilespmem:s17], [sflag:$0x1] =	stream.indirect.gather [hbm4b:s4+s16], $0x80, s26, s16, $0xb8;
	[tilespmem:$0x1E400] =	vst v63  }
0x5b: {  	_ = 	snop  }
0x5c: {  	[tilespmem:s19], [sflag:$0x2] =	stream.indirect.gather [hbm4b:s4+s16], $0x80, s18, s16, $0xb8;
	[tilespmem:$0x1E400] =	vst v63  }
0x5d: {  	_ =	swait.ge [sflag:s20], $0x3E80  }
0x5e: {  	[sflag:s20] =	ssyncset.done $0x0  }
0x5f: {  	s29 =	simm.s32 $0x1400;
	[sflag:s20] =	ssyncadd.s32 $0xFFFFC180  }
0x60: {  	[spmem:s2] =	stream.indirect.scatter.add.f32 [tilespmem:s17], [sflag:$0x3], $0x80, s29, s16, $0xb8;
	[tilespmem:$0x1E400] =	vst v63  }
0x61: {  	_ =	swait.ge [sflag:s14], $0x3E80  }
0x62: {  	[sflag:s14] =	ssyncset.done $0x0  }
0x63: {  	s30 =	simm.s32 $0x100;
	[sflag:s14] =	ssyncadd.s32 $0xFFFFC180  }
0x64: {  	[tilespmem:s17], [sflag:$0x1] =	stream.indirect.gather [hbm4b:s4+s16], $0x80, s30, s16, $0xb8;
	[tilespmem:$0x1E400] =	vst v63  }
0x65: {  	_ =	swait.ge [sflag:s21], $0x3E80  }
0x66: {  	[sflag:s21] =	ssyncset.done $0x0  }
0x67: {  	s31 =	simm.s32 $0x1480;
	[sflag:s21] =	ssyncadd.s32 $0xFFFFC180  }
0x68: {  	[spmem:s2] =	stream.indirect.scatter.add.f32 [tilespmem:s19], [sflag:$0x3], $0x80, s31, s16, $0xb8;
	[tilespmem:$0x1E400] =	vst v63  }
0x69: {  	_ =	swait.ge [sflag:s14], $0x3E80  }
0x6a: {  	[sflag:s14] =	ssyncset.done $0x0  }
0x6b: {  	s28 =	simm.s32 $0x180;
	s26 =	simm.s32 $0x400;
	[sflag:s14] =	ssyncadd.s32 $0xFFFFC180  }
.LBB2_4:
0x6c: {  	[tilespmem:s19], [sflag:$0x2] =	stream.indirect.gather [hbm4b:s4+s16], $0x80, s28, s16, $0xb8;
	[tilespmem:$0x1E400] =	vst v63  }
0x6d: {  	s28 =	smov.u32 s26  }
0x6e: {  	p0 =	sne.s32 s26, $0x4800;
	s26 =	sadd.s32 $0x400, s26;
	_ =	swait.ge [sflag:s20], $0x3E80  }
0x6f: {  	s28 =	sshra.s32 s28, $0x2;
	[sflag:s20] =	ssyncset.done $0x0  }
0x70: {  	s29 =	sadd.s32 $0x1400, s28;
	[sflag:s20] =	ssyncadd.s32 $0xFFFFC180  }
0x71: {  	[spmem:s2] =	stream.indirect.scatter.add.f32 [tilespmem:s17], [sflag:$0x3], $0x80, s29, s16, $0xb8;
	[tilespmem:$0x1E400] =	vst v63  }
0x72: {  	_ =	swait.ge [sflag:s14], $0x3E80  }
0x73: {  	[sflag:s14] =	ssyncset.done $0x0  }
0x74: {  	s29 =	sadd.s32 $0x100, s28;
	[sflag:s14] =	ssyncadd.s32 $0xFFFFC180  }
0x75: {  	[tilespmem:s17], [sflag:$0x1] =	stream.indirect.gather [hbm4b:s4+s16], $0x80, s29, s16, $0xb8;
	[tilespmem:$0x1E400] =	vst v63  }
0x76: {  	_ =	swait.ge [sflag:s21], $0x3E80  }
0x77: {  	[sflag:s21] =	ssyncset.done $0x0  }
.Ltmp1:
0x78: {  	s29 =	sadd.s32 $0x1480, s28;
	[sflag:s21] =	ssyncadd.s32 $0xFFFFC180;
	(pc) =	sbr.rel @p0 .LBB2_4-.Ltmp1, $4  }
0x79: {  	[spmem:s2] =	stream.indirect.scatter.add.f32 [tilespmem:s19], [sflag:$0x3], $0x80, s29, s16, $0xb8;
	[tilespmem:$0x1E400] =	vst v63  }
0x7a: {  	_ =	swait.ge [sflag:s14], $0x3E80  }
0x7b: {  	[sflag:s14] =	ssyncset.done $0x0  }
0x7c: {  	s28 =	sadd.s32 $0x180, s28;
	[sflag:s14] =	ssyncadd.s32 $0xFFFFC180  }
0x7d: {  	[tilespmem:s19], [sflag:$0x2] =	stream.indirect.gather [hbm4b:s4+s16], $0x80, s28, s16, $0xb8;
	[tilespmem:$0x1E400] =	vst v63  }
0x7e: {  	_ =	swait.ge [sflag:s20], $0x3E80  }
0x7f: {  	[sflag:s20] =	ssyncset.done $0x0  }
0x80: {  	[sflag:s20] =	ssyncadd.s32 $0xFFFFC180  }
0x81: {  	[spmem:s2] =	stream.indirect.scatter.add.f32 [tilespmem:s17], [sflag:$0x3], $0x80, s22, s16, $0xb8;
	[tilespmem:$0x1E400] =	vst v63  }
0x82: {  	_ =	swait.ge [sflag:s14], $0x3E80  }
0x83: {  	[sflag:s14] =	ssyncset.done $0x0  }
0x84: {  	[sflag:s14] =	ssyncadd.s32 $0xFFFFC180  }
0x85: {  	_ =	swait.ge [sflag:s21], $0x3E80  }
0x86: {  	[sflag:s21] =	ssyncset.done $0x0  }
0x87: {  	[sflag:s21] =	ssyncadd.s32 $0xFFFFC180  }
0x88: {  	[spmem:s2] =	stream.indirect.scatter.add.f32 [tilespmem:s19], [sflag:$0x3], $0x80, s23, s16, $0xb8;
	[tilespmem:$0x1E400] =	vst v63  }
0x89: {  	_ =	swait.ge [sflag:s14], $0x3E80  }
0x8a: {  	s25 =	sadd.s32 $0x1, s25;
	[sflag:s14] =	ssyncset.done $0x0  }
0x8b: {  	p0 =	sne.s32 s25, s8;
	[sflag:s14] =	ssyncadd.s32 $0xFFFFC180  }
.Ltmp2:
0x8c: {  	s26 =	sor.u32 $0x1C01, s6;
	[bflag:$0x0] =	sbarrier.arrive $0xFFFF;
	(pc) =	sbr.rel @p0 .LBB2_1-.Ltmp2, $4  }
0x8d: {  	[hbm:s24], [sflag:s26] =	dma.local [spmem:s13], $0x2780  }
0x8e: {  	_ =	swait.ge [sflag:s20], $0x2780  }
0x8f: {  	[sflag:s20] =	ssyncset.done $0x0  }
0x90: {  	[sflag:s20] =	ssyncadd.s32 $0xFFFFD880  }
0x91: {  	_ =	sfence.sel $0x180000  }
0x92: {  	[bflag:$0x0] =	sbarrier.arrive $0xFFFF  }
0x93: {  	p0 =	sne.s32 s1, $0x0;
	_ =	strace $0x9000004A  }
0x94: {  	s0 =	sadd.s32 @!p0 $0x100000, s0;
	[bflag:$0x2] =	sbarrier.arrive $0xFFFF  }
0x95: {  	[sflag:s0] =	ssyncadd.tile.s32 @!p0 $0x1;
	_ =	shalt  }
.Lfunc_end2:
_tile_overlayer_lowered:
.L_overlay_start_2:
0x96: {  	(tag) =	ssettag $0x2  }
0x97: {  	s0 =	rddreg [dreg:$0x0];
	s2 =	stileid.u32  }
0x98: {  	s1 =	rddreg [dreg:$0x1];
	p0 =	sne.s32 s2, $0x0  }
0x99: {  	s3 =	rddreg [dreg:$0x2];
	[bflag:$0x3] =	sbarrier.arrive $0xFFFF;
	s2 =	simm.s32 @!p0 $0x1C03  }
0x9a: {  	[timem:s3], [sflag:s2] =	dma.local @!p0 [hbm:s0], s1  }
0x9b: {  	s0 =	simm.s32 @!p0 $0x3  }
0x9c: {  	_ =	swait.ge @!p0 [sflag:s0], s1  }
0x9d: {  	s1 =	ssub.s32 @!p0 $0x0, s1;
	[sflag:s0] =	ssyncset.done @!p0 $0x0  }
0x9e: {  	[sflag:s0] =	ssyncadd.s32 @!p0 s1  }
0x9f: {  	[bflag:$0x3] =	sbarrier.arrive $0xFFFF  }
0xa0: {  	_ =	shalt  }

// kernel: kernel.17.cloned.1.call-start
scs
__scs_entry_jumppad:
0x0: {  	(pc) =	sbr.rel $0x88, $3  }
0x1: {  	(tag) =	ssettag $0x0;
	lr =	simm.s32 $0x1  }
0x2: {  	[smem:$0x3F99] =	sst lr;
	_ =	strace $0xD0000000  }
0x3: {  	_ = 	snop  }
0x4: {  	_ = 	snop  }
0x5: {  	_ = 	snop  }
0x6: {  	_ = 	snop  }
0x7: {  	_ = 	snop  }
__scs_overlays_trampoline_lowered:
0x8: {  	[smem:$0x3FA8] =	sst s0  }
0x9: {  	[smem:$0x3FA9] =	sst s1  }
0xa: {  	[smem:$0x3FAA] =	sst s2  }
0xb: {  	[smem:$0x3FAB] =	sst s3  }
0xc: {  	[smem:$0x3FAC] =	sst s4  }
0xd: {  	[smem:$0x3FAD] =	sst s5  }
0xe: {  	[smem:$0x3FAE] =	sst s6  }
0xf: {  	[smem:$0x3FAF] =	sst s7  }
0x10: {  	[smem:$0x3FB0] =	sst s8  }
0x11: {  	[smem:$0x3FB1] =	sst s9;
	s0 =	simm.s32 @!p0 $0x0  }
0x12: {  	s1 =	sld [smem:$0x3F97];
	s0 =	simm.s32 @p0 $0x1  }
0x13: {  	[smem:$0x3FB2] =	sst s0;
	s0 =	simm.s32 @!p1 $0x0  }
0x14: {  	s2 =	sld [smem:$0x3F96];
	s0 =	simm.s32 @p1 $0x1  }
0x15: {  	[smem:$0x3FB3] =	sst s0;
	s0 =	simm.s32 @!p2 $0x0  }
0x16: {  	s3 =	sld [smem:$0x3FDB];
	s0 =	simm.s32 @p2 $0x1  }
0x17: {  	s4 =	simm.s32 $0x1BF5;
	[smem:$0x3FB5] =	sst s0  }
0x18: {  	s0 =	sld [smem:$0x3F98];
	_ =	swait.ge [sflag:s4], $0x0  }
0x19: {  	s7 =	sld [smem:$0x3F99]  }
0x1a: {  	s8 =	sadd.s32 $0xFFFFE003, lr  }
0x1b: {  	s9 =	sadd.s32 $0xFFFFFEF7, lr;
	s5 =	simm.s32 $0xFFFFFFFF;
	p2 =	slt.u32 s8, $0xFFFFF086  }
0x1c: {  	p1 =	slt.u32 s9, $0xF7A;
	s5 =	simm.s32 @!p2 $0x0  }
0x1d: {  	s5 =	simm.s32 @p1 $0x1;
	p0 =	seq.s32 s7, s2  }
0x1e: {  	s7 =	smul.u32 @!p0 $0xF7A, s2;
	p2 =	seq.s32 @!p0 s5, $0x0  }
0x1f: {  	s9 =	smul.u32 $0xF7A, s1;
	s8 =	simm.s32 @!p0 $0x1BF5;
	p2 =	por !p2, p0  }
0x20: {  	[sflag:s8] =	ssyncset.s32 @!p0 $0xFFFFF086;
	s6 =	sadd.s32 @!p0 s3, s7;
	s7 =	simm.s32 @!p0 $0x108  }
0x21: {  	s3 =	sadd.s32 s3, s9;
	s6 =	sadd.s32 @!p0 $0x88, s6;
	s7 =	simm.s32 @p2 $0x1082  }
0x22: {  	[simem:s7], [sflag:s8] =	dma.local @!p0 [hbm:s6], $0xF7A  }
0x23: {  	s9 =	sor.u32 $0xD0000000, s2;
	s6 =	simm.s32 $0x108;
	_ =	swait.ge @!p0 [sflag:s8], $0x0  }
0x24: {  	s3 =	sadd.s32 $0x88, s3;
	s6 =	simm.s32 @!p1 $0x1082;
	[sflag:s4] =	ssyncset.s32 $0xFFFFF086  }
0x25: {  	[simem:s6], [sflag:s4] =	dma.local [hbm:s3], $0xF7A  }
0x26: {  	[smem:$0x3F99] =	sst s1;
	(tag) =	ssettag s2;
	_ =	strace s9  }
0x27: {  	s1 =	sld [smem:$0x3FA9]  }
0x28: {  	s2 =	sld [smem:$0x3FAA]  }
0x29: {  	s4 =	sld [smem:$0x3FAC]  }
0x2a: {  	p0 =	seq.s32 s5, $0x0;
	s5 =	sld [smem:$0x3FAD]  }
0x2b: {  	s6 =	sld [smem:$0x3FAE]  }
0x2c: {  	s7 =	sld [smem:$0x3FAF]  }
0x2d: {  	s3 =	simm.s32 $0x108;
	s8 =	sld [smem:$0x3FB0]  }
0x2e: {  	s3 =	simm.s32 @!p0 $0x1082;
	s9 =	sld [smem:$0x3FB1]  }
0x2f: {  	lr =	sadd.s32 s0, s3;
	s0 =	sld [smem:$0x3FA8]  }
0x30: {  	s3 =	sld [smem:$0x3FAB]  }
0x31: {  	[smem:$0x3FB4] =	sst s10  }
0x32: {  	s10 =	sld [smem:$0x3FB2];
	_ =	sdelay $0x3  }
0x33: {  	p0 =	seq.s32 s10, $0x1;
	s10 =	sld [smem:$0x3FB4];
	_ =	sdelay $0x3  }
0x34: {  	[smem:$0x3FB4] =	sst s10  }
0x35: {  	s10 =	sld [smem:$0x3FB3];
	_ =	sdelay $0x3  }
0x36: {  	p1 =	seq.s32 s10, $0x1;
	s10 =	sld [smem:$0x3FB4];
	_ =	sdelay $0x3  }
0x37: {  	[smem:$0x3FB4] =	sst s10  }
0x38: {  	s10 =	sld [smem:$0x3FB5]  }
0x39: {  	_ = 	snop;
	(pc) =	sbr.ind lr, $3  }
0x3a: {  	_ = 	snop  }
0x3b: {  	_ = 	snop  }
0x3c: {  	p2 =	seq.s32 s10, $0x1;
	s10 =	sld [smem:$0x3FB4]  }
0x3d: {  	_ =	shalt  }
0x3e: {  	_ =	shalt  }
0x3f: {  	_ =	shalt  }
0x40: {  	_ =	shalt  }
0x41: {  	_ =	shalt  }
0x42: {  	_ =	shalt  }
0x43: {  	_ =	shalt  }
0x44: {  	_ =	shalt  }
0x45: {  	_ =	shalt  }
0x46: {  	_ =	shalt  }
0x47: {  	_ =	shalt  }
0x48: {  	_ =	shalt  }
0x49: {  	_ =	shalt  }
0x4a: {  	_ =	shalt  }
0x4b: {  	_ =	shalt  }
0x4c: {  	_ =	shalt  }
0x4d: {  	_ =	shalt  }
0x4e: {  	_ =	shalt  }
0x4f: {  	_ =	shalt  }
0x50: {  	_ =	shalt  }
0x51: {  	_ =	shalt  }
0x52: {  	_ =	shalt  }
0x53: {  	_ =	shalt  }
0x54: {  	_ =	shalt  }
0x55: {  	_ =	shalt  }
0x56: {  	_ =	shalt  }
0x57: {  	_ =	shalt  }
0x58: {  	_ =	shalt  }
0x59: {  	_ =	shalt  }
0x5a: {  	_ =	shalt  }
0x5b: {  	_ =	shalt  }
0x5c: {  	_ =	shalt  }
0x5d: {  	_ =	shalt  }
0x5e: {  	_ =	shalt  }
0x5f: {  	_ =	shalt  }
0x60: {  	_ =	shalt  }
0x61: {  	_ =	shalt  }
0x62: {  	_ =	shalt  }
0x63: {  	_ =	shalt  }
0x64: {  	_ =	shalt  }
0x65: {  	_ =	shalt  }
0x66: {  	_ =	shalt  }
0x67: {  	_ =	shalt  }
0x68: {  	_ =	shalt  }
0x69: {  	_ =	shalt  }
0x6a: {  	_ =	shalt  }
0x6b: {  	_ =	shalt  }
0x6c: {  	_ =	shalt  }
0x6d: {  	_ =	shalt  }
0x6e: {  	_ =	shalt  }
0x6f: {  	_ =	shalt  }
0x70: {  	_ =	shalt  }
0x71: {  	_ =	shalt  }
0x72: {  	_ =	shalt  }
0x73: {  	_ =	shalt  }
0x74: {  	_ =	shalt  }
0x75: {  	_ =	shalt  }
0x76: {  	_ =	shalt  }
0x77: {  	_ =	shalt  }
0x78: {  	_ =	shalt  }
0x79: {  	_ =	shalt  }
0x7a: {  	_ =	shalt  }
0x7b: {  	_ =	shalt  }
0x7c: {  	_ =	shalt  }
0x7d: {  	_ =	shalt  }
0x7e: {  	_ =	shalt  }
0x7f: {  	_ =	shalt  }
0x80: {  	_ =	shalt  }
0x81: {  	_ =	shalt  }
0x82: {  	_ =	shalt  }
0x83: {  	_ =	shalt  }
0x84: {  	_ =	shalt  }
0x85: {  	_ =	shalt  }
0x86: {  	_ =	shalt  }
0x87: {  	_ =	shalt  }
.Lfunc_end0:
.L_simem_size_0:
called_computation.2_lowered:
.L_overlay_start_0:
0x88: {  	s2 =	sld [smem:$0x3FD9]  }
0x89: {  	s3 =	sld [smem:$0x3FFE];
	_ =	sdelay $0x1  }
0x8a: {  	s1 =	srdreg.scid  }
0x8b: {  	s0 =	sand.u32 $0x1, s1  }
0x8c: {  	s17 =	sshll.u32 s0, $0xA;
	s2 =	sadd.s32 s3, s2  }
0x8d: {  	s2 =	sadd.s32 s2, s17  }
0x8e: {  	[smem:$0x3FC0] =	sst s2  }
0x8f: {  	_ = 	snop  }
0x90: {  	s2 =	sld [smem:$0x3FD0];
	(tm) =	ssettm $0x1  }
0x91: {  	s18 =	sld [smem:$0x3FFB];
	_ =	sdelay $0x3  }
0x92: {  	_ =	strace s18  }
0x93: {  	s3 =	sld [smem:$0x3FFC];
	_ =	sdelay $0x3  }
0x94: {  	_ =	strace s3  }
0x95: {  	s3 =	sld [smem:$0x3FFD];
	_ =	sdelay $0x3  }
0x96: {  	_ =	strace s3  }
0x97: {  	_ =	strace $0x8FFFFFFF  }
0x98: {  	s19 =	sld [smem:$0x3FDB];
	_ =	sdelay $0x1  }
0x99: {  	s4 =	simm.s32 $_scs_section_size  }
0x9a: {  	s5 =	simm.s32 $_size__tile_overlayer_lowered;
	s6 =	simm.s32 $_tile_overlayer_lowered  }
0x9b: {  	s22 =	simm.s32 $0x1BFF;
	s21 =	sshll.u32 s6, $0x1;
	s3 =	sadd.s32 s4, s19  }
0x9c: {  	s7 =	simm.s32 $0x0;
	s20 =	sshll.u32 s5, $0x1;
	s5 =	sadd.s32 s21, s3  }
0x9d: {  	[timem:s7], [sflag:s22] =	dma.local [hbm:s5], s20  }
0x9e: {  	_ =	swait.ge [sflag:s22], s20  }
0x9f: {  	s4 =	ssub.s32 $0x0, s20;
	[sflag:s22] =	ssyncset.done $0x0  }
0xa0: {  	[sflag:s22] =	ssyncadd.s32 s4;
	_ =	sdelay $0x1  }
0xa1: {  	s23 =	simm.s32 $0x1B8B  }
0xa2: {  	_ =	swait.ge [sflag:s23], $0x1  }
0xa3: {  	[sflag:s23] =	ssyncset.done $0x0  }
0xa4: {  	s25 =	simm.s32 $0x1B8E;
	s24 =	sld [smem:$0x3FFE];
	[sflag:s23] =	ssyncadd.s32 $0xFFFFFFFF  }
0xa5: {  	s26 =	simm.s32 $execute0_lowered;
	[smem:$0x3FD2] =	sst s25  }
0xa6: {  	s5 =	sshll.u32 s26, $0x1;
	_ =	strace $0x8000004C;
	[dreg:$0x1] =	wrdreg $0xFFFFFFFF  }
0xa7: {  	s28 =	simm.s32 $_size_execute0_lowered;
	s3 =	sadd.s32 s3, s5;
	[dreg:$0x0] =	wrdreg $0x0  }
0xa8: {  	s5 =	sshll.u32 s28, $0x1;
	[dreg:$0x2] =	wrdreg s3  }
0xa9: {  	[dreg:$0x3] =	wrdreg s5  }
0xaa: {  	[dreg:$0x4] =	wrdreg $0xC0  }
0xab: {  	_ =	task [dreg:s7], $0x5FFFF  }
0xac: {  	[dreg:$0x1] =	wrdreg $0xFFFFFFFF  }
0xad: {  	[dreg:$0x0] =	wrdreg $0x60  }
0xae: {  	[dreg:$0x2] =	wrdreg s24  }
0xaf: {  	[dreg:$0x3] =	wrdreg s2  }
0xb0: {  	[dreg:$0x4] =	wrdreg $0xA8000  }
0xb1: {  	[dreg:$0x5] =	wrdreg $0x9  }
0xb2: {  	_ =	task.clear_ibuf [dreg:s7], $0x6FFFF;
	_ =	strace $0x9000004C  }
0xb3: {  	s29 =	simm.s32 $0x9;
	_ =	strace $0x8000004E  }
0xb4: {  	_ =	swait.ge [sflag:s29], $0x1  }
0xb5: {  	[sflag:s29] =	ssyncadd.s32 $0xFFFFFFFF  }
0xb6: {  	_ =	strace $0x9000004E  }
0xb7: {  	_ =	sfence  }
0xb8: {  	s30 =	sld [smem:$0x0];
	_ =	sdelay $0x2  }
0xb9: {  	s31 =	sshll.u32 s1, $0xD;
	s1 =	sshrl.u32 s1, $0x2  }
0xba: {  	s3 =	sand.u32 $0x4000, s31;
	s1 =	sadd.s32 s1, s30  }
0xbb: {  	s0 =	sor.u32 s3, s0;
	s1 =	sshll.u32 s1, $0x11  }
0xbc: {  	s0 =	sor.u32 s1, s0  }
0xbd: {  	s0 =	sadd.s32 $0x8F2B, s0  }
0xbe: {  	[sflag:s0] =	ssyncadd.remote.s32 $0x1  }
0xbf: {  	_ =	sfence.sel $0xFFFF  }
0xc0: {  	[dreg:$0x0] =	wrdreg $0xFFFFFFFF;
	(pc) =	sbr.abs _section_cstart, $3  }
0xc1: {  	[dreg:$0x1] =	wrdreg $0xFFFFFFFF  }
0xc2: {  	_ =	task.clear_ibuf [dreg:s7], $0x2FFFF;
	_ =	strace $0x9FFFFFFF  }
0xc3: {  	(tm) =	ssettm $0x7FFFFFFF  }
tec
execute0_lowered:
.L_overlay_start_1:
0x0: {  	(tag) =	ssettag $0x1  }
0x1: {  	s5 =	rddreg [dreg:$0x0]  }
0x2: {  	s11 =	rddreg [dreg:$0x1]  }
0x3: {  	s2 =	rddreg [dreg:$0x2]  }
0x4: {  	s0 =	rddreg [dreg:$0x3];
	s3 =	simm.s32 $0x0;
	s1 =	stileid.u32  }
0x5: {  	s4 =	srdreg.scid;
	s16 =	simm.s32 $0x7D;
	s17 =	simm.s32 $0x2800  }
0x6: {  	s18 =	simm.s32 $0x80;
	s19 =	simm.s32 $0x6800;
	s20 =	simm.s32 $0x1  }
0x7: {  	s21 =	simm.s32 $0x2;
	s22 =	simm.s32 $0x2700;
	s23 =	simm.s32 $0x2780  }
0x8: {  	[smem:$0x7FF] =	sst s3;
	s24 =	smul.u32 $0x2780, s1;
	s6 =	sand.u32 $0x1, s4  }
0x9: {  	s4 =	sadd.s32 $0x48200, s5;
	s12 =	sadd.s32 $0x2A00, s5;
	s8 =	smul.u32 $0x4F000, s1  }
0xa: {  	_ =	strace $0x8000004D;
	s7 =	smul.u32 $0x27800, s6;
	s28 =	ssub.s32 $0x2, s6  }
0xb: {  	s6 =	sshll.u32 s6, $0x4;
	s9 =	sadd.s32 s24, s5;
	s29 =	sshrl.u32 s28, $0x1  }
0xc: {  	s8 =	sshrl.u32 s8, $0x2;
	s30 =	sor.u32 s1, s6;
	s6 =	sshll.u32 s1, $0x6  }
0xd: {  	s10 =	sadd.s32 s7, s5;
	s13 =	ssub.s32 s28, s29;
	s14 =	sadd.s32 s8, s2  }
0xe: {  	s5 =	sadd.s32 $0x20A00, s9;
	s15 =	smul.u32 $0x500, s30;
	s7 =	sor.u32 $0x1C03, s6  }
0xf: {  	s25 =	sadd.s32 $0x6FA00, s10;
	s8 =	smax.u32 s13, $0x1;
	s13 =	sshrl.u32 s14, $0x3  }
0x10: {  	s14 =	simm.s32 $0x3;
	s9 =	sadd.s32 s11, s15;
	s10 =	sadd.s32 s12, s15  }
0x11: {  	s31 =	sadd.s32 $0x280, s15;
	s15 =	simm.s32 $0x1400;
	s24 =	sadd.s32 s24, s25  }
0x12: {  	s25 =	simm.s32 $0x0;
	s11 =	sadd.s32 s11, s31;
	s12 =	sadd.s32 s12, s31  }
.LBB2_1:
0x13: {  	[spmem:s13], [sflag:s7] =	dma.local [hbm:s5], $0x2780  }
0x14: {  	_ =	swait.ge [sflag:s14], $0x2780  }
0x15: {  	[sflag:s14] =	ssyncset.done $0x0  }
0x16: {  	[sflag:s14] =	ssyncadd.s32 $0xFFFFD880  }
0x17: {  	[bflag:$0x0] =	sbarrier.arrive $0xFFFF  }
0x18: {  	[tilespmem:s3], [sflag:$0x3] =	stream.linear.gather [hbm4b:s9+s3], $0x1400, $0x38;
	[tilespmem:$0x1E400] =	vst v63  }
0x19: {  	_ =	swait.ge [sflag:s14], $0x1400  }
0x1a: {  	[sflag:s14] =	ssyncset.done $0x0  }
0x1b: {  	[sflag:s14] =	ssyncadd.s32 $0xFFFFEC00  }
0x1c: {  	[tilespmem:s15], [sflag:$0x3] =	stream.linear.gather [hbm4b:s10+s3], $0x1400, $0x38;
	[tilespmem:$0x1E400] =	vst v63  }
0x1d: {  	_ =	swait.ge [sflag:s14], $0x1400  }
0x1e: {  	[sflag:s14] =	ssyncset.done $0x0  }
0x1f: {  	[sflag:s14] =	ssyncadd.s32 $0xFFFFEC00  }
0x20: {  	[tilespmem:s17], [sflag:$0x1] =	stream.indirect.gather [hbm4b:s4+s16], $0x80, s3, s16, $0xb8;
	[tilespmem:$0x1E400] =	vst v63  }
0x21: {  	_ = 	snop  }
0x22: {  	[tilespmem:s19], [sflag:$0x2] =	stream.indirect.gather [hbm4b:s4+s16], $0x80, s18, s16, $0xb8;
	[tilespmem:$0x1E400] =	vst v63  }
0x23: {  	_ =	swait.ge [sflag:s20], $0x3E80  }
0x24: {  	[sflag:s20] =	ssyncset.done $0x0  }
0x25: {  	s26 =	simm.s32 $0x1400;
	[sflag:s20] =	ssyncadd.s32 $0xFFFFC180  }
0x26: {  	[spmem:s2] =	stream.indirect.scatter.add.f32 [tilespmem:s17], [sflag:$0x3], $0x80, s26, s16, $0xb8;
	[tilespmem:$0x1E400] =	vst v63  }
0x27: {  	_ =	swait.ge [sflag:s14], $0x3E80  }
0x28: {  	[sflag:s14] =	ssyncset.done $0x0  }
0x29: {  	s30 =	simm.s32 $0x100;
	[sflag:s14] =	ssyncadd.s32 $0xFFFFC180  }
0x2a: {  	[tilespmem:s17], [sflag:$0x1] =	stream.indirect.gather [hbm4b:s4+s16], $0x80, s30, s16, $0xb8;
	[tilespmem:$0x1E400] =	vst v63  }
0x2b: {  	_ =	swait.ge [sflag:s21], $0x3E80  }
0x2c: {  	[sflag:s21] =	ssyncset.done $0x0  }
0x2d: {  	s31 =	simm.s32 $0x1480;
	[sflag:s21] =	ssyncadd.s32 $0xFFFFC180  }
0x2e: {  	[spmem:s2] =	stream.indirect.scatter.add.f32 [tilespmem:s19], [sflag:$0x3], $0x80, s31, s16, $0xb8;
	[tilespmem:$0x1E400] =	vst v63  }
0x2f: {  	_ =	swait.ge [sflag:s14], $0x3E80  }
0x30: {  	[sflag:s14] =	ssyncset.done $0x0  }
0x31: {  	s28 =	simm.s32 $0x180;
	s26 =	simm.s32 $0x400;
	[sflag:s14] =	ssyncadd.s32 $0xFFFFC180  }
.LBB2_2:
0x32: {  	[tilespmem:s19], [sflag:$0x2] =	stream.indirect.gather [hbm4b:s4+s16], $0x80, s28, s16, $0xb8;
	[tilespmem:$0x1E400] =	vst v63  }
0x33: {  	s28 =	smov.u32 s26  }
0x34: {  	p0 =	sne.s32 s26, $0x4800;
	s26 =	sadd.s32 $0x400, s26;
	_ =	swait.ge [sflag:s20], $0x3E80  }
0x35: {  	s28 =	sshra.s32 s28, $0x2;
	[sflag:s20] =	ssyncset.done $0x0  }
0x36: {  	s29 =	sadd.s32 $0x1400, s28;
	[sflag:s20] =	ssyncadd.s32 $0xFFFFC180  }
0x37: {  	[spmem:s2] =	stream.indirect.scatter.add.f32 [tilespmem:s17], [sflag:$0x3], $0x80, s29, s16, $0xb8;
	[tilespmem:$0x1E400] =	vst v63  }
0x38: {  	_ =	swait.ge [sflag:s14], $0x3E80  }
0x39: {  	[sflag:s14] =	ssyncset.done $0x0  }
0x3a: {  	s29 =	sadd.s32 $0x100, s28;
	[sflag:s14] =	ssyncadd.s32 $0xFFFFC180  }
0x3b: {  	[tilespmem:s17], [sflag:$0x1] =	stream.indirect.gather [hbm4b:s4+s16], $0x80, s29, s16, $0xb8;
	[tilespmem:$0x1E400] =	vst v63  }
0x3c: {  	_ =	swait.ge [sflag:s21], $0x3E80  }
0x3d: {  	[sflag:s21] =	ssyncset.done $0x0  }
.Ltmp0:
0x3e: {  	s29 =	sadd.s32 $0x1480, s28;
	[sflag:s21] =	ssyncadd.s32 $0xFFFFC180;
	(pc) =	sbr.rel @p0 .LBB2_2-.Ltmp0, $4  }
0x3f: {  	[spmem:s2] =	stream.indirect.scatter.add.f32 [tilespmem:s19], [sflag:$0x3], $0x80, s29, s16, $0xb8;
	[tilespmem:$0x1E400] =	vst v63  }
0x40: {  	_ =	swait.ge [sflag:s14], $0x3E80  }
0x41: {  	[sflag:s14] =	ssyncset.done $0x0  }
0x42: {  	s28 =	sadd.s32 $0x180, s28;
	[sflag:s14] =	ssyncadd.s32 $0xFFFFC180  }
0x43: {  	[tilespmem:s19], [sflag:$0x2] =	stream.indirect.gather [hbm4b:s4+s16], $0x80, s28, s16, $0xb8;
	[tilespmem:$0x1E400] =	vst v63  }
0x44: {  	_ =	swait.ge [sflag:s20], $0x3E80  }
0x45: {  	[sflag:s20] =	ssyncset.done $0x0  }
0x46: {  	[sflag:s20] =	ssyncadd.s32 $0xFFFFC180  }
0x47: {  	[spmem:s2] =	stream.indirect.scatter.add.f32 [tilespmem:s17], [sflag:$0x3], $0x80, s22, s16, $0xb8;
	[tilespmem:$0x1E400] =	vst v63  }
0x48: {  	_ =	swait.ge [sflag:s14], $0x3E80  }
0x49: {  	[sflag:s14] =	ssyncset.done $0x0  }
0x4a: {  	[sflag:s14] =	ssyncadd.s32 $0xFFFFC180  }
0x4b: {  	_ =	swait.ge [sflag:s21], $0x3E80  }
0x4c: {  	[sflag:s21] =	ssyncset.done $0x0  }
0x4d: {  	[sflag:s21] =	ssyncadd.s32 $0xFFFFC180  }
0x4e: {  	[spmem:s2] =	stream.indirect.scatter.add.f32 [tilespmem:s19], [sflag:$0x3], $0x80, s23, s16, $0xb8;
	[tilespmem:$0x1E400] =	vst v63  }
0x4f: {  	_ =	swait.ge [sflag:s14], $0x3E80  }
0x50: {  	[sflag:s14] =	ssyncset.done $0x0  }
0x51: {  	s26 =	simm.s32 $0x0;
	[sflag:s14] =	ssyncadd.s32 $0xFFFFC180  }
0x52: {  	[tilespmem:s26], [sflag:$0x3] =	stream.linear.gather [hbm4b:s11+s26], $0x1400, $0x38;
	[tilespmem:$0x1E400] =	vst v63  }
0x53: {  	_ =	swait.ge [sflag:s14], $0x1400  }
0x54: {  	[sflag:s14] =	ssyncset.done $0x0  }
0x55: {  	[sflag:s14] =	ssyncadd.s32 $0xFFFFEC00  }
0x56: {  	[tilespmem:s15], [sflag:$0x3] =	stream.linear.gather [hbm4b:s12+s26], $0x1400, $0x38;
	[tilespmem:$0x1E400] =	vst v63  }
0x57: {  	_ =	swait.ge [sflag:s14], $0x1400  }
0x58: {  	[sflag:s14] =	ssyncset.done $0x0  }
0x59: {  	[sflag:s14] =	ssyncadd.s32 $0xFFFFEC00  }
0x5a: {  	[tilespmem:s17], [sflag:$0x1] =	stream.indirect.gather [hbm4b:s4+s16], $0x80, s26, s16, $0xb8;
	[tilespmem:$0x1E400] =	vst v63  }
0x5b: {  	_ = 	snop  }
0x5c: {  	[tilespmem:s19], [sflag:$0x2] =	stream.indirect.gather [hbm4b:s4+s16], $0x80, s18, s16, $0xb8;
	[tilespmem:$0x1E400] =	vst v63  }
0x5d: {  	_ =	swait.ge [sflag:s20], $0x3E80  }
0x5e: {  	[sflag:s20] =	ssyncset.done $0x0  }
0x5f: {  	s29 =	simm.s32 $0x1400;
	[sflag:s20] =	ssyncadd.s32 $0xFFFFC180  }
0x60: {  	[spmem:s2] =	stream.indirect.scatter.add.f32 [tilespmem:s17], [sflag:$0x3], $0x80, s29, s16, $0xb8;
	[tilespmem:$0x1E400] =	vst v63  }
0x61: {  	_ =	swait.ge [sflag:s14], $0x3E80  }
0x62: {  	[sflag:s14] =	ssyncset.done $0x0  }
0x63: {  	s30 =	simm.s32 $0x100;
	[sflag:s14] =	ssyncadd.s32 $0xFFFFC180  }
0x64: {  	[tilespmem:s17], [sflag:$0x1] =	stream.indirect.gather [hbm4b:s4+s16], $0x80, s30, s16, $0xb8;
	[tilespmem:$0x1E400] =	vst v63  }
0x65: {  	_ =	swait.ge [sflag:s21], $0x3E80  }
0x66: {  	[sflag:s21] =	ssyncset.done $0x0  }
0x67: {  	s31 =	simm.s32 $0x1480;
	[sflag:s21] =	ssyncadd.s32 $0xFFFFC180  }
0x68: {  	[spmem:s2] =	stream.indirect.scatter.add.f32 [tilespmem:s19], [sflag:$0x3], $0x80, s31, s16, $0xb8;
	[tilespmem:$0x1E400] =	vst v63  }
0x69: {  	_ =	swait.ge [sflag:s14], $0x3E80  }
0x6a: {  	[sflag:s14] =	ssyncset.done $0x0  }
0x6b: {  	s28 =	simm.s32 $0x180;
	s26 =	simm.s32 $0x400;
	[sflag:s14] =	ssyncadd.s32 $0xFFFFC180  }
.LBB2_4:
0x6c: {  	[tilespmem:s19], [sflag:$0x2] =	stream.indirect.gather [hbm4b:s4+s16], $0x80, s28, s16, $0xb8;
	[tilespmem:$0x1E400] =	vst v63  }
0x6d: {  	s28 =	smov.u32 s26  }
0x6e: {  	p0 =	sne.s32 s26, $0x4800;
	s26 =	sadd.s32 $0x400, s26;
	_ =	swait.ge [sflag:s20], $0x3E80  }
0x6f: {  	s28 =	sshra.s32 s28, $0x2;
	[sflag:s20] =	ssyncset.done $0x0  }
0x70: {  	s29 =	sadd.s32 $0x1400, s28;
	[sflag:s20] =	ssyncadd.s32 $0xFFFFC180  }
0x71: {  	[spmem:s2] =	stream.indirect.scatter.add.f32 [tilespmem:s17], [sflag:$0x3], $0x80, s29, s16, $0xb8;
	[tilespmem:$0x1E400] =	vst v63  }
0x72: {  	_ =	swait.ge [sflag:s14], $0x3E80  }
0x73: {  	[sflag:s14] =	ssyncset.done $0x0  }
0x74: {  	s29 =	sadd.s32 $0x100, s28;
	[sflag:s14] =	ssyncadd.s32 $0xFFFFC180  }
0x75: {  	[tilespmem:s17], [sflag:$0x1] =	stream.indirect.gather [hbm4b:s4+s16], $0x80, s29, s16, $0xb8;
	[tilespmem:$0x1E400] =	vst v63  }
0x76: {  	_ =	swait.ge [sflag:s21], $0x3E80  }
0x77: {  	[sflag:s21] =	ssyncset.done $0x0  }
.Ltmp1:
0x78: {  	s29 =	sadd.s32 $0x1480, s28;
	[sflag:s21] =	ssyncadd.s32 $0xFFFFC180;
	(pc) =	sbr.rel @p0 .LBB2_4-.Ltmp1, $4  }
0x79: {  	[spmem:s2] =	stream.indirect.scatter.add.f32 [tilespmem:s19], [sflag:$0x3], $0x80, s29, s16, $0xb8;
	[tilespmem:$0x1E400] =	vst v63  }
0x7a: {  	_ =	swait.ge [sflag:s14], $0x3E80  }
0x7b: {  	[sflag:s14] =	ssyncset.done $0x0  }
0x7c: {  	s28 =	sadd.s32 $0x180, s28;
	[sflag:s14] =	ssyncadd.s32 $0xFFFFC180  }
0x7d: {  	[tilespmem:s19], [sflag:$0x2] =	stream.indirect.gather [hbm4b:s4+s16], $0x80, s28, s16, $0xb8;
	[tilespmem:$0x1E400] =	vst v63  }
0x7e: {  	_ =	swait.ge [sflag:s20], $0x3E80  }
0x7f: {  	[sflag:s20] =	ssyncset.done $0x0  }
0x80: {  	[sflag:s20] =	ssyncadd.s32 $0xFFFFC180  }
0x81: {  	[spmem:s2] =	stream.indirect.scatter.add.f32 [tilespmem:s17], [sflag:$0x3], $0x80, s22, s16, $0xb8;
	[tilespmem:$0x1E400] =	vst v63  }
0x82: {  	_ =	swait.ge [sflag:s14], $0x3E80  }
0x83: {  	[sflag:s14] =	ssyncset.done $0x0  }
0x84: {  	[sflag:s14] =	ssyncadd.s32 $0xFFFFC180  }
0x85: {  	_ =	swait.ge [sflag:s21], $0x3E80  }
0x86: {  	[sflag:s21] =	ssyncset.done $0x0  }
0x87: {  	[sflag:s21] =	ssyncadd.s32 $0xFFFFC180  }
0x88: {  	[spmem:s2] =	stream.indirect.scatter.add.f32 [tilespmem:s19], [sflag:$0x3], $0x80, s23, s16, $0xb8;
	[tilespmem:$0x1E400] =	vst v63  }
0x89: {  	_ =	swait.ge [sflag:s14], $0x3E80  }
0x8a: {  	s25 =	sadd.s32 $0x1, s25;
	[sflag:s14] =	ssyncset.done $0x0  }
0x8b: {  	p0 =	sne.s32 s25, s8;
	[sflag:s14] =	ssyncadd.s32 $0xFFFFC180  }
.Ltmp2:
0x8c: {  	s26 =	sor.u32 $0x1C01, s6;
	[bflag:$0x0] =	sbarrier.arrive $0xFFFF;
	(pc) =	sbr.rel @p0 .LBB2_1-.Ltmp2, $4  }
0x8d: {  	[hbm:s24], [sflag:s26] =	dma.local [spmem:s13], $0x2780  }
0x8e: {  	_ =	swait.ge [sflag:s20], $0x2780  }
0x8f: {  	[sflag:s20] =	ssyncset.done $0x0  }
0x90: {  	[sflag:s20] =	ssyncadd.s32 $0xFFFFD880  }
0x91: {  	_ =	sfence.sel $0x180000  }
0x92: {  	[bflag:$0x0] =	sbarrier.arrive $0xFFFF  }
0x93: {  	p0 =	sne.s32 s1, $0x0;
	_ =	strace $0x9000004D  }
0x94: {  	s0 =	sadd.s32 @!p0 $0x100000, s0;
	[bflag:$0x2] =	sbarrier.arrive $0xFFFF  }
0x95: {  	[sflag:s0] =	ssyncadd.tile.s32 @!p0 $0x1;
	_ =	shalt  }
.Lfunc_end2:
_tile_overlayer_lowered:
.L_overlay_start_2:
0x96: {  	(tag) =	ssettag $0x2  }
0x97: {  	s0 =	rddreg [dreg:$0x0];
	s2 =	stileid.u32  }
0x98: {  	s1 =	rddreg [dreg:$0x1];
	p0 =	sne.s32 s2, $0x0  }
0x99: {  	s3 =	rddreg [dreg:$0x2];
	[bflag:$0x3] =	sbarrier.arrive $0xFFFF;
	s2 =	simm.s32 @!p0 $0x1C03  }
0x9a: {  	[timem:s3], [sflag:s2] =	dma.local @!p0 [hbm:s0], s1  }
0x9b: {  	s0 =	simm.s32 @!p0 $0x3  }
0x9c: {  	_ =	swait.ge @!p0 [sflag:s0], s1  }
0x9d: {  	s1 =	ssub.s32 @!p0 $0x0, s1;
	[sflag:s0] =	ssyncset.done @!p0 $0x0  }
0x9e: {  	[sflag:s0] =	ssyncadd.s32 @!p0 s1  }
0x9f: {  	[bflag:$0x3] =	sbarrier.arrive $0xFFFF  }
0xa0: {  	_ =	shalt  }

// kernel: kernel.20.cloned.1.call-start
scs
__scs_entry_jumppad:
0x0: {  	(pc) =	sbr.rel $0x88, $3  }
0x1: {  	(tag) =	ssettag $0x0;
	lr =	simm.s32 $0x1  }
0x2: {  	[smem:$0x3F99] =	sst lr;
	_ =	strace $0xD0000000  }
0x3: {  	_ = 	snop  }
0x4: {  	_ = 	snop  }
0x5: {  	_ = 	snop  }
0x6: {  	_ = 	snop  }
0x7: {  	_ = 	snop  }
__scs_overlays_trampoline_lowered:
0x8: {  	[smem:$0x3FA8] =	sst s0  }
0x9: {  	[smem:$0x3FA9] =	sst s1  }
0xa: {  	[smem:$0x3FAA] =	sst s2  }
0xb: {  	[smem:$0x3FAB] =	sst s3  }
0xc: {  	[smem:$0x3FAC] =	sst s4  }
0xd: {  	[smem:$0x3FAD] =	sst s5  }
0xe: {  	[smem:$0x3FAE] =	sst s6  }
0xf: {  	[smem:$0x3FAF] =	sst s7  }
0x10: {  	[smem:$0x3FB0] =	sst s8  }
0x11: {  	[smem:$0x3FB1] =	sst s9;
	s0 =	simm.s32 @!p0 $0x0  }
0x12: {  	s1 =	sld [smem:$0x3F97];
	s0 =	simm.s32 @p0 $0x1  }
0x13: {  	[smem:$0x3FB2] =	sst s0;
	s0 =	simm.s32 @!p1 $0x0  }
0x14: {  	s2 =	sld [smem:$0x3F96];
	s0 =	simm.s32 @p1 $0x1  }
0x15: {  	[smem:$0x3FB3] =	sst s0;
	s0 =	simm.s32 @!p2 $0x0  }
0x16: {  	s3 =	sld [smem:$0x3FDB];
	s0 =	simm.s32 @p2 $0x1  }
0x17: {  	s4 =	simm.s32 $0x1BF5;
	[smem:$0x3FB5] =	sst s0  }
0x18: {  	s0 =	sld [smem:$0x3F98];
	_ =	swait.ge [sflag:s4], $0x0  }
0x19: {  	s7 =	sld [smem:$0x3F99]  }
0x1a: {  	s8 =	sadd.s32 $0xFFFFE003, lr  }
0x1b: {  	s9 =	sadd.s32 $0xFFFFFEF7, lr;
	s5 =	simm.s32 $0xFFFFFFFF;
	p2 =	slt.u32 s8, $0xFFFFF086  }
0x1c: {  	p1 =	slt.u32 s9, $0xF7A;
	s5 =	simm.s32 @!p2 $0x0  }
0x1d: {  	s5 =	simm.s32 @p1 $0x1;
	p0 =	seq.s32 s7, s2  }
0x1e: {  	s7 =	smul.u32 @!p0 $0xF7A, s2;
	p2 =	seq.s32 @!p0 s5, $0x0  }
0x1f: {  	s9 =	smul.u32 $0xF7A, s1;
	s8 =	simm.s32 @!p0 $0x1BF5;
	p2 =	por !p2, p0  }
0x20: {  	[sflag:s8] =	ssyncset.s32 @!p0 $0xFFFFF086;
	s6 =	sadd.s32 @!p0 s3, s7;
	s7 =	simm.s32 @!p0 $0x108  }
0x21: {  	s3 =	sadd.s32 s3, s9;
	s6 =	sadd.s32 @!p0 $0x88, s6;
	s7 =	simm.s32 @p2 $0x1082  }
0x22: {  	[simem:s7], [sflag:s8] =	dma.local @!p0 [hbm:s6], $0xF7A  }
0x23: {  	s9 =	sor.u32 $0xD0000000, s2;
	s6 =	simm.s32 $0x108;
	_ =	swait.ge @!p0 [sflag:s8], $0x0  }
0x24: {  	s3 =	sadd.s32 $0x88, s3;
	s6 =	simm.s32 @!p1 $0x1082;
	[sflag:s4] =	ssyncset.s32 $0xFFFFF086  }
0x25: {  	[simem:s6], [sflag:s4] =	dma.local [hbm:s3], $0xF7A  }
0x26: {  	[smem:$0x3F99] =	sst s1;
	(tag) =	ssettag s2;
	_ =	strace s9  }
0x27: {  	s1 =	sld [smem:$0x3FA9]  }
0x28: {  	s2 =	sld [smem:$0x3FAA]  }
0x29: {  	s4 =	sld [smem:$0x3FAC]  }
0x2a: {  	p0 =	seq.s32 s5, $0x0;
	s5 =	sld [smem:$0x3FAD]  }
0x2b: {  	s6 =	sld [smem:$0x3FAE]  }
0x2c: {  	s7 =	sld [smem:$0x3FAF]  }
0x2d: {  	s3 =	simm.s32 $0x108;
	s8 =	sld [smem:$0x3FB0]  }
0x2e: {  	s3 =	simm.s32 @!p0 $0x1082;
	s9 =	sld [smem:$0x3FB1]  }
0x2f: {  	lr =	sadd.s32 s0, s3;
	s0 =	sld [smem:$0x3FA8]  }
0x30: {  	s3 =	sld [smem:$0x3FAB]  }
0x31: {  	[smem:$0x3FB4] =	sst s10  }
0x32: {  	s10 =	sld [smem:$0x3FB2];
	_ =	sdelay $0x3  }
0x33: {  	p0 =	seq.s32 s10, $0x1;
	s10 =	sld [smem:$0x3FB4];
	_ =	sdelay $0x3  }
0x34: {  	[smem:$0x3FB4] =	sst s10  }
0x35: {  	s10 =	sld [smem:$0x3FB3];
	_ =	sdelay $0x3  }
0x36: {  	p1 =	seq.s32 s10, $0x1;
	s10 =	sld [smem:$0x3FB4];
	_ =	sdelay $0x3  }
0x37: {  	[smem:$0x3FB4] =	sst s10  }
0x38: {  	s10 =	sld [smem:$0x3FB5]  }
0x39: {  	_ = 	snop;
	(pc) =	sbr.ind lr, $3  }
0x3a: {  	_ = 	snop  }
0x3b: {  	_ = 	snop  }
0x3c: {  	p2 =	seq.s32 s10, $0x1;
	s10 =	sld [smem:$0x3FB4]  }
0x3d: {  	_ =	shalt  }
0x3e: {  	_ =	shalt  }
0x3f: {  	_ =	shalt  }
0x40: {  	_ =	shalt  }
0x41: {  	_ =	shalt  }
0x42: {  	_ =	shalt  }
0x43: {  	_ =	shalt  }
0x44: {  	_ =	shalt  }
0x45: {  	_ =	shalt  }
0x46: {  	_ =	shalt  }
0x47: {  	_ =	shalt  }
0x48: {  	_ =	shalt  }
0x49: {  	_ =	shalt  }
0x4a: {  	_ =	shalt  }
0x4b: {  	_ =	shalt  }
0x4c: {  	_ =	shalt  }
0x4d: {  	_ =	shalt  }
0x4e: {  	_ =	shalt  }
0x4f: {  	_ =	shalt  }
0x50: {  	_ =	shalt  }
0x51: {  	_ =	shalt  }
0x52: {  	_ =	shalt  }
0x53: {  	_ =	shalt  }
0x54: {  	_ =	shalt  }
0x55: {  	_ =	shalt  }
0x56: {  	_ =	shalt  }
0x57: {  	_ =	shalt  }
0x58: {  	_ =	shalt  }
0x59: {  	_ =	shalt  }
0x5a: {  	_ =	shalt  }
0x5b: {  	_ =	shalt  }
0x5c: {  	_ =	shalt  }
0x5d: {  	_ =	shalt  }
0x5e: {  	_ =	shalt  }
0x5f: {  	_ =	shalt  }
0x60: {  	_ =	shalt  }
0x61: {  	_ =	shalt  }
0x62: {  	_ =	shalt  }
0x63: {  	_ =	shalt  }
0x64: {  	_ =	shalt  }
0x65: {  	_ =	shalt  }
0x66: {  	_ =	shalt  }
0x67: {  	_ =	shalt  }
0x68: {  	_ =	shalt  }
0x69: {  	_ =	shalt  }
0x6a: {  	_ =	shalt  }
0x6b: {  	_ =	shalt  }
0x6c: {  	_ =	shalt  }
0x6d: {  	_ =	shalt  }
0x6e: {  	_ =	shalt  }
0x6f: {  	_ =	shalt  }
0x70: {  	_ =	shalt  }
0x71: {  	_ =	shalt  }
0x72: {  	_ =	shalt  }
0x73: {  	_ =	shalt  }
0x74: {  	_ =	shalt  }
0x75: {  	_ =	shalt  }
0x76: {  	_ =	shalt  }
0x77: {  	_ =	shalt  }
0x78: {  	_ =	shalt  }
0x79: {  	_ =	shalt  }
0x7a: {  	_ =	shalt  }
0x7b: {  	_ =	shalt  }
0x7c: {  	_ =	shalt  }
0x7d: {  	_ =	shalt  }
0x7e: {  	_ =	shalt  }
0x7f: {  	_ =	shalt  }
0x80: {  	_ =	shalt  }
0x81: {  	_ =	shalt  }
0x82: {  	_ =	shalt  }
0x83: {  	_ =	shalt  }
0x84: {  	_ =	shalt  }
0x85: {  	_ =	shalt  }
0x86: {  	_ =	shalt  }
0x87: {  	_ =	shalt  }
.Lfunc_end0:
.L_simem_size_0:
called_computation.3_lowered:
.L_overlay_start_0:
0x88: {  	s2 =	sld [smem:$0x3FD9]  }
0x89: {  	s3 =	sld [smem:$0x3FFE];
	_ =	sdelay $0x1  }
0x8a: {  	s1 =	srdreg.scid  }
0x8b: {  	s0 =	sand.u32 $0x1, s1  }
0x8c: {  	s17 =	sshll.u32 s0, $0xA;
	s2 =	sadd.s32 s3, s2  }
0x8d: {  	s2 =	sadd.s32 s2, s17  }
0x8e: {  	[smem:$0x3FC0] =	sst s2  }
0x8f: {  	_ = 	snop  }
0x90: {  	s2 =	sld [smem:$0x3FD0];
	(tm) =	ssettm $0x1  }
0x91: {  	s18 =	sld [smem:$0x3FFB];
	_ =	sdelay $0x3  }
0x92: {  	_ =	strace s18  }
0x93: {  	s3 =	sld [smem:$0x3FFC];
	_ =	sdelay $0x3  }
0x94: {  	_ =	strace s3  }
0x95: {  	s3 =	sld [smem:$0x3FFD];
	_ =	sdelay $0x3  }
0x96: {  	_ =	strace s3  }
0x97: {  	_ =	strace $0x8FFFFFFF  }
0x98: {  	s19 =	sld [smem:$0x3FDB];
	_ =	sdelay $0x1  }
0x99: {  	s4 =	simm.s32 $_scs_section_size  }
0x9a: {  	s5 =	simm.s32 $_size__tile_overlayer_lowered;
	s6 =	simm.s32 $_tile_overlayer_lowered  }
0x9b: {  	s22 =	simm.s32 $0x1BFF;
	s21 =	sshll.u32 s6, $0x1;
	s3 =	sadd.s32 s4, s19  }
0x9c: {  	s7 =	simm.s32 $0x0;
	s20 =	sshll.u32 s5, $0x1;
	s5 =	sadd.s32 s21, s3  }
0x9d: {  	[timem:s7], [sflag:s22] =	dma.local [hbm:s5], s20  }
0x9e: {  	_ =	swait.ge [sflag:s22], s20  }
0x9f: {  	s4 =	ssub.s32 $0x0, s20;
	[sflag:s22] =	ssyncset.done $0x0  }
0xa0: {  	[sflag:s22] =	ssyncadd.s32 s4;
	_ =	sdelay $0x1  }
0xa1: {  	s23 =	simm.s32 $0x1B8B  }
0xa2: {  	_ =	swait.ge [sflag:s23], $0x1  }
0xa3: {  	[sflag:s23] =	ssyncset.done $0x0  }
0xa4: {  	s25 =	simm.s32 $0x1B8E;
	s24 =	sld [smem:$0x3FFE];
	[sflag:s23] =	ssyncadd.s32 $0xFFFFFFFF  }
0xa5: {  	s26 =	simm.s32 $execute0_lowered;
	[smem:$0x3FD2] =	sst s25  }
0xa6: {  	s5 =	sshll.u32 s26, $0x1;
	_ =	strace $0x8000004F;
	[dreg:$0x1] =	wrdreg $0xFFFFFFFF  }
0xa7: {  	s28 =	simm.s32 $_size_execute0_lowered;
	s3 =	sadd.s32 s3, s5;
	[dreg:$0x0] =	wrdreg $0x0  }
0xa8: {  	s5 =	sshll.u32 s28, $0x1;
	[dreg:$0x2] =	wrdreg s3  }
0xa9: {  	[dreg:$0x3] =	wrdreg s5  }
0xaa: {  	[dreg:$0x4] =	wrdreg $0xC0  }
0xab: {  	_ =	task [dreg:s7], $0x5FFFF  }
0xac: {  	[dreg:$0x1] =	wrdreg $0xFFFFFFFF  }
0xad: {  	[dreg:$0x0] =	wrdreg $0x60  }
0xae: {  	[dreg:$0x2] =	wrdreg s24  }
0xaf: {  	[dreg:$0x3] =	wrdreg s2  }
0xb0: {  	[dreg:$0x4] =	wrdreg $0xA8000  }
0xb1: {  	[dreg:$0x5] =	wrdreg $0x9  }
0xb2: {  	_ =	task.clear_ibuf [dreg:s7], $0x6FFFF;
	_ =	strace $0x9000004F  }
0xb3: {  	s29 =	simm.s32 $0x9;
	_ =	strace $0x80000051  }
0xb4: {  	_ =	swait.ge [sflag:s29], $0x1  }
0xb5: {  	[sflag:s29] =	ssyncadd.s32 $0xFFFFFFFF  }
0xb6: {  	_ =	strace $0x90000051  }
0xb7: {  	_ =	sfence  }
0xb8: {  	s30 =	sld [smem:$0x0];
	_ =	sdelay $0x2  }
0xb9: {  	s31 =	sshll.u32 s1, $0xD;
	s1 =	sshrl.u32 s1, $0x2  }
0xba: {  	s3 =	sand.u32 $0x4000, s31;
	s1 =	sadd.s32 s1, s30  }
0xbb: {  	s0 =	sor.u32 s3, s0;
	s1 =	sshll.u32 s1, $0x11  }
0xbc: {  	s0 =	sor.u32 s1, s0  }
0xbd: {  	s0 =	sadd.s32 $0x8F2B, s0  }
0xbe: {  	[sflag:s0] =	ssyncadd.remote.s32 $0x1  }
0xbf: {  	_ =	sfence.sel $0xFFFF  }
0xc0: {  	[dreg:$0x0] =	wrdreg $0xFFFFFFFF;
	(pc) =	sbr.abs _section_cstart, $3  }
0xc1: {  	[dreg:$0x1] =	wrdreg $0xFFFFFFFF  }
0xc2: {  	_ =	task.clear_ibuf [dreg:s7], $0x2FFFF;
	_ =	strace $0x9FFFFFFF  }
0xc3: {  	(tm) =	ssettm $0x7FFFFFFF  }
tec
execute0_lowered:
.L_overlay_start_1:
0x0: {  	(tag) =	ssettag $0x1  }
0x1: {  	s5 =	rddreg [dreg:$0x0]  }
0x2: {  	s11 =	rddreg [dreg:$0x1]  }
0x3: {  	s2 =	rddreg [dreg:$0x2]  }
0x4: {  	s0 =	rddreg [dreg:$0x3];
	s3 =	simm.s32 $0x0;
	s1 =	stileid.u32  }
0x5: {  	s4 =	srdreg.scid;
	s16 =	simm.s32 $0x7D;
	s17 =	simm.s32 $0x2800  }
0x6: {  	s18 =	simm.s32 $0x80;
	s19 =	simm.s32 $0x6800;
	s20 =	simm.s32 $0x1  }
0x7: {  	s21 =	simm.s32 $0x2;
	s22 =	simm.s32 $0x2700;
	s23 =	simm.s32 $0x2780  }
0x8: {  	[smem:$0x7FF] =	sst s3;
	s24 =	smul.u32 $0x2780, s1;
	s6 =	sand.u32 $0x1, s4  }
0x9: {  	s4 =	sadd.s32 $0x48200, s5;
	s12 =	sadd.s32 $0x2A00, s5;
	s8 =	smul.u32 $0x4F000, s1  }
0xa: {  	_ =	strace $0x80000050;
	s7 =	smul.u32 $0x27800, s6;
	s28 =	ssub.s32 $0x2, s6  }
0xb: {  	s6 =	sshll.u32 s6, $0x4;
	s9 =	sadd.s32 s24, s5;
	s29 =	sshrl.u32 s28, $0x1  }
0xc: {  	s8 =	sshrl.u32 s8, $0x2;
	s30 =	sor.u32 s1, s6;
	s6 =	sshll.u32 s1, $0x6  }
0xd: {  	s10 =	sadd.s32 s7, s5;
	s13 =	ssub.s32 s28, s29;
	s14 =	sadd.s32 s8, s2  }
0xe: {  	s5 =	sadd.s32 $0x20A00, s9;
	s15 =	smul.u32 $0x500, s30;
	s7 =	sor.u32 $0x1C03, s6  }
0xf: {  	s25 =	sadd.s32 $0x6FA00, s10;
	s8 =	smax.u32 s13, $0x1;
	s13 =	sshrl.u32 s14, $0x3  }
0x10: {  	s14 =	simm.s32 $0x3;
	s9 =	sadd.s32 s11, s15;
	s10 =	sadd.s32 s12, s15  }
0x11: {  	s31 =	sadd.s32 $0x280, s15;
	s15 =	simm.s32 $0x1400;
	s24 =	sadd.s32 s24, s25  }
0x12: {  	s25 =	simm.s32 $0x0;
	s11 =	sadd.s32 s11, s31;
	s12 =	sadd.s32 s12, s31  }
.LBB2_1:
0x13: {  	[spmem:s13], [sflag:s7] =	dma.local [hbm:s5], $0x2780  }
0x14: {  	_ =	swait.ge [sflag:s14], $0x2780  }
0x15: {  	[sflag:s14] =	ssyncset.done $0x0  }
0x16: {  	[sflag:s14] =	ssyncadd.s32 $0xFFFFD880  }
0x17: {  	[bflag:$0x0] =	sbarrier.arrive $0xFFFF  }
0x18: {  	[tilespmem:s3], [sflag:$0x3] =	stream.linear.gather [hbm4b:s9+s3], $0x1400, $0x38;
	[tilespmem:$0x1E400] =	vst v63  }
0x19: {  	_ =	swait.ge [sflag:s14], $0x1400  }
0x1a: {  	[sflag:s14] =	ssyncset.done $0x0  }
0x1b: {  	[sflag:s14] =	ssyncadd.s32 $0xFFFFEC00  }
0x1c: {  	[tilespmem:s15], [sflag:$0x3] =	stream.linear.gather [hbm4b:s10+s3], $0x1400, $0x38;
	[tilespmem:$0x1E400] =	vst v63  }
0x1d: {  	_ =	swait.ge [sflag:s14], $0x1400  }
0x1e: {  	[sflag:s14] =	ssyncset.done $0x0  }
0x1f: {  	[sflag:s14] =	ssyncadd.s32 $0xFFFFEC00  }
0x20: {  	[tilespmem:s17], [sflag:$0x1] =	stream.indirect.gather [hbm4b:s4+s16], $0x80, s3, s16, $0xb8;
	[tilespmem:$0x1E400] =	vst v63  }
0x21: {  	_ = 	snop  }
0x22: {  	[tilespmem:s19], [sflag:$0x2] =	stream.indirect.gather [hbm4b:s4+s16], $0x80, s18, s16, $0xb8;
	[tilespmem:$0x1E400] =	vst v63  }
0x23: {  	_ =	swait.ge [sflag:s20], $0x3E80  }
0x24: {  	[sflag:s20] =	ssyncset.done $0x0  }
0x25: {  	s26 =	simm.s32 $0x1400;
	[sflag:s20] =	ssyncadd.s32 $0xFFFFC180  }
0x26: {  	[spmem:s2] =	stream.indirect.scatter.add.f32 [tilespmem:s17], [sflag:$0x3], $0x80, s26, s16, $0xb8;
	[tilespmem:$0x1E400] =	vst v63  }
0x27: {  	_ =	swait.ge [sflag:s14], $0x3E80  }
0x28: {  	[sflag:s14] =	ssyncset.done $0x0  }
0x29: {  	s30 =	simm.s32 $0x100;
	[sflag:s14] =	ssyncadd.s32 $0xFFFFC180  }
0x2a: {  	[tilespmem:s17], [sflag:$0x1] =	stream.indirect.gather [hbm4b:s4+s16], $0x80, s30, s16, $0xb8;
	[tilespmem:$0x1E400] =	vst v63  }
0x2b: {  	_ =	swait.ge [sflag:s21], $0x3E80  }
0x2c: {  	[sflag:s21] =	ssyncset.done $0x0  }
0x2d: {  	s31 =	simm.s32 $0x1480;
	[sflag:s21] =	ssyncadd.s32 $0xFFFFC180  }
0x2e: {  	[spmem:s2] =	stream.indirect.scatter.add.f32 [tilespmem:s19], [sflag:$0x3], $0x80, s31, s16, $0xb8;
	[tilespmem:$0x1E400] =	vst v63  }
0x2f: {  	_ =	swait.ge [sflag:s14], $0x3E80  }
0x30: {  	[sflag:s14] =	ssyncset.done $0x0  }
0x31: {  	s28 =	simm.s32 $0x180;
	s26 =	simm.s32 $0x400;
	[sflag:s14] =	ssyncadd.s32 $0xFFFFC180  }
.LBB2_2:
0x32: {  	[tilespmem:s19], [sflag:$0x2] =	stream.indirect.gather [hbm4b:s4+s16], $0x80, s28, s16, $0xb8;
	[tilespmem:$0x1E400] =	vst v63  }
0x33: {  	s28 =	smov.u32 s26  }
0x34: {  	p0 =	sne.s32 s26, $0x4800;
	s26 =	sadd.s32 $0x400, s26;
	_ =	swait.ge [sflag:s20], $0x3E80  }
0x35: {  	s28 =	sshra.s32 s28, $0x2;
	[sflag:s20] =	ssyncset.done $0x0  }
0x36: {  	s29 =	sadd.s32 $0x1400, s28;
	[sflag:s20] =	ssyncadd.s32 $0xFFFFC180  }
0x37: {  	[spmem:s2] =	stream.indirect.scatter.add.f32 [tilespmem:s17], [sflag:$0x3], $0x80, s29, s16, $0xb8;
	[tilespmem:$0x1E400] =	vst v63  }
0x38: {  	_ =	swait.ge [sflag:s14], $0x3E80  }
0x39: {  	[sflag:s14] =	ssyncset.done $0x0  }
0x3a: {  	s29 =	sadd.s32 $0x100, s28;
	[sflag:s14] =	ssyncadd.s32 $0xFFFFC180  }
0x3b: {  	[tilespmem:s17], [sflag:$0x1] =	stream.indirect.gather [hbm4b:s4+s16], $0x80, s29, s16, $0xb8;
	[tilespmem:$0x1E400] =	vst v63  }
0x3c: {  	_ =	swait.ge [sflag:s21], $0x3E80  }
0x3d: {  	[sflag:s21] =	ssyncset.done $0x0  }
.Ltmp0:
0x3e: {  	s29 =	sadd.s32 $0x1480, s28;
	[sflag:s21] =	ssyncadd.s32 $0xFFFFC180;
	(pc) =	sbr.rel @p0 .LBB2_2-.Ltmp0, $4  }
0x3f: {  	[spmem:s2] =	stream.indirect.scatter.add.f32 [tilespmem:s19], [sflag:$0x3], $0x80, s29, s16, $0xb8;
	[tilespmem:$0x1E400] =	vst v63  }
0x40: {  	_ =	swait.ge [sflag:s14], $0x3E80  }
0x41: {  	[sflag:s14] =	ssyncset.done $0x0  }
0x42: {  	s28 =	sadd.s32 $0x180, s28;
	[sflag:s14] =	ssyncadd.s32 $0xFFFFC180  }
0x43: {  	[tilespmem:s19], [sflag:$0x2] =	stream.indirect.gather [hbm4b:s4+s16], $0x80, s28, s16, $0xb8;
	[tilespmem:$0x1E400] =	vst v63  }
0x44: {  	_ =	swait.ge [sflag:s20], $0x3E80  }
0x45: {  	[sflag:s20] =	ssyncset.done $0x0  }
0x46: {  	[sflag:s20] =	ssyncadd.s32 $0xFFFFC180  }
0x47: {  	[spmem:s2] =	stream.indirect.scatter.add.f32 [tilespmem:s17], [sflag:$0x3], $0x80, s22, s16, $0xb8;
	[tilespmem:$0x1E400] =	vst v63  }
0x48: {  	_ =	swait.ge [sflag:s14], $0x3E80  }
0x49: {  	[sflag:s14] =	ssyncset.done $0x0  }
0x4a: {  	[sflag:s14] =	ssyncadd.s32 $0xFFFFC180  }
0x4b: {  	_ =	swait.ge [sflag:s21], $0x3E80  }
0x4c: {  	[sflag:s21] =	ssyncset.done $0x0  }
0x4d: {  	[sflag:s21] =	ssyncadd.s32 $0xFFFFC180  }
0x4e: {  	[spmem:s2] =	stream.indirect.scatter.add.f32 [tilespmem:s19], [sflag:$0x3], $0x80, s23, s16, $0xb8;
	[tilespmem:$0x1E400] =	vst v63  }
0x4f: {  	_ =	swait.ge [sflag:s14], $0x3E80  }
0x50: {  	[sflag:s14] =	ssyncset.done $0x0  }
0x51: {  	s26 =	simm.s32 $0x0;
	[sflag:s14] =	ssyncadd.s32 $0xFFFFC180  }
0x52: {  	[tilespmem:s26], [sflag:$0x3] =	stream.linear.gather [hbm4b:s11+s26], $0x1400, $0x38;
	[tilespmem:$0x1E400] =	vst v63  }
0x53: {  	_ =	swait.ge [sflag:s14], $0x1400  }
0x54: {  	[sflag:s14] =	ssyncset.done $0x0  }
0x55: {  	[sflag:s14] =	ssyncadd.s32 $0xFFFFEC00  }
0x56: {  	[tilespmem:s15], [sflag:$0x3] =	stream.linear.gather [hbm4b:s12+s26], $0x1400, $0x38;
	[tilespmem:$0x1E400] =	vst v63  }
0x57: {  	_ =	swait.ge [sflag:s14], $0x1400  }
0x58: {  	[sflag:s14] =	ssyncset.done $0x0  }
0x59: {  	[sflag:s14] =	ssyncadd.s32 $0xFFFFEC00  }
0x5a: {  	[tilespmem:s17], [sflag:$0x1] =	stream.indirect.gather [hbm4b:s4+s16], $0x80, s26, s16, $0xb8;
	[tilespmem:$0x1E400] =	vst v63  }
0x5b: {  	_ = 	snop  }
0x5c: {  	[tilespmem:s19], [sflag:$0x2] =	stream.indirect.gather [hbm4b:s4+s16], $0x80, s18, s16, $0xb8;
	[tilespmem:$0x1E400] =	vst v63  }
0x5d: {  	_ =	swait.ge [sflag:s20], $0x3E80  }
0x5e: {  	[sflag:s20] =	ssyncset.done $0x0  }
0x5f: {  	s29 =	simm.s32 $0x1400;
	[sflag:s20] =	ssyncadd.s32 $0xFFFFC180  }
0x60: {  	[spmem:s2] =	stream.indirect.scatter.add.f32 [tilespmem:s17], [sflag:$0x3], $0x80, s29, s16, $0xb8;
	[tilespmem:$0x1E400] =	vst v63  }
0x61: {  	_ =	swait.ge [sflag:s14], $0x3E80  }
0x62: {  	[sflag:s14] =	ssyncset.done $0x0  }
0x63: {  	s30 =	simm.s32 $0x100;
	[sflag:s14] =	ssyncadd.s32 $0xFFFFC180  }
0x64: {  	[tilespmem:s17], [sflag:$0x1] =	stream.indirect.gather [hbm4b:s4+s16], $0x80, s30, s16, $0xb8;
	[tilespmem:$0x1E400] =	vst v63  }
0x65: {  	_ =	swait.ge [sflag:s21], $0x3E80  }
0x66: {  	[sflag:s21] =	ssyncset.done $0x0  }
0x67: {  	s31 =	simm.s32 $0x1480;
	[sflag:s21] =	ssyncadd.s32 $0xFFFFC180  }
0x68: {  	[spmem:s2] =	stream.indirect.scatter.add.f32 [tilespmem:s19], [sflag:$0x3], $0x80, s31, s16, $0xb8;
	[tilespmem:$0x1E400] =	vst v63  }
0x69: {  	_ =	swait.ge [sflag:s14], $0x3E80  }
0x6a: {  	[sflag:s14] =	ssyncset.done $0x0  }
0x6b: {  	s28 =	simm.s32 $0x180;
	s26 =	simm.s32 $0x400;
	[sflag:s14] =	ssyncadd.s32 $0xFFFFC180  }
.LBB2_4:
0x6c: {  	[tilespmem:s19], [sflag:$0x2] =	stream.indirect.gather [hbm4b:s4+s16], $0x80, s28, s16, $0xb8;
	[tilespmem:$0x1E400] =	vst v63  }
0x6d: {  	s28 =	smov.u32 s26  }
0x6e: {  	p0 =	sne.s32 s26, $0x4800;
	s26 =	sadd.s32 $0x400, s26;
	_ =	swait.ge [sflag:s20], $0x3E80  }
0x6f: {  	s28 =	sshra.s32 s28, $0x2;
	[sflag:s20] =	ssyncset.done $0x0  }
0x70: {  	s29 =	sadd.s32 $0x1400, s28;
	[sflag:s20] =	ssyncadd.s32 $0xFFFFC180  }
0x71: {  	[spmem:s2] =	stream.indirect.scatter.add.f32 [tilespmem:s17], [sflag:$0x3], $0x80, s29, s16, $0xb8;
	[tilespmem:$0x1E400] =	vst v63  }
0x72: {  	_ =	swait.ge [sflag:s14], $0x3E80  }
0x73: {  	[sflag:s14] =	ssyncset.done $0x0  }
0x74: {  	s29 =	sadd.s32 $0x100, s28;
	[sflag:s14] =	ssyncadd.s32 $0xFFFFC180  }
0x75: {  	[tilespmem:s17], [sflag:$0x1] =	stream.indirect.gather [hbm4b:s4+s16], $0x80, s29, s16, $0xb8;
	[tilespmem:$0x1E400] =	vst v63  }
0x76: {  	_ =	swait.ge [sflag:s21], $0x3E80  }
0x77: {  	[sflag:s21] =	ssyncset.done $0x0  }
.Ltmp1:
0x78: {  	s29 =	sadd.s32 $0x1480, s28;
	[sflag:s21] =	ssyncadd.s32 $0xFFFFC180;
	(pc) =	sbr.rel @p0 .LBB2_4-.Ltmp1, $4  }
0x79: {  	[spmem:s2] =	stream.indirect.scatter.add.f32 [tilespmem:s19], [sflag:$0x3], $0x80, s29, s16, $0xb8;
	[tilespmem:$0x1E400] =	vst v63  }
0x7a: {  	_ =	swait.ge [sflag:s14], $0x3E80  }
0x7b: {  	[sflag:s14] =	ssyncset.done $0x0  }
0x7c: {  	s28 =	sadd.s32 $0x180, s28;
	[sflag:s14] =	ssyncadd.s32 $0xFFFFC180  }
0x7d: {  	[tilespmem:s19], [sflag:$0x2] =	stream.indirect.gather [hbm4b:s4+s16], $0x80, s28, s16, $0xb8;
	[tilespmem:$0x1E400] =	vst v63  }
0x7e: {  	_ =	swait.ge [sflag:s20], $0x3E80  }
0x7f: {  	[sflag:s20] =	ssyncset.done $0x0  }
0x80: {  	[sflag:s20] =	ssyncadd.s32 $0xFFFFC180  }
0x81: {  	[spmem:s2] =	stream.indirect.scatter.add.f32 [tilespmem:s17], [sflag:$0x3], $0x80, s22, s16, $0xb8;
	[tilespmem:$0x1E400] =	vst v63  }
0x82: {  	_ =	swait.ge [sflag:s14], $0x3E80  }
0x83: {  	[sflag:s14] =	ssyncset.done $0x0  }
0x84: {  	[sflag:s14] =	ssyncadd.s32 $0xFFFFC180  }
0x85: {  	_ =	swait.ge [sflag:s21], $0x3E80  }
0x86: {  	[sflag:s21] =	ssyncset.done $0x0  }
0x87: {  	[sflag:s21] =	ssyncadd.s32 $0xFFFFC180  }
0x88: {  	[spmem:s2] =	stream.indirect.scatter.add.f32 [tilespmem:s19], [sflag:$0x3], $0x80, s23, s16, $0xb8;
	[tilespmem:$0x1E400] =	vst v63  }
0x89: {  	_ =	swait.ge [sflag:s14], $0x3E80  }
0x8a: {  	s25 =	sadd.s32 $0x1, s25;
	[sflag:s14] =	ssyncset.done $0x0  }
0x8b: {  	p0 =	sne.s32 s25, s8;
	[sflag:s14] =	ssyncadd.s32 $0xFFFFC180  }
.Ltmp2:
0x8c: {  	s26 =	sor.u32 $0x1C01, s6;
	[bflag:$0x0] =	sbarrier.arrive $0xFFFF;
	(pc) =	sbr.rel @p0 .LBB2_1-.Ltmp2, $4  }
0x8d: {  	[hbm:s24], [sflag:s26] =	dma.local [spmem:s13], $0x2780  }
0x8e: {  	_ =	swait.ge [sflag:s20], $0x2780  }
0x8f: {  	[sflag:s20] =	ssyncset.done $0x0  }
0x90: {  	[sflag:s20] =	ssyncadd.s32 $0xFFFFD880  }
0x91: {  	_ =	sfence.sel $0x180000  }
0x92: {  	[bflag:$0x0] =	sbarrier.arrive $0xFFFF  }
0x93: {  	p0 =	sne.s32 s1, $0x0;
	_ =	strace $0x90000050  }
0x94: {  	s0 =	sadd.s32 @!p0 $0x100000, s0;
	[bflag:$0x2] =	sbarrier.arrive $0xFFFF  }
0x95: {  	[sflag:s0] =	ssyncadd.tile.s32 @!p0 $0x1;
	_ =	shalt  }
.Lfunc_end2:
_tile_overlayer_lowered:
.L_overlay_start_2:
0x96: {  	(tag) =	ssettag $0x2  }
0x97: {  	s0 =	rddreg [dreg:$0x0];
	s2 =	stileid.u32  }
0x98: {  	s1 =	rddreg [dreg:$0x1];
	p0 =	sne.s32 s2, $0x0  }
0x99: {  	s3 =	rddreg [dreg:$0x2];
	[bflag:$0x3] =	sbarrier.arrive $0xFFFF;
	s2 =	simm.s32 @!p0 $0x1C03  }
0x9a: {  	[timem:s3], [sflag:s2] =	dma.local @!p0 [hbm:s0], s1  }
0x9b: {  	s0 =	simm.s32 @!p0 $0x3  }
0x9c: {  	_ =	swait.ge @!p0 [sflag:s0], s1  }
0x9d: {  	s1 =	ssub.s32 @!p0 $0x0, s1;
	[sflag:s0] =	ssyncset.done @!p0 $0x0  }
0x9e: {  	[sflag:s0] =	ssyncadd.s32 @!p0 s1  }
0x9f: {  	[bflag:$0x3] =	sbarrier.arrive $0xFFFF  }
0xa0: {  	_ =	shalt  }

</sc_bundles>
